<compile_context>
chip_gen: v7x
topology: tpu7x:2x2x1
jax: 0.10.2.dev20260603
libtpu: 0.0.44.dev20260713+nightly
codegen_flags: <defaults>
</compile_context>

<pallas_src>
import functools

import jax
import jax.numpy as jnp
from jax import lax
from jax.experimental import pallas as pl
from jax.experimental.pallas import tpu as pltpu
from jax.experimental.pallas import tpu_sc as plsc

_VOCAB = 100000
_HIDDEN = 2048
_PLE_DIM = 256
_LAYER_IDX = 3
_COL0 = _LAYER_IDX * _PLE_DIM
_HALF = 128
_NC = 2
_NS = 16
_NW = _NC * _NS
_HPAD = 56
_EPC = 4


@functools.lru_cache(maxsize=None)
def _make_gather(batch, hist):
    assert batch % (_NW * _EPC) == 0
    b_per_w = batch // _NW
    n_idx = b_per_w * _HPAD
    n_chunks = b_per_w // _EPC
    mesh = plsc.VectorSubcoreMesh(core_axis_name="c", subcore_axis_name="s")

    @functools.partial(
        pl.kernel,
        out_type=jax.ShapeDtypeStruct((batch, hist, _PLE_DIM), jnp.float32),
        mesh=mesh,
        scratch_types=[
            pltpu.VMEM((n_idx,), jnp.int32),
            pltpu.VMEM((_EPC, hist, _PLE_DIM), jnp.float32),
            pltpu.VMEM((_EPC, hist, _PLE_DIM), jnp.float32),
            pltpu.SemaphoreType.DMA,
            pltpu.SemaphoreType.DMA,
            pltpu.SemaphoreType.DMA,
            pltpu.SemaphoreType.DMA,
        ],
    )
    def k(tab_hbm, idx_hbm, out_hbm, idx_v, buf0, buf1, gs0, gs1, ws0, ws1):
        wid = lax.axis_index("s") * _NC + lax.axis_index("c")
        base = wid * b_per_w
        pltpu.sync_copy(idx_hbm.at[pl.ds(wid * n_idx, n_idx)], idx_v)

        bufs = (buf0, buf1)
        gsems = (gs0, gs1)
        wsems = (ws0, ws1)

        def gather(c, b):
            for e in range(_EPC):
                idx_c = idx_v.at[pl.ds((c * _EPC + e) * _HPAD, hist)]
                pltpu.async_copy(
                    tab_hbm.at[idx_c, pl.ds(_COL0, _HALF)],
                    bufs[b].at[e, :, pl.ds(0, _HALF)], gsems[b])
                pltpu.async_copy(
                    tab_hbm.at[idx_c, pl.ds(_COL0 + _HALF, _HALF)],
                    bufs[b].at[e, :, pl.ds(_HALF, _HALF)], gsems[b])

        def write(c, b):
            pltpu.async_copy(
                bufs[b], out_hbm.at[pl.ds(base + c * _EPC, _EPC)], wsems[b])

        def wait_g(b):
            idx_c = idx_v.at[pl.ds(0, hist)]
            for e in range(_EPC):
                pltpu.make_async_copy(
                    tab_hbm.at[idx_c, pl.ds(_COL0, _HALF)],
                    bufs[b].at[e, :, pl.ds(0, _HALF)], gsems[b]).wait()
                pltpu.make_async_copy(
                    tab_hbm.at[idx_c, pl.ds(_COL0 + _HALF, _HALF)],
                    bufs[b].at[e, :, pl.ds(_HALF, _HALF)], gsems[b]).wait()

        def wait_w(b):
            pltpu.make_async_copy(
                bufs[b], out_hbm.at[pl.ds(base, _EPC)], wsems[b]).wait()

        gather(0, 0)
        gather(1, 1)

        def body(i, _):
            for b in range(2):
                c = 2 * i + b
                wait_g(b)
                write(c, b)
                wait_w(b)
                gather(c + 2, b)
            return 0

        lax.fori_loop(0, n_chunks // 2 - 1, body, 0)

        for b in range(2):
            c = n_chunks - 2 + b
            wait_g(b)
            write(c, b)
        wait_w(0)
        wait_w(1)

    return k


def kernel(input_ids, table):
    batch, hist = input_ids.shape
    ids = jnp.pad(input_ids.astype(jnp.int32),
                  ((0, 0), (0, _HPAD - hist))).reshape(batch * _HPAD)
    return _make_gather(batch, hist)(table, ids)

# --- scband reference (transcript-rebuilt; emitter-appended) ---
"""Pipeline reference for scband-vnnplelayer-90855738179665 (READ-ONLY COPY).

The authoritative reference and input builder live on the scoring server;
editing this copy changes nothing except your own understanding.
"""

import jax, jax.numpy as jnp
import numpy as np

VOCAB = 100000
HIDDEN_SIZE = 2048
PLE_DIM = 256
LAYER_IDX = 3
BATCH = 4096
HIST_LEN = 50


def setup_inputs(seed: int = 0) -> dict:
    key = jax.random.key(seed)
    k_idx, k_tab = jax.random.split(key)
    input_ids = jax.random.randint(k_idx, (BATCH, HIST_LEN), 0, VOCAB, dtype=jnp.int64) if jax.config.jax_enable_x64 else jax.random.randint(k_idx, (BATCH, HIST_LEN), 0, VOCAB, dtype=jnp.int32)
    table = jax.random.normal(k_tab, (VOCAB, HIDDEN_SIZE), dtype=jnp.float32)
    return {"input_ids": input_ids, "table": table}


def reference(input_ids, table):
    # Faithful translation of VNNPLELayer.forward:
    #   full_ple_np[indices, start:end]  ->  row-gather of a column slice
    start = LAYER_IDX * PLE_DIM
    sliced = jax.lax.slice_in_dim(table, start, start + PLE_DIM, axis=1)
    out = jnp.take(sliced, input_ids, axis=0)
    return out.astype(jnp.float32)

if __name__ == "__main__":
    import jax
    _d = setup_inputs()
    print(jax.jit(kernel)(*tuple(_d.values())))

</pallas_src>

<mosaic_0001>
#map = affine_map<(d0, d1) -> (0, 0)>
#map1 = affine_map<(d0, d1) -> (0)>
#map2 = affine_map<(d0, d1) -> (0, 0, 0)>
module attributes {stable_mosaic.version = 14 : i64} {
  func.func @k(%arg0: i32, %arg1: i32, %arg2: memref<100000x2048xf32, #tpu.memory_space<hbm>>, %arg3: memref<229376xi32, #tpu.memory_space<hbm>>, %arg4: memref<4096x50x256xf32, #tpu.memory_space<hbm>>, %arg5: memref<7168xi32, #tpu.memory_space<vmem>>, %arg6: memref<4x50x256xf32, #tpu.memory_space<vmem>>, %arg7: memref<4x50x256xf32, #tpu.memory_space<vmem>>, %arg8: memref<!tpu.dma_semaphore, #tpu.memory_space<semaphore_mem>>, %arg9: memref<!tpu.dma_semaphore, #tpu.memory_space<semaphore_mem>>, %arg10: memref<!tpu.dma_semaphore, #tpu.memory_space<semaphore_mem>>, %arg11: memref<!tpu.dma_semaphore, #tpu.memory_space<semaphore_mem>>) attributes {dimension_semantics = [#tpu.dimension_semantics<core_parallel>, #tpu.dimension_semantics<subcore_parallel>], iteration_bounds = array<i64: 2, 16>, scalar_prefetch = 0 : i64, scratch_operands = 7 : i64, tpu.core_type = #tpu.core_type<sc_vector_subcore>, window_params = [{transform_indices = #map}, {transform_indices = #map1}, {transform_indices = #map2}]} {
    %mul3A = arith.constant 2 : i32
    %mul3A_0 = arith.muli %arg1, %mul3A : i32
    %add3A = arith.addi %mul3A_0, %arg0 : i32
    %mul3A_1 = arith.constant 128 : i32
    %mul3A_2 = arith.muli %add3A, %mul3A_1 : i32
    %mul3A_3 = arith.constant 7168 : i32
    %mul3A_4 = arith.muli %add3A, %mul3A_3 : i32
    "tpu.region"() ({
      %run_scoped3A = tpu.sem_alloc : memref<!tpu.dma_semaphore, #tpu.memory_space<semaphore_mem>>
      %dma_start3A_357 = tpu.memref_slice %arg3[%mul3A_4] : memref<229376xi32, #tpu.memory_space<hbm>> -> memref<7168xi32, #tpu.memory_space<hbm>>
      %dma_start3A_358 = tpu.memref_slice %arg3[%mul3A_4] : memref<229376xi32, #tpu.memory_space<hbm>> -> memref<7168xi32, #tpu.memory_space<hbm>>
      tpu.enqueue_dma source(%dma_start3A_358 : memref<7168xi32, #tpu.memory_space<hbm>>) target(%arg5 : memref<7168xi32, #tpu.memory_space<vmem>>) target_semaphore(%run_scoped3A : memref<!tpu.dma_semaphore, #tpu.memory_space<semaphore_mem>>)
      %dma_wait3A_359 = tpu.memref_slice %arg3[%mul3A_4] : memref<229376xi32, #tpu.memory_space<hbm>> -> memref<7168xi32, #tpu.memory_space<hbm>>
      %dma_wait3A_360 = tpu.memref_slice %arg3[%mul3A_4] : memref<229376xi32, #tpu.memory_space<hbm>> -> memref<7168xi32, #tpu.memory_space<hbm>>
      tpu.wait_dma2 semaphore(%run_scoped3A : memref<!tpu.dma_semaphore, #tpu.memory_space<semaphore_mem>>) src(%dma_wait3A_360 : memref<7168xi32, #tpu.memory_space<hbm>>) dst(%arg5 : memref<7168xi32, #tpu.memory_space<vmem>>)
      tpu.yield
    }) : () -> ()
    %dma_start3A = arith.constant 0 : i32
    %dma_start3A_5 = arith.constant 0 : i32
    %dma_start3A_6 = arith.constant 0 : i32
    %dma_start3A_7 = tpu.memref_slice %arg6[%dma_start3A, %dma_start3A_5, %dma_start3A_6] : memref<4x50x256xf32, #tpu.memory_space<vmem>> -> memref<1x50x128xf32, #tpu.memory_space<vmem>>
    %dma_start3A_8 = tpu.memref_squeeze %dma_start3A_7 : memref<1x50x128xf32, #tpu.memory_space<vmem>> -> memref<50x128xf32, #tpu.memory_space<vmem>>
    %dma_start3A_9 = arith.constant 0 : i32
    %dma_start3A_10 = tpu.memref_slice %arg5[%dma_start3A_9] : memref<7168xi32, #tpu.memory_space<vmem>> -> memref<50xi32, #tpu.memory_space<vmem>>
    %dma_start3A_11 = arith.constant 0 : i32
    %dma_start3A_12 = arith.constant 768 : i32
    %dma_start3A_13 = tpu.memref_slice %arg2[%dma_start3A_11, %dma_start3A_12] : memref<100000x2048xf32, #tpu.memory_space<hbm>> -> memref<100000x128xf32, #tpu.memory_space<hbm>>
    tpu.enqueue_indirect_dma source(%dma_start3A_13 : memref<100000x128xf32, #tpu.memory_space<hbm>>) target(%dma_start3A_8 : memref<50x128xf32, #tpu.memory_space<vmem>>) offsets(%dma_start3A_10 : memref<50xi32, #tpu.memory_space<vmem>>) semaphore(%arg8 : memref<!tpu.dma_semaphore, #tpu.memory_space<semaphore_mem>>)
    %dma_start3A_14 = arith.constant 0 : i32
    %dma_start3A_15 = arith.constant 0 : i32
    %dma_start3A_16 = arith.constant 128 : i32
    %dma_start3A_17 = tpu.memref_slice %arg6[%dma_start3A_14, %dma_start3A_15, %dma_start3A_16] : memref<4x50x256xf32, #tpu.memory_space<vmem>> -> memref<1x50x128xf32, #tpu.memory_space<vmem>>
    %dma_start3A_18 = tpu.memref_squeeze %dma_start3A_17 : memref<1x50x128xf32, #tpu.memory_space<vmem>> -> memref<50x128xf32, #tpu.memory_space<vmem>>
    %dma_start3A_19 = arith.constant 0 : i32
    %dma_start3A_20 = tpu.memref_slice %arg5[%dma_start3A_19] : memref<7168xi32, #tpu.memory_space<vmem>> -> memref<50xi32, #tpu.memory_space<vmem>>
    %dma_start3A_21 = arith.constant 0 : i32
    %dma_start3A_22 = arith.constant 896 : i32
    %dma_start3A_23 = tpu.memref_slice %arg2[%dma_start3A_21, %dma_start3A_22] : memref<100000x2048xf32, #tpu.memory_space<hbm>> -> memref<100000x128xf32, #tpu.memory_space<hbm>>
    tpu.enqueue_indirect_dma source(%dma_start3A_23 : memref<100000x128xf32, #tpu.memory_space<hbm>>) target(%dma_start3A_18 : memref<50x128xf32, #tpu.memory_space<vmem>>) offsets(%dma_start3A_20 : memref<50xi32, #tpu.memory_space<vmem>>) semaphore(%arg8 : memref<!tpu.dma_semaphore, #tpu.memory_space<semaphore_mem>>)
    %dma_start3A_24 = arith.constant 1 : i32
    %dma_start3A_25 = arith.constant 0 : i32
    %dma_start3A_26 = arith.constant 0 : i32
    %dma_start3A_27 = tpu.memref_slice %arg6[%dma_start3A_24, %dma_start3A_25, %dma_start3A_26] : memref<4x50x256xf32, #tpu.memory_space<vmem>> -> memref<1x50x128xf32, #tpu.memory_space<vmem>>
    %dma_start3A_28 = tpu.memref_squeeze %dma_start3A_27 : memref<1x50x128xf32, #tpu.memory_space<vmem>> -> memref<50x128xf32, #tpu.memory_space<vmem>>
    %dma_start3A_29 = arith.constant 56 : i32
    %dma_start3A_30 = tpu.memref_slice %arg5[%dma_start3A_29] : memref<7168xi32, #tpu.memory_space<vmem>> -> memref<50xi32, #tpu.memory_space<vmem>>
    %dma_start3A_31 = arith.constant 0 : i32
    %dma_start3A_32 = arith.constant 768 : i32
    %dma_start3A_33 = tpu.memref_slice %arg2[%dma_start3A_31, %dma_start3A_32] : memref<100000x2048xf32, #tpu.memory_space<hbm>> -> memref<100000x128xf32, #tpu.memory_space<hbm>>
    tpu.enqueue_indirect_dma source(%dma_start3A_33 : memref<100000x128xf32, #tpu.memory_space<hbm>>) target(%dma_start3A_28 : memref<50x128xf32, #tpu.memory_space<vmem>>) offsets(%dma_start3A_30 : memref<50xi32, #tpu.memory_space<vmem>>) semaphore(%arg8 : memref<!tpu.dma_semaphore, #tpu.memory_space<semaphore_mem>>)
    %dma_start3A_34 = arith.constant 1 : i32
    %dma_start3A_35 = arith.constant 0 : i32
    %dma_start3A_36 = arith.constant 128 : i32
    %dma_start3A_37 = tpu.memref_slice %arg6[%dma_start3A_34, %dma_start3A_35, %dma_start3A_36] : memref<4x50x256xf32, #tpu.memory_space<vmem>> -> memref<1x50x128xf32, #tpu.memory_space<vmem>>
    %dma_start3A_38 = tpu.memref_squeeze %dma_start3A_37 : memref<1x50x128xf32, #tpu.memory_space<vmem>> -> memref<50x128xf32, #tpu.memory_space<vmem>>
    %dma_start3A_39 = arith.constant 56 : i32
    %dma_start3A_40 = tpu.memref_slice %arg5[%dma_start3A_39] : memref<7168xi32, #tpu.memory_space<vmem>> -> memref<50xi32, #tpu.memory_space<vmem>>
    %dma_start3A_41 = arith.constant 0 : i32
    %dma_start3A_42 = arith.constant 896 : i32
    %dma_start3A_43 = tpu.memref_slice %arg2[%dma_start3A_41, %dma_start3A_42] : memref<100000x2048xf32, #tpu.memory_space<hbm>> -> memref<100000x128xf32, #tpu.memory_space<hbm>>
    tpu.enqueue_indirect_dma source(%dma_start3A_43 : memref<100000x128xf32, #tpu.memory_space<hbm>>) target(%dma_start3A_38 : memref<50x128xf32, #tpu.memory_space<vmem>>) offsets(%dma_start3A_40 : memref<50xi32, #tpu.memory_space<vmem>>) semaphore(%arg8 : memref<!tpu.dma_semaphore, #tpu.memory_space<semaphore_mem>>)
    %dma_start3A_44 = arith.constant 2 : i32
    %dma_start3A_45 = arith.constant 0 : i32
    %dma_start3A_46 = arith.constant 0 : i32
    %dma_start3A_47 = tpu.memref_slice %arg6[%dma_start3A_44, %dma_start3A_45, %dma_start3A_46] : memref<4x50x256xf32, #tpu.memory_space<vmem>> -> memref<1x50x128xf32, #tpu.memory_space<vmem>>
    %dma_start3A_48 = tpu.memref_squeeze %dma_start3A_47 : memref<1x50x128xf32, #tpu.memory_space<vmem>> -> memref<50x128xf32, #tpu.memory_space<vmem>>
    %dma_start3A_49 = arith.constant 112 : i32
    %dma_start3A_50 = tpu.memref_slice %arg5[%dma_start3A_49] : memref<7168xi32, #tpu.memory_space<vmem>> -> memref<50xi32, #tpu.memory_space<vmem>>
    %dma_start3A_51 = arith.constant 0 : i32
    %dma_start3A_52 = arith.constant 768 : i32
    %dma_start3A_53 = tpu.memref_slice %arg2[%dma_start3A_51, %dma_start3A_52] : memref<100000x2048xf32, #tpu.memory_space<hbm>> -> memref<100000x128xf32, #tpu.memory_space<hbm>>
    tpu.enqueue_indirect_dma source(%dma_start3A_53 : memref<100000x128xf32, #tpu.memory_space<hbm>>) target(%dma_start3A_48 : memref<50x128xf32, #tpu.memory_space<vmem>>) offsets(%dma_start3A_50 : memref<50xi32, #tpu.memory_space<vmem>>) semaphore(%arg8 : memref<!tpu.dma_semaphore, #tpu.memory_space<semaphore_mem>>)
    %dma_start3A_54 = arith.constant 2 : i32
    %dma_start3A_55 = arith.constant 0 : i32
    %dma_start3A_56 = arith.constant 128 : i32
    %dma_start3A_57 = tpu.memref_slice %arg6[%dma_start3A_54, %dma_start3A_55, %dma_start3A_56] : memref<4x50x256xf32, #tpu.memory_space<vmem>> -> memref<1x50x128xf32, #tpu.memory_space<vmem>>
    %dma_start3A_58 = tpu.memref_squeeze %dma_start3A_57 : memref<1x50x128xf32, #tpu.memory_space<vmem>> -> memref<50x128xf32, #tpu.memory_space<vmem>>
    %dma_start3A_59 = arith.constant 112 : i32
    %dma_start3A_60 = tpu.memref_slice %arg5[%dma_start3A_59] : memref<7168xi32, #tpu.memory_space<vmem>> -> memref<50xi32, #tpu.memory_space<vmem>>
    %dma_start3A_61 = arith.constant 0 : i32
    %dma_start3A_62 = arith.constant 896 : i32
    %dma_start3A_63 = tpu.memref_slice %arg2[%dma_start3A_61, %dma_start3A_62] : memref<100000x2048xf32, #tpu.memory_space<hbm>> -> memref<100000x128xf32, #tpu.memory_space<hbm>>
    tpu.enqueue_indirect_dma source(%dma_start3A_63 : memref<100000x128xf32, #tpu.memory_space<hbm>>) target(%dma_start3A_58 : memref<50x128xf32, #tpu.memory_space<vmem>>) offsets(%dma_start3A_60 : memref<50xi32, #tpu.memory_space<vmem>>) semaphore(%arg8 : memref<!tpu.dma_semaphore, #tpu.memory_space<semaphore_mem>>)
    %dma_start3A_64 = arith.constant 3 : i32
    %dma_start3A_65 = arith.constant 0 : i32
    %dma_start3A_66 = arith.constant 0 : i32
    %dma_start3A_67 = tpu.memref_slice %arg6[%dma_start3A_64, %dma_start3A_65, %dma_start3A_66] : memref<4x50x256xf32, #tpu.memory_space<vmem>> -> memref<1x50x128xf32, #tpu.memory_space<vmem>>
    %dma_start3A_68 = tpu.memref_squeeze %dma_start3A_67 : memref<1x50x128xf32, #tpu.memory_space<vmem>> -> memref<50x128xf32, #tpu.memory_space<vmem>>
    %dma_start3A_69 = arith.constant 168 : i32
    %dma_start3A_70 = tpu.memref_slice %arg5[%dma_start3A_69] : memref<7168xi32, #tpu.memory_space<vmem>> -> memref<50xi32, #tpu.memory_space<vmem>>
    %dma_start3A_71 = arith.constant 0 : i32
    %dma_start3A_72 = arith.constant 768 : i32
    %dma_start3A_73 = tpu.memref_slice %arg2[%dma_start3A_71, %dma_start3A_72] : memref<100000x2048xf32, #tpu.memory_space<hbm>> -> memref<100000x128xf32, #tpu.memory_space<hbm>>
    tpu.enqueue_indirect_dma source(%dma_start3A_73 : memref<100000x128xf32, #tpu.memory_space<hbm>>) target(%dma_start3A_68 : memref<50x128xf32, #tpu.memory_space<vmem>>) offsets(%dma_start3A_70 : memref<50xi32, #tpu.memory_space<vmem>>) semaphore(%arg8 : memref<!tpu.dma_semaphore, #tpu.memory_space<semaphore_mem>>)
    %dma_start3A_74 = arith.constant 3 : i32
    %dma_start3A_75 = arith.constant 0 : i32
    %dma_start3A_76 = arith.constant 128 : i32
    %dma_start3A_77 = tpu.memref_slice %arg6[%dma_start3A_74, %dma_start3A_75, %dma_start3A_76] : memref<4x50x256xf32, #tpu.memory_space<vmem>> -> memref<1x50x128xf32, #tpu.memory_space<vmem>>
    %dma_start3A_78 = tpu.memref_squeeze %dma_start3A_77 : memref<1x50x128xf32, #tpu.memory_space<vmem>> -> memref<50x128xf32, #tpu.memory_space<vmem>>
    %dma_start3A_79 = arith.constant 168 : i32
    %dma_start3A_80 = tpu.memref_slice %arg5[%dma_start3A_79] : memref<7168xi32, #tpu.memory_space<vmem>> -> memref<50xi32, #tpu.memory_space<vmem>>
    %dma_start3A_81 = arith.constant 0 : i32
    %dma_start3A_82 = arith.constant 896 : i32
    %dma_start3A_83 = tpu.memref_slice %arg2[%dma_start3A_81, %dma_start3A_82] : memref<100000x2048xf32, #tpu.memory_space<hbm>> -> memref<100000x128xf32, #tpu.memory_space<hbm>>
    tpu.enqueue_indirect_dma source(%dma_start3A_83 : memref<100000x128xf32, #tpu.memory_space<hbm>>) target(%dma_start3A_78 : memref<50x128xf32, #tpu.memory_space<vmem>>) offsets(%dma_start3A_80 : memref<50xi32, #tpu.memory_space<vmem>>) semaphore(%arg8 : memref<!tpu.dma_semaphore, #tpu.memory_space<semaphore_mem>>)
    %dma_start3A_84 = arith.constant 0 : i32
    %dma_start3A_85 = arith.constant 0 : i32
    %dma_start3A_86 = arith.constant 0 : i32
    %dma_start3A_87 = tpu.memref_slice %arg7[%dma_start3A_84, %dma_start3A_85, %dma_start3A_86] : memref<4x50x256xf32, #tpu.memory_space<vmem>> -> memref<1x50x128xf32, #tpu.memory_space<vmem>>
    %dma_start3A_88 = tpu.memref_squeeze %dma_start3A_87 : memref<1x50x128xf32, #tpu.memory_space<vmem>> -> memref<50x128xf32, #tpu.memory_space<vmem>>
    %dma_start3A_89 = arith.constant 224 : i32
    %dma_start3A_90 = tpu.memref_slice %arg5[%dma_start3A_89] : memref<7168xi32, #tpu.memory_space<vmem>> -> memref<50xi32, #tpu.memory_space<vmem>>
    %dma_start3A_91 = arith.constant 0 : i32
    %dma_start3A_92 = arith.constant 768 : i32
    %dma_start3A_93 = tpu.memref_slice %arg2[%dma_start3A_91, %dma_start3A_92] : memref<100000x2048xf32, #tpu.memory_space<hbm>> -> memref<100000x128xf32, #tpu.memory_space<hbm>>
    tpu.enqueue_indirect_dma source(%dma_start3A_93 : memref<100000x128xf32, #tpu.memory_space<hbm>>) target(%dma_start3A_88 : memref<50x128xf32, #tpu.memory_space<vmem>>) offsets(%dma_start3A_90 : memref<50xi32, #tpu.memory_space<vmem>>) semaphore(%arg9 : memref<!tpu.dma_semaphore, #tpu.memory_space<semaphore_mem>>)
    %dma_start3A_94 = arith.constant 0 : i32
    %dma_start3A_95 = arith.constant 0 : i32
    %dma_start3A_96 = arith.constant 128 : i32
    %dma_start3A_97 = tpu.memref_slice %arg7[%dma_start3A_94, %dma_start3A_95, %dma_start3A_96] : memref<4x50x256xf32, #tpu.memory_space<vmem>> -> memref<1x50x128xf32, #tpu.memory_space<vmem>>
    %dma_start3A_98 = tpu.memref_squeeze %dma_start3A_97 : memref<1x50x128xf32, #tpu.memory_space<vmem>> -> memref<50x128xf32, #tpu.memory_space<vmem>>
    %dma_start3A_99 = arith.constant 224 : i32
    %dma_start3A_100 = tpu.memref_slice %arg5[%dma_start3A_99] : memref<7168xi32, #tpu.memory_space<vmem>> -> memref<50xi32, #tpu.memory_space<vmem>>
    %dma_start3A_101 = arith.constant 0 : i32
    %dma_start3A_102 = arith.constant 896 : i32
    %dma_start3A_103 = tpu.memref_slice %arg2[%dma_start3A_101, %dma_start3A_102] : memref<100000x2048xf32, #tpu.memory_space<hbm>> -> memref<100000x128xf32, #tpu.memory_space<hbm>>
    tpu.enqueue_indirect_dma source(%dma_start3A_103 : memref<100000x128xf32, #tpu.memory_space<hbm>>) target(%dma_start3A_98 : memref<50x128xf32, #tpu.memory_space<vmem>>) offsets(%dma_start3A_100 : memref<50xi32, #tpu.memory_space<vmem>>) semaphore(%arg9 : memref<!tpu.dma_semaphore, #tpu.memory_space<semaphore_mem>>)
    %dma_start3A_104 = arith.constant 1 : i32
    %dma_start3A_105 = arith.constant 0 : i32
    %dma_start3A_106 = arith.constant 0 : i32
    %dma_start3A_107 = tpu.memref_slice %arg7[%dma_start3A_104, %dma_start3A_105, %dma_start3A_106] : memref<4x50x256xf32, #tpu.memory_space<vmem>> -> memref<1x50x128xf32, #tpu.memory_space<vmem>>
    %dma_start3A_108 = tpu.memref_squeeze %dma_start3A_107 : memref<1x50x128xf32, #tpu.memory_space<vmem>> -> memref<50x128xf32, #tpu.memory_space<vmem>>
    %dma_start3A_109 = arith.constant 280 : i32
    %dma_start3A_110 = tpu.memref_slice %arg5[%dma_start3A_109] : memref<7168xi32, #tpu.memory_space<vmem>> -> memref<50xi32, #tpu.memory_space<vmem>>
    %dma_start3A_111 = arith.constant 0 : i32
    %dma_start3A_112 = arith.constant 768 : i32
    %dma_start3A_113 = tpu.memref_slice %arg2[%dma_start3A_111, %dma_start3A_112] : memref<100000x2048xf32, #tpu.memory_space<hbm>> -> memref<100000x128xf32, #tpu.memory_space<hbm>>
    tpu.enqueue_indirect_dma source(%dma_start3A_113 : memref<100000x128xf32, #tpu.memory_space<hbm>>) target(%dma_start3A_108 : memref<50x128xf32, #tpu.memory_space<vmem>>) offsets(%dma_start3A_110 : memref<50xi32, #tpu.memory_space<vmem>>) semaphore(%arg9 : memref<!tpu.dma_semaphore, #tpu.memory_space<semaphore_mem>>)
    %dma_start3A_114 = arith.constant 1 : i32
    %dma_start3A_115 = arith.constant 0 : i32
    %dma_start3A_116 = arith.constant 128 : i32
    %dma_start3A_117 = tpu.memref_slice %arg7[%dma_start3A_114, %dma_start3A_115, %dma_start3A_116] : memref<4x50x256xf32, #tpu.memory_space<vmem>> -> memref<1x50x128xf32, #tpu.memory_space<vmem>>
    %dma_start3A_118 = tpu.memref_squeeze %dma_start3A_117 : memref<1x50x128xf32, #tpu.memory_space<vmem>> -> memref<50x128xf32, #tpu.memory_space<vmem>>
    %dma_start3A_119 = arith.constant 280 : i32
    %dma_start3A_120 = tpu.memref_slice %arg5[%dma_start3A_119] : memref<7168xi32, #tpu.memory_space<vmem>> -> memref<50xi32, #tpu.memory_space<vmem>>
    %dma_start3A_121 = arith.constant 0 : i32
    %dma_start3A_122 = arith.constant 896 : i32
    %dma_start3A_123 = tpu.memref_slice %arg2[%dma_start3A_121, %dma_start3A_122] : memref<100000x2048xf32, #tpu.memory_space<hbm>> -> memref<100000x128xf32, #tpu.memory_space<hbm>>
    tpu.enqueue_indirect_dma source(%dma_start3A_123 : memref<100000x128xf32, #tpu.memory_space<hbm>>) target(%dma_start3A_118 : memref<50x128xf32, #tpu.memory_space<vmem>>) offsets(%dma_start3A_120 : memref<50xi32, #tpu.memory_space<vmem>>) semaphore(%arg9 : memref<!tpu.dma_semaphore, #tpu.memory_space<semaphore_mem>>)
    %dma_start3A_124 = arith.constant 2 : i32
    %dma_start3A_125 = arith.constant 0 : i32
    %dma_start3A_126 = arith.constant 0 : i32
    %dma_start3A_127 = tpu.memref_slice %arg7[%dma_start3A_124, %dma_start3A_125, %dma_start3A_126] : memref<4x50x256xf32, #tpu.memory_space<vmem>> -> memref<1x50x128xf32, #tpu.memory_space<vmem>>
    %dma_start3A_128 = tpu.memref_squeeze %dma_start3A_127 : memref<1x50x128xf32, #tpu.memory_space<vmem>> -> memref<50x128xf32, #tpu.memory_space<vmem>>
    %dma_start3A_129 = arith.constant 336 : i32
    %dma_start3A_130 = tpu.memref_slice %arg5[%dma_start3A_129] : memref<7168xi32, #tpu.memory_space<vmem>> -> memref<50xi32, #tpu.memory_space<vmem>>
    %dma_start3A_131 = arith.constant 0 : i32
    %dma_start3A_132 = arith.constant 768 : i32
    %dma_start3A_133 = tpu.memref_slice %arg2[%dma_start3A_131, %dma_start3A_132] : memref<100000x2048xf32, #tpu.memory_space<hbm>> -> memref<100000x128xf32, #tpu.memory_space<hbm>>
    tpu.enqueue_indirect_dma source(%dma_start3A_133 : memref<100000x128xf32, #tpu.memory_space<hbm>>) target(%dma_start3A_128 : memref<50x128xf32, #tpu.memory_space<vmem>>) offsets(%dma_start3A_130 : memref<50xi32, #tpu.memory_space<vmem>>) semaphore(%arg9 : memref<!tpu.dma_semaphore, #tpu.memory_space<semaphore_mem>>)
    %dma_start3A_134 = arith.constant 2 : i32
    %dma_start3A_135 = arith.constant 0 : i32
    %dma_start3A_136 = arith.constant 128 : i32
    %dma_start3A_137 = tpu.memref_slice %arg7[%dma_start3A_134, %dma_start3A_135, %dma_start3A_136] : memref<4x50x256xf32, #tpu.memory_space<vmem>> -> memref<1x50x128xf32, #tpu.memory_space<vmem>>
    %dma_start3A_138 = tpu.memref_squeeze %dma_start3A_137 : memref<1x50x128xf32, #tpu.memory_space<vmem>> -> memref<50x128xf32, #tpu.memory_space<vmem>>
    %dma_start3A_139 = arith.constant 336 : i32
    %dma_start3A_140 = tpu.memref_slice %arg5[%dma_start3A_139] : memref<7168xi32, #tpu.memory_space<vmem>> -> memref<50xi32, #tpu.memory_space<vmem>>
    %dma_start3A_141 = arith.constant 0 : i32
    %dma_start3A_142 = arith.constant 896 : i32
    %dma_start3A_143 = tpu.memref_slice %arg2[%dma_start3A_141, %dma_start3A_142] : memref<100000x2048xf32, #tpu.memory_space<hbm>> -> memref<100000x128xf32, #tpu.memory_space<hbm>>
    tpu.enqueue_indirect_dma source(%dma_start3A_143 : memref<100000x128xf32, #tpu.memory_space<hbm>>) target(%dma_start3A_138 : memref<50x128xf32, #tpu.memory_space<vmem>>) offsets(%dma_start3A_140 : memref<50xi32, #tpu.memory_space<vmem>>) semaphore(%arg9 : memref<!tpu.dma_semaphore, #tpu.memory_space<semaphore_mem>>)
    %dma_start3A_144 = arith.constant 3 : i32
    %dma_start3A_145 = arith.constant 0 : i32
    %dma_start3A_146 = arith.constant 0 : i32
    %dma_start3A_147 = tpu.memref_slice %arg7[%dma_start3A_144, %dma_start3A_145, %dma_start3A_146] : memref<4x50x256xf32, #tpu.memory_space<vmem>> -> memref<1x50x128xf32, #tpu.memory_space<vmem>>
    %dma_start3A_148 = tpu.memref_squeeze %dma_start3A_147 : memref<1x50x128xf32, #tpu.memory_space<vmem>> -> memref<50x128xf32, #tpu.memory_space<vmem>>
    %dma_start3A_149 = arith.constant 392 : i32
    %dma_start3A_150 = tpu.memref_slice %arg5[%dma_start3A_149] : memref<7168xi32, #tpu.memory_space<vmem>> -> memref<50xi32, #tpu.memory_space<vmem>>
    %dma_start3A_151 = arith.constant 0 : i32
    %dma_start3A_152 = arith.constant 768 : i32
    %dma_start3A_153 = tpu.memref_slice %arg2[%dma_start3A_151, %dma_start3A_152] : memref<100000x2048xf32, #tpu.memory_space<hbm>> -> memref<100000x128xf32, #tpu.memory_space<hbm>>
    tpu.enqueue_indirect_dma source(%dma_start3A_153 : memref<100000x128xf32, #tpu.memory_space<hbm>>) target(%dma_start3A_148 : memref<50x128xf32, #tpu.memory_space<vmem>>) offsets(%dma_start3A_150 : memref<50xi32, #tpu.memory_space<vmem>>) semaphore(%arg9 : memref<!tpu.dma_semaphore, #tpu.memory_space<semaphore_mem>>)
    %dma_start3A_154 = arith.constant 3 : i32
    %dma_start3A_155 = arith.constant 0 : i32
    %dma_start3A_156 = arith.constant 128 : i32
    %dma_start3A_157 = tpu.memref_slice %arg7[%dma_start3A_154, %dma_start3A_155, %dma_start3A_156] : memref<4x50x256xf32, #tpu.memory_space<vmem>> -> memref<1x50x128xf32, #tpu.memory_space<vmem>>
    %dma_start3A_158 = tpu.memref_squeeze %dma_start3A_157 : memref<1x50x128xf32, #tpu.memory_space<vmem>> -> memref<50x128xf32, #tpu.memory_space<vmem>>
    %dma_start3A_159 = arith.constant 392 : i32
    %dma_start3A_160 = tpu.memref_slice %arg5[%dma_start3A_159] : memref<7168xi32, #tpu.memory_space<vmem>> -> memref<50xi32, #tpu.memory_space<vmem>>
    %dma_start3A_161 = arith.constant 0 : i32
    %dma_start3A_162 = arith.constant 896 : i32
    %dma_start3A_163 = tpu.memref_slice %arg2[%dma_start3A_161, %dma_start3A_162] : memref<100000x2048xf32, #tpu.memory_space<hbm>> -> memref<100000x128xf32, #tpu.memory_space<hbm>>
    tpu.enqueue_indirect_dma source(%dma_start3A_163 : memref<100000x128xf32, #tpu.memory_space<hbm>>) target(%dma_start3A_158 : memref<50x128xf32, #tpu.memory_space<vmem>>) offsets(%dma_start3A_160 : memref<50xi32, #tpu.memory_space<vmem>>) semaphore(%arg9 : memref<!tpu.dma_semaphore, #tpu.memory_space<semaphore_mem>>)
    %scan3A = arith.constant 0 : i32
    %scan3A_164 = arith.constant 0 : i32
    %scan3A_165 = arith.constant 15 : i32
    %scan3A_166 = arith.addi %scan3A_164, %scan3A_165 : i32
    %scan3A_167 = arith.constant 1 : i32
    %scan3A_168 = scf.for %scan3A_357 = %scan3A_164 to %scan3A_166 step %scan3A_167 iter_args(%scan3A_358 = %scan3A) -> (i32)  : i32 {
      %mul3A_359 = arith.constant 2 : i32
      %mul3A_360 = arith.muli %mul3A_359, %scan3A_357 : i32
      %add3A_361 = arith.constant 0 : i32
      %add3A_362 = arith.addi %mul3A_360, %add3A_361 : i32
      %dma_wait3A_363 = arith.constant 0 : i32
      %dma_wait3A_364 = arith.constant 0 : i32
      %dma_wait3A_365 = arith.constant 0 : i32
      %dma_wait3A_366 = tpu.memref_slice %arg6[%dma_wait3A_363, %dma_wait3A_364, %dma_wait3A_365] : memref<4x50x256xf32, #tpu.memory_space<vmem>> -> memref<1x50x128xf32, #tpu.memory_space<vmem>>
      %dma_wait3A_367 = tpu.memref_squeeze %dma_wait3A_366 : memref<1x50x128xf32, #tpu.memory_space<vmem>> -> memref<50x128xf32, #tpu.memory_space<vmem>>
      %dma_wait3A_368 = arith.constant 0 : i32
      %dma_wait3A_369 = tpu.memref_slice %arg5[%dma_wait3A_368] : memref<7168xi32, #tpu.memory_space<vmem>> -> memref<50xi32, #tpu.memory_space<vmem>>
      %dma_wait3A_370 = arith.constant 0 : i32
      %dma_wait3A_371 = arith.constant 768 : i32
      %dma_wait3A_372 = tpu.memref_slice %arg2[%dma_wait3A_370, %dma_wait3A_371] : memref<100000x2048xf32, #tpu.memory_space<hbm>> -> memref<100000x128xf32, #tpu.memory_space<hbm>>
      tpu.wait_indirect_dma semaphore(%arg8 : memref<!tpu.dma_semaphore, #tpu.memory_space<semaphore_mem>>) src(%dma_wait3A_372 : memref<100000x128xf32, #tpu.memory_space<hbm>>) dst(%dma_wait3A_367 : memref<50x128xf32, #tpu.memory_space<vmem>>)
      %dma_wait3A_373 = arith.constant 0 : i32
      %dma_wait3A_374 = arith.constant 0 : i32
      %dma_wait3A_375 = arith.constant 128 : i32
      %dma_wait3A_376 = tpu.memref_slice %arg6[%dma_wait3A_373, %dma_wait3A_374, %dma_wait3A_375] : memref<4x50x256xf32, #tpu.memory_space<vmem>> -> memref<1x50x128xf32, #tpu.memory_space<vmem>>
      %dma_wait3A_377 = tpu.memref_squeeze %dma_wait3A_376 : memref<1x50x128xf32, #tpu.memory_space<vmem>> -> memref<50x128xf32, #tpu.memory_space<vmem>>
      %dma_wait3A_378 = arith.constant 0 : i32
      %dma_wait3A_379 = tpu.memref_slice %arg5[%dma_wait3A_378] : memref<7168xi32, #tpu.memory_space<vmem>> -> memref<50xi32, #tpu.memory_space<vmem>>
      %dma_wait3A_380 = arith.constant 0 : i32
      %dma_wait3A_381 = arith.constant 896 : i32
      %dma_wait3A_382 = tpu.memref_slice %arg2[%dma_wait3A_380, %dma_wait3A_381] : memref<100000x2048xf32, #tpu.memory_space<hbm>> -> memref<100000x128xf32, #tpu.memory_space<hbm>>
      tpu.wait_indirect_dma semaphore(%arg8 : memref<!tpu.dma_semaphore, #tpu.memory_space<semaphore_mem>>) src(%dma_wait3A_382 : memref<100000x128xf32, #tpu.memory_space<hbm>>) dst(%dma_wait3A_377 : memref<50x128xf32, #tpu.memory_space<vmem>>)
      %dma_wait3A_383 = arith.constant 1 : i32
      %dma_wait3A_384 = arith.constant 0 : i32
      %dma_wait3A_385 = arith.constant 0 : i32
      %dma_wait3A_386 = tpu.memref_slice %arg6[%dma_wait3A_383, %dma_wait3A_384, %dma_wait3A_385] : memref<4x50x256xf32, #tpu.memory_space<vmem>> -> memref<1x50x128xf32, #tpu.memory_space<vmem>>
      %dma_wait3A_387 = tpu.memref_squeeze %dma_wait3A_386 : memref<1x50x128xf32, #tpu.memory_space<vmem>> -> memref<50x128xf32, #tpu.memory_space<vmem>>
      %dma_wait3A_388 = arith.constant 0 : i32
      %dma_wait3A_389 = tpu.memref_slice %arg5[%dma_wait3A_388] : memref<7168xi32, #tpu.memory_space<vmem>> -> memref<50xi32, #tpu.memory_space<vmem>>
      %dma_wait3A_390 = arith.constant 0 : i32
      %dma_wait3A_391 = arith.constant 768 : i32
      %dma_wait3A_392 = tpu.memref_slice %arg2[%dma_wait3A_390, %dma_wait3A_391] : memref<100000x2048xf32, #tpu.memory_space<hbm>> -> memref<100000x128xf32, #tpu.memory_space<hbm>>
      tpu.wait_indirect_dma semaphore(%arg8 : memref<!tpu.dma_semaphore, #tpu.memory_space<semaphore_mem>>) src(%dma_wait3A_392 : memref<100000x128xf32, #tpu.memory_space<hbm>>) dst(%dma_wait3A_387 : memref<50x128xf32, #tpu.memory_space<vmem>>)
      %dma_wait3A_393 = arith.constant 1 : i32
      %dma_wait3A_394 = arith.constant 0 : i32
      %dma_wait3A_395 = arith.constant 128 : i32
      %dma_wait3A_396 = tpu.memref_slice %arg6[%dma_wait3A_393, %dma_wait3A_394, %dma_wait3A_395] : memref<4x50x256xf32, #tpu.memory_space<vmem>> -> memref<1x50x128xf32, #tpu.memory_space<vmem>>
      %dma_wait3A_397 = tpu.memref_squeeze %dma_wait3A_396 : memref<1x50x128xf32, #tpu.memory_space<vmem>> -> memref<50x128xf32, #tpu.memory_space<vmem>>
      %dma_wait3A_398 = arith.constant 0 : i32
      %dma_wait3A_399 = tpu.memref_slice %arg5[%dma_wait3A_398] : memref<7168xi32, #tpu.memory_space<vmem>> -> memref<50xi32, #tpu.memory_space<vmem>>
      %dma_wait3A_400 = arith.constant 0 : i32
      %dma_wait3A_401 = arith.constant 896 : i32
      %dma_wait3A_402 = tpu.memref_slice %arg2[%dma_wait3A_400, %dma_wait3A_401] : memref<100000x2048xf32, #tpu.memory_space<hbm>> -> memref<100000x128xf32, #tpu.memory_space<hbm>>
      tpu.wait_indirect_dma semaphore(%arg8 : memref<!tpu.dma_semaphore, #tpu.memory_space<semaphore_mem>>) src(%dma_wait3A_402 : memref<100000x128xf32, #tpu.memory_space<hbm>>) dst(%dma_wait3A_397 : memref<50x128xf32, #tpu.memory_space<vmem>>)
      %dma_wait3A_403 = arith.constant 2 : i32
      %dma_wait3A_404 = arith.constant 0 : i32
      %dma_wait3A_405 = arith.constant 0 : i32
      %dma_wait3A_406 = tpu.memref_slice %arg6[%dma_wait3A_403, %dma_wait3A_404, %dma_wait3A_405] : memref<4x50x256xf32, #tpu.memory_space<vmem>> -> memref<1x50x128xf32, #tpu.memory_space<vmem>>
      %dma_wait3A_407 = tpu.memref_squeeze %dma_wait3A_406 : memref<1x50x128xf32, #tpu.memory_space<vmem>> -> memref<50x128xf32, #tpu.memory_space<vmem>>
      %dma_wait3A_408 = arith.constant 0 : i32
      %dma_wait3A_409 = tpu.memref_slice %arg5[%dma_wait3A_408] : memref<7168xi32, #tpu.memory_space<vmem>> -> memref<50xi32, #tpu.memory_space<vmem>>
      %dma_wait3A_410 = arith.constant 0 : i32
      %dma_wait3A_411 = arith.constant 768 : i32
      %dma_wait3A_412 = tpu.memref_slice %arg2[%dma_wait3A_410, %dma_wait3A_411] : memref<100000x2048xf32, #tpu.memory_space<hbm>> -> memref<100000x128xf32, #tpu.memory_space<hbm>>
      tpu.wait_indirect_dma semaphore(%arg8 : memref<!tpu.dma_semaphore, #tpu.memory_space<semaphore_mem>>) src(%dma_wait3A_412 : memref<100000x128xf32, #tpu.memory_space<hbm>>) dst(%dma_wait3A_407 : memref<50x128xf32, #tpu.memory_space<vmem>>)
      %dma_wait3A_413 = arith.constant 2 : i32
      %dma_wait3A_414 = arith.constant 0 : i32
      %dma_wait3A_415 = arith.constant 128 : i32
      %dma_wait3A_416 = tpu.memref_slice %arg6[%dma_wait3A_413, %dma_wait3A_414, %dma_wait3A_415] : memref<4x50x256xf32, #tpu.memory_space<vmem>> -> memref<1x50x128xf32, #tpu.memory_space<vmem>>
      %dma_wait3A_417 = tpu.memref_squeeze %dma_wait3A_416 : memref<1x50x128xf32, #tpu.memory_space<vmem>> -> memref<50x128xf32, #tpu.memory_space<vmem>>
      %dma_wait3A_418 = arith.constant 0 : i32
      %dma_wait3A_419 = tpu.memref_slice %arg5[%dma_wait3A_418] : memref<7168xi32, #tpu.memory_space<vmem>> -> memref<50xi32, #tpu.memory_space<vmem>>
      %dma_wait3A_420 = arith.constant 0 : i32
      %dma_wait3A_421 = arith.constant 896 : i32
      %dma_wait3A_422 = tpu.memref_slice %arg2[%dma_wait3A_420, %dma_wait3A_421] : memref<100000x2048xf32, #tpu.memory_space<hbm>> -> memref<100000x128xf32, #tpu.memory_space<hbm>>
      tpu.wait_indirect_dma semaphore(%arg8 : memref<!tpu.dma_semaphore, #tpu.memory_space<semaphore_mem>>) src(%dma_wait3A_422 : memref<100000x128xf32, #tpu.memory_space<hbm>>) dst(%dma_wait3A_417 : memref<50x128xf32, #tpu.memory_space<vmem>>)
      %dma_wait3A_423 = arith.constant 3 : i32
      %dma_wait3A_424 = arith.constant 0 : i32
      %dma_wait3A_425 = arith.constant 0 : i32
      %dma_wait3A_426 = tpu.memref_slice %arg6[%dma_wait3A_423, %dma_wait3A_424, %dma_wait3A_425] : memref<4x50x256xf32, #tpu.memory_space<vmem>> -> memref<1x50x128xf32, #tpu.memory_space<vmem>>
      %dma_wait3A_427 = tpu.memref_squeeze %dma_wait3A_426 : memref<1x50x128xf32, #tpu.memory_space<vmem>> -> memref<50x128xf32, #tpu.memory_space<vmem>>
      %dma_wait3A_428 = arith.constant 0 : i32
      %dma_wait3A_429 = tpu.memref_slice %arg5[%dma_wait3A_428] : memref<7168xi32, #tpu.memory_space<vmem>> -> memref<50xi32, #tpu.memory_space<vmem>>
      %dma_wait3A_430 = arith.constant 0 : i32
      %dma_wait3A_431 = arith.constant 768 : i32
      %dma_wait3A_432 = tpu.memref_slice %arg2[%dma_wait3A_430, %dma_wait3A_431] : memref<100000x2048xf32, #tpu.memory_space<hbm>> -> memref<100000x128xf32, #tpu.memory_space<hbm>>
      tpu.wait_indirect_dma semaphore(%arg8 : memref<!tpu.dma_semaphore, #tpu.memory_space<semaphore_mem>>) src(%dma_wait3A_432 : memref<100000x128xf32, #tpu.memory_space<hbm>>) dst(%dma_wait3A_427 : memref<50x128xf32, #tpu.memory_space<vmem>>)
      %dma_wait3A_433 = arith.constant 3 : i32
      %dma_wait3A_434 = arith.constant 0 : i32
      %dma_wait3A_435 = arith.constant 128 : i32
      %dma_wait3A_436 = tpu.memref_slice %arg6[%dma_wait3A_433, %dma_wait3A_434, %dma_wait3A_435] : memref<4x50x256xf32, #tpu.memory_space<vmem>> -> memref<1x50x128xf32, #tpu.memory_space<vmem>>
      %dma_wait3A_437 = tpu.memref_squeeze %dma_wait3A_436 : memref<1x50x128xf32, #tpu.memory_space<vmem>> -> memref<50x128xf32, #tpu.memory_space<vmem>>
      %dma_wait3A_438 = arith.constant 0 : i32
      %dma_wait3A_439 = tpu.memref_slice %arg5[%dma_wait3A_438] : memref<7168xi32, #tpu.memory_space<vmem>> -> memref<50xi32, #tpu.memory_space<vmem>>
      %dma_wait3A_440 = arith.constant 0 : i32
      %dma_wait3A_441 = arith.constant 896 : i32
      %dma_wait3A_442 = tpu.memref_slice %arg2[%dma_wait3A_440, %dma_wait3A_441] : memref<100000x2048xf32, #tpu.memory_space<hbm>> -> memref<100000x128xf32, #tpu.memory_space<hbm>>
      tpu.wait_indirect_dma semaphore(%arg8 : memref<!tpu.dma_semaphore, #tpu.memory_space<semaphore_mem>>) src(%dma_wait3A_442 : memref<100000x128xf32, #tpu.memory_space<hbm>>) dst(%dma_wait3A_437 : memref<50x128xf32, #tpu.memory_space<vmem>>)
      %mul3A_443 = arith.constant 4 : i32
      %mul3A_444 = arith.muli %add3A_362, %mul3A_443 : i32
      %add3A_445 = arith.addi %mul3A_2, %mul3A_444 : i32
      %dma_start3A_446 = arith.constant 0 : i32
      %dma_start3A_447 = arith.constant 0 : i32
      %dma_start3A_448 = tpu.memref_slice %arg4[%add3A_445, %dma_start3A_446, %dma_start3A_447] : memref<4096x50x256xf32, #tpu.memory_space<hbm>> -> memref<4x50x256xf32, #tpu.memory_space<hbm>>
      %dma_start3A_449 = arith.constant 0 : i32
      %dma_start3A_450 = arith.constant 0 : i32
      %dma_start3A_451 = tpu.memref_slice %arg4[%add3A_445, %dma_start3A_449, %dma_start3A_450] : memref<4096x50x256xf32, #tpu.memory_space<hbm>> -> memref<4x50x256xf32, #tpu.memory_space<hbm>>
      tpu.enqueue_dma source(%arg6 : memref<4x50x256xf32, #tpu.memory_space<vmem>>) target(%dma_start3A_451 : memref<4x50x256xf32, #tpu.memory_space<hbm>>) target_semaphore(%arg10 : memref<!tpu.dma_semaphore, #tpu.memory_space<semaphore_mem>>)
      %dma_wait3A_452 = arith.constant 0 : i32
      %dma_wait3A_453 = arith.constant 0 : i32
      %dma_wait3A_454 = tpu.memref_slice %arg4[%mul3A_2, %dma_wait3A_452, %dma_wait3A_453] : memref<4096x50x256xf32, #tpu.memory_space<hbm>> -> memref<4x50x256xf32, #tpu.memory_space<hbm>>
      %dma_wait3A_455 = arith.constant 0 : i32
      %dma_wait3A_456 = arith.constant 0 : i32
      %dma_wait3A_457 = tpu.memref_slice %arg4[%mul3A_2, %dma_wait3A_455, %dma_wait3A_456] : memref<4096x50x256xf32, #tpu.memory_space<hbm>> -> memref<4x50x256xf32, #tpu.memory_space<hbm>>
      tpu.wait_dma2 semaphore(%arg10 : memref<!tpu.dma_semaphore, #tpu.memory_space<semaphore_mem>>) src(%arg6 : memref<4x50x256xf32, #tpu.memory_space<vmem>>) dst(%dma_wait3A_457 : memref<4x50x256xf32, #tpu.memory_space<hbm>>)
      %add3A_458 = arith.constant 2 : i32
      %add3A_459 = arith.addi %add3A_362, %add3A_458 : i32
      %mul3A_460 = arith.constant 4 : i32
      %mul3A_461 = arith.muli %add3A_459, %mul3A_460 : i32
      %add3A_462 = arith.constant 0 : i32
      %add3A_463 = arith.addi %mul3A_461, %add3A_462 : i32
      %mul3A_464 = arith.constant 56 : i32
      %mul3A_465 = arith.muli %add3A_463, %mul3A_464 : i32
      %dma_start3A_466 = arith.constant 0 : i32
      %dma_start3A_467 = arith.constant 0 : i32
      %dma_start3A_468 = arith.constant 0 : i32
      %dma_start3A_469 = tpu.memref_slice %arg6[%dma_start3A_466, %dma_start3A_467, %dma_start3A_468] : memref<4x50x256xf32, #tpu.memory_space<vmem>> -> memref<1x50x128xf32, #tpu.memory_space<vmem>>
      %dma_start3A_470 = tpu.memref_squeeze %dma_start3A_469 : memref<1x50x128xf32, #tpu.memory_space<vmem>> -> memref<50x128xf32, #tpu.memory_space<vmem>>
      %dma_start3A_471 = tpu.memref_slice %arg5[%mul3A_465] : memref<7168xi32, #tpu.memory_space<vmem>> -> memref<50xi32, #tpu.memory_space<vmem>>
      %dma_start3A_472 = arith.constant 0 : i32
      %dma_start3A_473 = arith.constant 768 : i32
      %dma_start3A_474 = tpu.memref_slice %arg2[%dma_start3A_472, %dma_start3A_473] : memref<100000x2048xf32, #tpu.memory_space<hbm>> -> memref<100000x128xf32, #tpu.memory_space<hbm>>
      tpu.enqueue_indirect_dma source(%dma_start3A_474 : memref<100000x128xf32, #tpu.memory_space<hbm>>) target(%dma_start3A_470 : memref<50x128xf32, #tpu.memory_space<vmem>>) offsets(%dma_start3A_471 : memref<50xi32, #tpu.memory_space<vmem>>) semaphore(%arg8 : memref<!tpu.dma_semaphore, #tpu.memory_space<semaphore_mem>>)
      %dma_start3A_475 = arith.constant 0 : i32
      %dma_start3A_476 = arith.constant 0 : i32
      %dma_start3A_477 = arith.constant 128 : i32
      %dma_start3A_478 = tpu.memref_slice %arg6[%dma_start3A_475, %dma_start3A_476, %dma_start3A_477] : memref<4x50x256xf32, #tpu.memory_space<vmem>> -> memref<1x50x128xf32, #tpu.memory_space<vmem>>
      %dma_start3A_479 = tpu.memref_squeeze %dma_start3A_478 : memref<1x50x128xf32, #tpu.memory_space<vmem>> -> memref<50x128xf32, #tpu.memory_space<vmem>>
      %dma_start3A_480 = tpu.memref_slice %arg5[%mul3A_465] : memref<7168xi32, #tpu.memory_space<vmem>> -> memref<50xi32, #tpu.memory_space<vmem>>
      %dma_start3A_481 = arith.constant 0 : i32
      %dma_start3A_482 = arith.constant 896 : i32
      %dma_start3A_483 = tpu.memref_slice %arg2[%dma_start3A_481, %dma_start3A_482] : memref<100000x2048xf32, #tpu.memory_space<hbm>> -> memref<100000x128xf32, #tpu.memory_space<hbm>>
      tpu.enqueue_indirect_dma source(%dma_start3A_483 : memref<100000x128xf32, #tpu.memory_space<hbm>>) target(%dma_start3A_479 : memref<50x128xf32, #tpu.memory_space<vmem>>) offsets(%dma_start3A_480 : memref<50xi32, #tpu.memory_space<vmem>>) semaphore(%arg8 : memref<!tpu.dma_semaphore, #tpu.memory_space<semaphore_mem>>)
      %mul3A_484 = arith.constant 4 : i32
      %mul3A_485 = arith.muli %add3A_459, %mul3A_484 : i32
      %add3A_486 = arith.constant 1 : i32
      %add3A_487 = arith.addi %mul3A_485, %add3A_486 : i32
      %mul3A_488 = arith.constant 56 : i32
      %mul3A_489 = arith.muli %add3A_487, %mul3A_488 : i32
      %dma_start3A_490 = arith.constant 1 : i32
      %dma_start3A_491 = arith.constant 0 : i32
      %dma_start3A_492 = arith.constant 0 : i32
      %dma_start3A_493 = tpu.memref_slice %arg6[%dma_start3A_490, %dma_start3A_491, %dma_start3A_492] : memref<4x50x256xf32, #tpu.memory_space<vmem>> -> memref<1x50x128xf32, #tpu.memory_space<vmem>>
      %dma_start3A_494 = tpu.memref_squeeze %dma_start3A_493 : memref<1x50x128xf32, #tpu.memory_space<vmem>> -> memref<50x128xf32, #tpu.memory_space<vmem>>
      %dma_start3A_495 = tpu.memref_slice %arg5[%mul3A_489] : memref<7168xi32, #tpu.memory_space<vmem>> -> memref<50xi32, #tpu.memory_space<vmem>>
      %dma_start3A_496 = arith.constant 0 : i32
      %dma_start3A_497 = arith.constant 768 : i32
      %dma_start3A_498 = tpu.memref_slice %arg2[%dma_start3A_496, %dma_start3A_497] : memref<100000x2048xf32, #tpu.memory_space<hbm>> -> memref<100000x128xf32, #tpu.memory_space<hbm>>
      tpu.enqueue_indirect_dma source(%dma_start3A_498 : memref<100000x128xf32, #tpu.memory_space<hbm>>) target(%dma_start3A_494 : memref<50x128xf32, #tpu.memory_space<vmem>>) offsets(%dma_start3A_495 : memref<50xi32, #tpu.memory_space<vmem>>) semaphore(%arg8 : memref<!tpu.dma_semaphore, #tpu.memory_space<semaphore_mem>>)
      %dma_start3A_499 = arith.constant 1 : i32
      %dma_start3A_500 = arith.constant 0 : i32
      %dma_start3A_501 = arith.constant 128 : i32
      %dma_start3A_502 = tpu.memref_slice %arg6[%dma_start3A_499, %dma_start3A_500, %dma_start3A_501] : memref<4x50x256xf32, #tpu.memory_space<vmem>> -> memref<1x50x128xf32, #tpu.memory_space<vmem>>
      %dma_start3A_503 = tpu.memref_squeeze %dma_start3A_502 : memref<1x50x128xf32, #tpu.memory_space<vmem>> -> memref<50x128xf32, #tpu.memory_space<vmem>>
      %dma_start3A_504 = tpu.memref_slice %arg5[%mul3A_489] : memref<7168xi32, #tpu.memory_space<vmem>> -> memref<50xi32, #tpu.memory_space<vmem>>
      %dma_start3A_505 = arith.constant 0 : i32
      %dma_start3A_506 = arith.constant 896 : i32
      %dma_start3A_507 = tpu.memref_slice %arg2[%dma_start3A_505, %dma_start3A_506] : memref<100000x2048xf32, #tpu.memory_space<hbm>> -> memref<100000x128xf32, #tpu.memory_space<hbm>>
      tpu.enqueue_indirect_dma source(%dma_start3A_507 : memref<100000x128xf32, #tpu.memory_space<hbm>>) target(%dma_start3A_503 : memref<50x128xf32, #tpu.memory_space<vmem>>) offsets(%dma_start3A_504 : memref<50xi32, #tpu.memory_space<vmem>>) semaphore(%arg8 : memref<!tpu.dma_semaphore, #tpu.memory_space<semaphore_mem>>)
      %mul3A_508 = arith.constant 4 : i32
      %mul3A_509 = arith.muli %add3A_459, %mul3A_508 : i32
      %add3A_510 = arith.constant 2 : i32
      %add3A_511 = arith.addi %mul3A_509, %add3A_510 : i32
      %mul3A_512 = arith.constant 56 : i32
      %mul3A_513 = arith.muli %add3A_511, %mul3A_512 : i32
      %dma_start3A_514 = arith.constant 2 : i32
      %dma_start3A_515 = arith.constant 0 : i32
      %dma_start3A_516 = arith.constant 0 : i32
      %dma_start3A_517 = tpu.memref_slice %arg6[%dma_start3A_514, %dma_start3A_515, %dma_start3A_516] : memref<4x50x256xf32, #tpu.memory_space<vmem>> -> memref<1x50x128xf32, #tpu.memory_space<vmem>>
      %dma_start3A_518 = tpu.memref_squeeze %dma_start3A_517 : memref<1x50x128xf32, #tpu.memory_space<vmem>> -> memref<50x128xf32, #tpu.memory_space<vmem>>
      %dma_start3A_519 = tpu.memref_slice %arg5[%mul3A_513] : memref<7168xi32, #tpu.memory_space<vmem>> -> memref<50xi32, #tpu.memory_space<vmem>>
      %dma_start3A_520 = arith.constant 0 : i32
      %dma_start3A_521 = arith.constant 768 : i32
      %dma_start3A_522 = tpu.memref_slice %arg2[%dma_start3A_520, %dma_start3A_521] : memref<100000x2048xf32, #tpu.memory_space<hbm>> -> memref<100000x128xf32, #tpu.memory_space<hbm>>
      tpu.enqueue_indirect_dma source(%dma_start3A_522 : memref<100000x128xf32, #tpu.memory_space<hbm>>) target(%dma_start3A_518 : memref<50x128xf32, #tpu.memory_space<vmem>>) offsets(%dma_start3A_519 : memref<50xi32, #tpu.memory_space<vmem>>) semaphore(%arg8 : memref<!tpu.dma_semaphore, #tpu.memory_space<semaphore_mem>>)
      %dma_start3A_523 = arith.constant 2 : i32
      %dma_start3A_524 = arith.constant 0 : i32
      %dma_start3A_525 = arith.constant 128 : i32
      %dma_start3A_526 = tpu.memref_slice %arg6[%dma_start3A_523, %dma_start3A_524, %dma_start3A_525] : memref<4x50x256xf32, #tpu.memory_space<vmem>> -> memref<1x50x128xf32, #tpu.memory_space<vmem>>
      %dma_start3A_527 = tpu.memref_squeeze %dma_start3A_526 : memref<1x50x128xf32, #tpu.memory_space<vmem>> -> memref<50x128xf32, #tpu.memory_space<vmem>>
      %dma_start3A_528 = tpu.memref_slice %arg5[%mul3A_513] : memref<7168xi32, #tpu.memory_space<vmem>> -> memref<50xi32, #tpu.memory_space<vmem>>
      %dma_start3A_529 = arith.constant 0 : i32
      %dma_start3A_530 = arith.constant 896 : i32
      %dma_start3A_531 = tpu.memref_slice %arg2[%dma_start3A_529, %dma_start3A_530] : memref<100000x2048xf32, #tpu.memory_space<hbm>> -> memref<100000x128xf32, #tpu.memory_space<hbm>>
      tpu.enqueue_indirect_dma source(%dma_start3A_531 : memref<100000x128xf32, #tpu.memory_space<hbm>>) target(%dma_start3A_527 : memref<50x128xf32, #tpu.memory_space<vmem>>) offsets(%dma_start3A_528 : memref<50xi32, #tpu.memory_space<vmem>>) semaphore(%arg8 : memref<!tpu.dma_semaphore, #tpu.memory_space<semaphore_mem>>)
      %mul3A_532 = arith.constant 4 : i32
      %mul3A_533 = arith.muli %add3A_459, %mul3A_532 : i32
      %add3A_534 = arith.constant 3 : i32
      %add3A_535 = arith.addi %mul3A_533, %add3A_534 : i32
      %mul3A_536 = arith.constant 56 : i32
      %mul3A_537 = arith.muli %add3A_535, %mul3A_536 : i32
      %dma_start3A_538 = arith.constant 3 : i32
      %dma_start3A_539 = arith.constant 0 : i32
      %dma_start3A_540 = arith.constant 0 : i32
      %dma_start3A_541 = tpu.memref_slice %arg6[%dma_start3A_538, %dma_start3A_539, %dma_start3A_540] : memref<4x50x256xf32, #tpu.memory_space<vmem>> -> memref<1x50x128xf32, #tpu.memory_space<vmem>>
      %dma_start3A_542 = tpu.memref_squeeze %dma_start3A_541 : memref<1x50x128xf32, #tpu.memory_space<vmem>> -> memref<50x128xf32, #tpu.memory_space<vmem>>
      %dma_start3A_543 = tpu.memref_slice %arg5[%mul3A_537] : memref<7168xi32, #tpu.memory_space<vmem>> -> memref<50xi32, #tpu.memory_space<vmem>>
      %dma_start3A_544 = arith.constant 0 : i32
      %dma_start3A_545 = arith.constant 768 : i32
      %dma_start3A_546 = tpu.memref_slice %arg2[%dma_start3A_544, %dma_start3A_545] : memref<100000x2048xf32, #tpu.memory_space<hbm>> -> memref<100000x128xf32, #tpu.memory_space<hbm>>
      tpu.enqueue_indirect_dma source(%dma_start3A_546 : memref<100000x128xf32, #tpu.memory_space<hbm>>) target(%dma_start3A_542 : memref<50x128xf32, #tpu.memory_space<vmem>>) offsets(%dma_start3A_543 : memref<50xi32, #tpu.memory_space<vmem>>) semaphore(%arg8 : memref<!tpu.dma_semaphore, #tpu.memory_space<semaphore_mem>>)
      %dma_start3A_547 = arith.constant 3 : i32
      %dma_start3A_548 = arith.constant 0 : i32
      %dma_start3A_549 = arith.constant 128 : i32
      %dma_start3A_550 = tpu.memref_slice %arg6[%dma_start3A_547, %dma_start3A_548, %dma_start3A_549] : memref<4x50x256xf32, #tpu.memory_space<vmem>> -> memref<1x50x128xf32, #tpu.memory_space<vmem>>
      %dma_start3A_551 = tpu.memref_squeeze %dma_start3A_550 : memref<1x50x128xf32, #tpu.memory_space<vmem>> -> memref<50x128xf32, #tpu.memory_space<vmem>>
      %dma_start3A_552 = tpu.memref_slice %arg5[%mul3A_537] : memref<7168xi32, #tpu.memory_space<vmem>> -> memref<50xi32, #tpu.memory_space<vmem>>
      %dma_start3A_553 = arith.constant 0 : i32
      %dma_start3A_554 = arith.constant 896 : i32
      %dma_start3A_555 = tpu.memref_slice %arg2[%dma_start3A_553, %dma_start3A_554] : memref<100000x2048xf32, #tpu.memory_space<hbm>> -> memref<100000x128xf32, #tpu.memory_space<hbm>>
      tpu.enqueue_indirect_dma source(%dma_start3A_555 : memref<100000x128xf32, #tpu.memory_space<hbm>>) target(%dma_start3A_551 : memref<50x128xf32, #tpu.memory_space<vmem>>) offsets(%dma_start3A_552 : memref<50xi32, #tpu.memory_space<vmem>>) semaphore(%arg8 : memref<!tpu.dma_semaphore, #tpu.memory_space<semaphore_mem>>)
      %mul3A_556 = arith.constant 2 : i32
      %mul3A_557 = arith.muli %mul3A_556, %scan3A_357 : i32
      %add3A_558 = arith.constant 1 : i32
      %add3A_559 = arith.addi %mul3A_557, %add3A_558 : i32
      %dma_wait3A_560 = arith.constant 0 : i32
      %dma_wait3A_561 = arith.constant 0 : i32
      %dma_wait3A_562 = arith.constant 0 : i32
      %dma_wait3A_563 = tpu.memref_slice %arg7[%dma_wait3A_560, %dma_wait3A_561, %dma_wait3A_562] : memref<4x50x256xf32, #tpu.memory_space<vmem>> -> memref<1x50x128xf32, #tpu.memory_space<vmem>>
      %dma_wait3A_564 = tpu.memref_squeeze %dma_wait3A_563 : memref<1x50x128xf32, #tpu.memory_space<vmem>> -> memref<50x128xf32, #tpu.memory_space<vmem>>
      %dma_wait3A_565 = arith.constant 0 : i32
      %dma_wait3A_566 = tpu.memref_slice %arg5[%dma_wait3A_565] : memref<7168xi32, #tpu.memory_space<vmem>> -> memref<50xi32, #tpu.memory_space<vmem>>
      %dma_wait3A_567 = arith.constant 0 : i32
      %dma_wait3A_568 = arith.constant 768 : i32
      %dma_wait3A_569 = tpu.memref_slice %arg2[%dma_wait3A_567, %dma_wait3A_568] : memref<100000x2048xf32, #tpu.memory_space<hbm>> -> memref<100000x128xf32, #tpu.memory_space<hbm>>
      tpu.wait_indirect_dma semaphore(%arg9 : memref<!tpu.dma_semaphore, #tpu.memory_space<semaphore_mem>>) src(%dma_wait3A_569 : memref<100000x128xf32, #tpu.memory_space<hbm>>) dst(%dma_wait3A_564 : memref<50x128xf32, #tpu.memory_space<vmem>>)
      %dma_wait3A_570 = arith.constant 0 : i32
      %dma_wait3A_571 = arith.constant 0 : i32
      %dma_wait3A_572 = arith.constant 128 : i32
      %dma_wait3A_573 = tpu.memref_slice %arg7[%dma_wait3A_570, %dma_wait3A_571, %dma_wait3A_572] : memref<4x50x256xf32, #tpu.memory_space<vmem>> -> memref<1x50x128xf32, #tpu.memory_space<vmem>>
      %dma_wait3A_574 = tpu.memref_squeeze %dma_wait3A_573 : memref<1x50x128xf32, #tpu.memory_space<vmem>> -> memref<50x128xf32, #tpu.memory_space<vmem>>
      %dma_wait3A_575 = arith.constant 0 : i32
      %dma_wait3A_576 = tpu.memref_slice %arg5[%dma_wait3A_575] : memref<7168xi32, #tpu.memory_space<vmem>> -> memref<50xi32, #tpu.memory_space<vmem>>
      %dma_wait3A_577 = arith.constant 0 : i32
      %dma_wait3A_578 = arith.constant 896 : i32
      %dma_wait3A_579 = tpu.memref_slice %arg2[%dma_wait3A_577, %dma_wait3A_578] : memref<100000x2048xf32, #tpu.memory_space<hbm>> -> memref<100000x128xf32, #tpu.memory_space<hbm>>
      tpu.wait_indirect_dma semaphore(%arg9 : memref<!tpu.dma_semaphore, #tpu.memory_space<semaphore_mem>>) src(%dma_wait3A_579 : memref<100000x128xf32, #tpu.memory_space<hbm>>) dst(%dma_wait3A_574 : memref<50x128xf32, #tpu.memory_space<vmem>>)
      %dma_wait3A_580 = arith.constant 1 : i32
      %dma_wait3A_581 = arith.constant 0 : i32
      %dma_wait3A_582 = arith.constant 0 : i32
      %dma_wait3A_583 = tpu.memref_slice %arg7[%dma_wait3A_580, %dma_wait3A_581, %dma_wait3A_582] : memref<4x50x256xf32, #tpu.memory_space<vmem>> -> memref<1x50x128xf32, #tpu.memory_space<vmem>>
      %dma_wait3A_584 = tpu.memref_squeeze %dma_wait3A_583 : memref<1x50x128xf32, #tpu.memory_space<vmem>> -> memref<50x128xf32, #tpu.memory_space<vmem>>
      %dma_wait3A_585 = arith.constant 0 : i32
      %dma_wait3A_586 = tpu.memref_slice %arg5[%dma_wait3A_585] : memref<7168xi32, #tpu.memory_space<vmem>> -> memref<50xi32, #tpu.memory_space<vmem>>
      %dma_wait3A_587 = arith.constant 0 : i32
      %dma_wait3A_588 = arith.constant 768 : i32
      %dma_wait3A_589 = tpu.memref_slice %arg2[%dma_wait3A_587, %dma_wait3A_588] : memref<100000x2048xf32, #tpu.memory_space<hbm>> -> memref<100000x128xf32, #tpu.memory_space<hbm>>
      tpu.wait_indirect_dma semaphore(%arg9 : memref<!tpu.dma_semaphore, #tpu.memory_space<semaphore_mem>>) src(%dma_wait3A_589 : memref<100000x128xf32, #tpu.memory_space<hbm>>) dst(%dma_wait3A_584 : memref<50x128xf32, #tpu.memory_space<vmem>>)
      %dma_wait3A_590 = arith.constant 1 : i32
      %dma_wait3A_591 = arith.constant 0 : i32
      %dma_wait3A_592 = arith.constant 128 : i32
      %dma_wait3A_593 = tpu.memref_slice %arg7[%dma_wait3A_590, %dma_wait3A_591, %dma_wait3A_592] : memref<4x50x256xf32, #tpu.memory_space<vmem>> -> memref<1x50x128xf32, #tpu.memory_space<vmem>>
      %dma_wait3A_594 = tpu.memref_squeeze %dma_wait3A_593 : memref<1x50x128xf32, #tpu.memory_space<vmem>> -> memref<50x128xf32, #tpu.memory_space<vmem>>
      %dma_wait3A_595 = arith.constant 0 : i32
      %dma_wait3A_596 = tpu.memref_slice %arg5[%dma_wait3A_595] : memref<7168xi32, #tpu.memory_space<vmem>> -> memref<50xi32, #tpu.memory_space<vmem>>
      %dma_wait3A_597 = arith.constant 0 : i32
      %dma_wait3A_598 = arith.constant 896 : i32
      %dma_wait3A_599 = tpu.memref_slice %arg2[%dma_wait3A_597, %dma_wait3A_598] : memref<100000x2048xf32, #tpu.memory_space<hbm>> -> memref<100000x128xf32, #tpu.memory_space<hbm>>
      tpu.wait_indirect_dma semaphore(%arg9 : memref<!tpu.dma_semaphore, #tpu.memory_space<semaphore_mem>>) src(%dma_wait3A_599 : memref<100000x128xf32, #tpu.memory_space<hbm>>) dst(%dma_wait3A_594 : memref<50x128xf32, #tpu.memory_space<vmem>>)
      %dma_wait3A_600 = arith.constant 2 : i32
      %dma_wait3A_601 = arith.constant 0 : i32
      %dma_wait3A_602 = arith.constant 0 : i32
      %dma_wait3A_603 = tpu.memref_slice %arg7[%dma_wait3A_600, %dma_wait3A_601, %dma_wait3A_602] : memref<4x50x256xf32, #tpu.memory_space<vmem>> -> memref<1x50x128xf32, #tpu.memory_space<vmem>>
      %dma_wait3A_604 = tpu.memref_squeeze %dma_wait3A_603 : memref<1x50x128xf32, #tpu.memory_space<vmem>> -> memref<50x128xf32, #tpu.memory_space<vmem>>
      %dma_wait3A_605 = arith.constant 0 : i32
      %dma_wait3A_606 = tpu.memref_slice %arg5[%dma_wait3A_605] : memref<7168xi32, #tpu.memory_space<vmem>> -> memref<50xi32, #tpu.memory_space<vmem>>
      %dma_wait3A_607 = arith.constant 0 : i32
      %dma_wait3A_608 = arith.constant 768 : i32
      %dma_wait3A_609 = tpu.memref_slice %arg2[%dma_wait3A_607, %dma_wait3A_608] : memref<100000x2048xf32, #tpu.memory_space<hbm>> -> memref<100000x128xf32, #tpu.memory_space<hbm>>
      tpu.wait_indirect_dma semaphore(%arg9 : memref<!tpu.dma_semaphore, #tpu.memory_space<semaphore_mem>>) src(%dma_wait3A_609 : memref<100000x128xf32, #tpu.memory_space<hbm>>) dst(%dma_wait3A_604 : memref<50x128xf32, #tpu.memory_space<vmem>>)
      %dma_wait3A_610 = arith.constant 2 : i32
      %dma_wait3A_611 = arith.constant 0 : i32
      %dma_wait3A_612 = arith.constant 128 : i32
      %dma_wait3A_613 = tpu.memref_slice %arg7[%dma_wait3A_610, %dma_wait3A_611, %dma_wait3A_612] : memref<4x50x256xf32, #tpu.memory_space<vmem>> -> memref<1x50x128xf32, #tpu.memory_space<vmem>>
      %dma_wait3A_614 = tpu.memref_squeeze %dma_wait3A_613 : memref<1x50x128xf32, #tpu.memory_space<vmem>> -> memref<50x128xf32, #tpu.memory_space<vmem>>
      %dma_wait3A_615 = arith.constant 0 : i32
      %dma_wait3A_616 = tpu.memref_slice %arg5[%dma_wait3A_615] : memref<7168xi32, #tpu.memory_space<vmem>> -> memref<50xi32, #tpu.memory_space<vmem>>
      %dma_wait3A_617 = arith.constant 0 : i32
      %dma_wait3A_618 = arith.constant 896 : i32
      %dma_wait3A_619 = tpu.memref_slice %arg2[%dma_wait3A_617, %dma_wait3A_618] : memref<100000x2048xf32, #tpu.memory_space<hbm>> -> memref<100000x128xf32, #tpu.memory_space<hbm>>
      tpu.wait_indirect_dma semaphore(%arg9 : memref<!tpu.dma_semaphore, #tpu.memory_space<semaphore_mem>>) src(%dma_wait3A_619 : memref<100000x128xf32, #tpu.memory_space<hbm>>) dst(%dma_wait3A_614 : memref<50x128xf32, #tpu.memory_space<vmem>>)
      %dma_wait3A_620 = arith.constant 3 : i32
      %dma_wait3A_621 = arith.constant 0 : i32
      %dma_wait3A_622 = arith.constant 0 : i32
      %dma_wait3A_623 = tpu.memref_slice %arg7[%dma_wait3A_620, %dma_wait3A_621, %dma_wait3A_622] : memref<4x50x256xf32, #tpu.memory_space<vmem>> -> memref<1x50x128xf32, #tpu.memory_space<vmem>>
      %dma_wait3A_624 = tpu.memref_squeeze %dma_wait3A_623 : memref<1x50x128xf32, #tpu.memory_space<vmem>> -> memref<50x128xf32, #tpu.memory_space<vmem>>
      %dma_wait3A_625 = arith.constant 0 : i32
      %dma_wait3A_626 = tpu.memref_slice %arg5[%dma_wait3A_625] : memref<7168xi32, #tpu.memory_space<vmem>> -> memref<50xi32, #tpu.memory_space<vmem>>
      %dma_wait3A_627 = arith.constant 0 : i32
      %dma_wait3A_628 = arith.constant 768 : i32
      %dma_wait3A_629 = tpu.memref_slice %arg2[%dma_wait3A_627, %dma_wait3A_628] : memref<100000x2048xf32, #tpu.memory_space<hbm>> -> memref<100000x128xf32, #tpu.memory_space<hbm>>
      tpu.wait_indirect_dma semaphore(%arg9 : memref<!tpu.dma_semaphore, #tpu.memory_space<semaphore_mem>>) src(%dma_wait3A_629 : memref<100000x128xf32, #tpu.memory_space<hbm>>) dst(%dma_wait3A_624 : memref<50x128xf32, #tpu.memory_space<vmem>>)
      %dma_wait3A_630 = arith.constant 3 : i32
      %dma_wait3A_631 = arith.constant 0 : i32
      %dma_wait3A_632 = arith.constant 128 : i32
      %dma_wait3A_633 = tpu.memref_slice %arg7[%dma_wait3A_630, %dma_wait3A_631, %dma_wait3A_632] : memref<4x50x256xf32, #tpu.memory_space<vmem>> -> memref<1x50x128xf32, #tpu.memory_space<vmem>>
      %dma_wait3A_634 = tpu.memref_squeeze %dma_wait3A_633 : memref<1x50x128xf32, #tpu.memory_space<vmem>> -> memref<50x128xf32, #tpu.memory_space<vmem>>
      %dma_wait3A_635 = arith.constant 0 : i32
      %dma_wait3A_636 = tpu.memref_slice %arg5[%dma_wait3A_635] : memref<7168xi32, #tpu.memory_space<vmem>> -> memref<50xi32, #tpu.memory_space<vmem>>
      %dma_wait3A_637 = arith.constant 0 : i32
      %dma_wait3A_638 = arith.constant 896 : i32
      %dma_wait3A_639 = tpu.memref_slice %arg2[%dma_wait3A_637, %dma_wait3A_638] : memref<100000x2048xf32, #tpu.memory_space<hbm>> -> memref<100000x128xf32, #tpu.memory_space<hbm>>
      tpu.wait_indirect_dma semaphore(%arg9 : memref<!tpu.dma_semaphore, #tpu.memory_space<semaphore_mem>>) src(%dma_wait3A_639 : memref<100000x128xf32, #tpu.memory_space<hbm>>) dst(%dma_wait3A_634 : memref<50x128xf32, #tpu.memory_space<vmem>>)
      %mul3A_640 = arith.constant 4 : i32
      %mul3A_641 = arith.muli %add3A_559, %mul3A_640 : i32
      %add3A_642 = arith.addi %mul3A_2, %mul3A_641 : i32
      %dma_start3A_643 = arith.constant 0 : i32
      %dma_start3A_644 = arith.constant 0 : i32
      %dma_start3A_645 = tpu.memref_slice %arg4[%add3A_642, %dma_start3A_643, %dma_start3A_644] : memref<4096x50x256xf32, #tpu.memory_space<hbm>> -> memref<4x50x256xf32, #tpu.memory_space<hbm>>
      %dma_start3A_646 = arith.constant 0 : i32
      %dma_start3A_647 = arith.constant 0 : i32
      %dma_start3A_648 = tpu.memref_slice %arg4[%add3A_642, %dma_start3A_646, %dma_start3A_647] : memref<4096x50x256xf32, #tpu.memory_space<hbm>> -> memref<4x50x256xf32, #tpu.memory_space<hbm>>
      tpu.enqueue_dma source(%arg7 : memref<4x50x256xf32, #tpu.memory_space<vmem>>) target(%dma_start3A_648 : memref<4x50x256xf32, #tpu.memory_space<hbm>>) target_semaphore(%arg11 : memref<!tpu.dma_semaphore, #tpu.memory_space<semaphore_mem>>)
      %dma_wait3A_649 = arith.constant 0 : i32
      %dma_wait3A_650 = arith.constant 0 : i32
      %dma_wait3A_651 = tpu.memref_slice %arg4[%mul3A_2, %dma_wait3A_649, %dma_wait3A_650] : memref<4096x50x256xf32, #tpu.memory_space<hbm>> -> memref<4x50x256xf32, #tpu.memory_space<hbm>>
      %dma_wait3A_652 = arith.constant 0 : i32
      %dma_wait3A_653 = arith.constant 0 : i32
      %dma_wait3A_654 = tpu.memref_slice %arg4[%mul3A_2, %dma_wait3A_652, %dma_wait3A_653] : memref<4096x50x256xf32, #tpu.memory_space<hbm>> -> memref<4x50x256xf32, #tpu.memory_space<hbm>>
      tpu.wait_dma2 semaphore(%arg11 : memref<!tpu.dma_semaphore, #tpu.memory_space<semaphore_mem>>) src(%arg7 : memref<4x50x256xf32, #tpu.memory_space<vmem>>) dst(%dma_wait3A_654 : memref<4x50x256xf32, #tpu.memory_space<hbm>>)
      %add3A_655 = arith.constant 2 : i32
      %add3A_656 = arith.addi %add3A_559, %add3A_655 : i32
      %mul3A_657 = arith.constant 4 : i32
      %mul3A_658 = arith.muli %add3A_656, %mul3A_657 : i32
      %add3A_659 = arith.constant 0 : i32
      %add3A_660 = arith.addi %mul3A_658, %add3A_659 : i32
      %mul3A_661 = arith.constant 56 : i32
      %mul3A_662 = arith.muli %add3A_660, %mul3A_661 : i32
      %dma_start3A_663 = arith.constant 0 : i32
      %dma_start3A_664 = arith.constant 0 : i32
      %dma_start3A_665 = arith.constant 0 : i32
      %dma_start3A_666 = tpu.memref_slice %arg7[%dma_start3A_663, %dma_start3A_664, %dma_start3A_665] : memref<4x50x256xf32, #tpu.memory_space<vmem>> -> memref<1x50x128xf32, #tpu.memory_space<vmem>>
      %dma_start3A_667 = tpu.memref_squeeze %dma_start3A_666 : memref<1x50x128xf32, #tpu.memory_space<vmem>> -> memref<50x128xf32, #tpu.memory_space<vmem>>
      %dma_start3A_668 = tpu.memref_slice %arg5[%mul3A_662] : memref<7168xi32, #tpu.memory_space<vmem>> -> memref<50xi32, #tpu.memory_space<vmem>>
      %dma_start3A_669 = arith.constant 0 : i32
      %dma_start3A_670 = arith.constant 768 : i32
      %dma_start3A_671 = tpu.memref_slice %arg2[%dma_start3A_669, %dma_start3A_670] : memref<100000x2048xf32, #tpu.memory_space<hbm>> -> memref<100000x128xf32, #tpu.memory_space<hbm>>
      tpu.enqueue_indirect_dma source(%dma_start3A_671 : memref<100000x128xf32, #tpu.memory_space<hbm>>) target(%dma_start3A_667 : memref<50x128xf32, #tpu.memory_space<vmem>>) offsets(%dma_start3A_668 : memref<50xi32, #tpu.memory_space<vmem>>) semaphore(%arg9 : memref<!tpu.dma_semaphore, #tpu.memory_space<semaphore_mem>>)
      %dma_start3A_672 = arith.constant 0 : i32
      %dma_start3A_673 = arith.constant 0 : i32
      %dma_start3A_674 = arith.constant 128 : i32
      %dma_start3A_675 = tpu.memref_slice %arg7[%dma_start3A_672, %dma_start3A_673, %dma_start3A_674] : memref<4x50x256xf32, #tpu.memory_space<vmem>> -> memref<1x50x128xf32, #tpu.memory_space<vmem>>
      %dma_start3A_676 = tpu.memref_squeeze %dma_start3A_675 : memref<1x50x128xf32, #tpu.memory_space<vmem>> -> memref<50x128xf32, #tpu.memory_space<vmem>>
      %dma_start3A_677 = tpu.memref_slice %arg5[%mul3A_662] : memref<7168xi32, #tpu.memory_space<vmem>> -> memref<50xi32, #tpu.memory_space<vmem>>
      %dma_start3A_678 = arith.constant 0 : i32
      %dma_start3A_679 = arith.constant 896 : i32
      %dma_start3A_680 = tpu.memref_slice %arg2[%dma_start3A_678, %dma_start3A_679] : memref<100000x2048xf32, #tpu.memory_space<hbm>> -> memref<100000x128xf32, #tpu.memory_space<hbm>>
      tpu.enqueue_indirect_dma source(%dma_start3A_680 : memref<100000x128xf32, #tpu.memory_space<hbm>>) target(%dma_start3A_676 : memref<50x128xf32, #tpu.memory_space<vmem>>) offsets(%dma_start3A_677 : memref<50xi32, #tpu.memory_space<vmem>>) semaphore(%arg9 : memref<!tpu.dma_semaphore, #tpu.memory_space<semaphore_mem>>)
      %mul3A_681 = arith.constant 4 : i32
      %mul3A_682 = arith.muli %add3A_656, %mul3A_681 : i32
      %add3A_683 = arith.constant 1 : i32
      %add3A_684 = arith.addi %mul3A_682, %add3A_683 : i32
      %mul3A_685 = arith.constant 56 : i32
      %mul3A_686 = arith.muli %add3A_684, %mul3A_685 : i32
      %dma_start3A_687 = arith.constant 1 : i32
      %dma_start3A_688 = arith.constant 0 : i32
      %dma_start3A_689 = arith.constant 0 : i32
      %dma_start3A_690 = tpu.memref_slice %arg7[%dma_start3A_687, %dma_start3A_688, %dma_start3A_689] : memref<4x50x256xf32, #tpu.memory_space<vmem>> -> memref<1x50x128xf32, #tpu.memory_space<vmem>>
      %dma_start3A_691 = tpu.memref_squeeze %dma_start3A_690 : memref<1x50x128xf32, #tpu.memory_space<vmem>> -> memref<50x128xf32, #tpu.memory_space<vmem>>
      %dma_start3A_692 = tpu.memref_slice %arg5[%mul3A_686] : memref<7168xi32, #tpu.memory_space<vmem>> -> memref<50xi32, #tpu.memory_space<vmem>>
      %dma_start3A_693 = arith.constant 0 : i32
      %dma_start3A_694 = arith.constant 768 : i32
      %dma_start3A_695 = tpu.memref_slice %arg2[%dma_start3A_693, %dma_start3A_694] : memref<100000x2048xf32, #tpu.memory_space<hbm>> -> memref<100000x128xf32, #tpu.memory_space<hbm>>
      tpu.enqueue_indirect_dma source(%dma_start3A_695 : memref<100000x128xf32, #tpu.memory_space<hbm>>) target(%dma_start3A_691 : memref<50x128xf32, #tpu.memory_space<vmem>>) offsets(%dma_start3A_692 : memref<50xi32, #tpu.memory_space<vmem>>) semaphore(%arg9 : memref<!tpu.dma_semaphore, #tpu.memory_space<semaphore_mem>>)
      %dma_start3A_696 = arith.constant 1 : i32
      %dma_start3A_697 = arith.constant 0 : i32
      %dma_start3A_698 = arith.constant 128 : i32
      %dma_start3A_699 = tpu.memref_slice %arg7[%dma_start3A_696, %dma_start3A_697, %dma_start3A_698] : memref<4x50x256xf32, #tpu.memory_space<vmem>> -> memref<1x50x128xf32, #tpu.memory_space<vmem>>
      %dma_start3A_700 = tpu.memref_squeeze %dma_start3A_699 : memref<1x50x128xf32, #tpu.memory_space<vmem>> -> memref<50x128xf32, #tpu.memory_space<vmem>>
      %dma_start3A_701 = tpu.memref_slice %arg5[%mul3A_686] : memref<7168xi32, #tpu.memory_space<vmem>> -> memref<50xi32, #tpu.memory_space<vmem>>
      %dma_start3A_702 = arith.constant 0 : i32
      %dma_start3A_703 = arith.constant 896 : i32
      %dma_start3A_704 = tpu.memref_slice %arg2[%dma_start3A_702, %dma_start3A_703] : memref<100000x2048xf32, #tpu.memory_space<hbm>> -> memref<100000x128xf32, #tpu.memory_space<hbm>>
      tpu.enqueue_indirect_dma source(%dma_start3A_704 : memref<100000x128xf32, #tpu.memory_space<hbm>>) target(%dma_start3A_700 : memref<50x128xf32, #tpu.memory_space<vmem>>) offsets(%dma_start3A_701 : memref<50xi32, #tpu.memory_space<vmem>>) semaphore(%arg9 : memref<!tpu.dma_semaphore, #tpu.memory_space<semaphore_mem>>)
      %mul3A_705 = arith.constant 4 : i32
      %mul3A_706 = arith.muli %add3A_656, %mul3A_705 : i32
      %add3A_707 = arith.constant 2 : i32
      %add3A_708 = arith.addi %mul3A_706, %add3A_707 : i32
      %mul3A_709 = arith.constant 56 : i32
      %mul3A_710 = arith.muli %add3A_708, %mul3A_709 : i32
      %dma_start3A_711 = arith.constant 2 : i32
      %dma_start3A_712 = arith.constant 0 : i32
      %dma_start3A_713 = arith.constant 0 : i32
      %dma_start3A_714 = tpu.memref_slice %arg7[%dma_start3A_711, %dma_start3A_712, %dma_start3A_713] : memref<4x50x256xf32, #tpu.memory_space<vmem>> -> memref<1x50x128xf32, #tpu.memory_space<vmem>>
      %dma_start3A_715 = tpu.memref_squeeze %dma_start3A_714 : memref<1x50x128xf32, #tpu.memory_space<vmem>> -> memref<50x128xf32, #tpu.memory_space<vmem>>
      %dma_start3A_716 = tpu.memref_slice %arg5[%mul3A_710] : memref<7168xi32, #tpu.memory_space<vmem>> -> memref<50xi32, #tpu.memory_space<vmem>>
      %dma_start3A_717 = arith.constant 0 : i32
      %dma_start3A_718 = arith.constant 768 : i32
      %dma_start3A_719 = tpu.memref_slice %arg2[%dma_start3A_717, %dma_start3A_718] : memref<100000x2048xf32, #tpu.memory_space<hbm>> -> memref<100000x128xf32, #tpu.memory_space<hbm>>
      tpu.enqueue_indirect_dma source(%dma_start3A_719 : memref<100000x128xf32, #tpu.memory_space<hbm>>) target(%dma_start3A_715 : memref<50x128xf32, #tpu.memory_space<vmem>>) offsets(%dma_start3A_716 : memref<50xi32, #tpu.memory_space<vmem>>) semaphore(%arg9 : memref<!tpu.dma_semaphore, #tpu.memory_space<semaphore_mem>>)
      %dma_start3A_720 = arith.constant 2 : i32
      %dma_start3A_721 = arith.constant 0 : i32
      %dma_start3A_722 = arith.constant 128 : i32
      %dma_start3A_723 = tpu.memref_slice %arg7[%dma_start3A_720, %dma_start3A_721, %dma_start3A_722] : memref<4x50x256xf32, #tpu.memory_space<vmem>> -> memref<1x50x128xf32, #tpu.memory_space<vmem>>
      %dma_start3A_724 = tpu.memref_squeeze %dma_start3A_723 : memref<1x50x128xf32, #tpu.memory_space<vmem>> -> memref<50x128xf32, #tpu.memory_space<vmem>>
      %dma_start3A_725 = tpu.memref_slice %arg5[%mul3A_710] : memref<7168xi32, #tpu.memory_space<vmem>> -> memref<50xi32, #tpu.memory_space<vmem>>
      %dma_start3A_726 = arith.constant 0 : i32
      %dma_start3A_727 = arith.constant 896 : i32
      %dma_start3A_728 = tpu.memref_slice %arg2[%dma_start3A_726, %dma_start3A_727] : memref<100000x2048xf32, #tpu.memory_space<hbm>> -> memref<100000x128xf32, #tpu.memory_space<hbm>>
      tpu.enqueue_indirect_dma source(%dma_start3A_728 : memref<100000x128xf32, #tpu.memory_space<hbm>>) target(%dma_start3A_724 : memref<50x128xf32, #tpu.memory_space<vmem>>) offsets(%dma_start3A_725 : memref<50xi32, #tpu.memory_space<vmem>>) semaphore(%arg9 : memref<!tpu.dma_semaphore, #tpu.memory_space<semaphore_mem>>)
      %mul3A_729 = arith.constant 4 : i32
      %mul3A_730 = arith.muli %add3A_656, %mul3A_729 : i32
      %add3A_731 = arith.constant 3 : i32
      %add3A_732 = arith.addi %mul3A_730, %add3A_731 : i32
      %mul3A_733 = arith.constant 56 : i32
      %mul3A_734 = arith.muli %add3A_732, %mul3A_733 : i32
      %dma_start3A_735 = arith.constant 3 : i32
      %dma_start3A_736 = arith.constant 0 : i32
      %dma_start3A_737 = arith.constant 0 : i32
      %dma_start3A_738 = tpu.memref_slice %arg7[%dma_start3A_735, %dma_start3A_736, %dma_start3A_737] : memref<4x50x256xf32, #tpu.memory_space<vmem>> -> memref<1x50x128xf32, #tpu.memory_space<vmem>>
      %dma_start3A_739 = tpu.memref_squeeze %dma_start3A_738 : memref<1x50x128xf32, #tpu.memory_space<vmem>> -> memref<50x128xf32, #tpu.memory_space<vmem>>
      %dma_start3A_740 = tpu.memref_slice %arg5[%mul3A_734] : memref<7168xi32, #tpu.memory_space<vmem>> -> memref<50xi32, #tpu.memory_space<vmem>>
      %dma_start3A_741 = arith.constant 0 : i32
      %dma_start3A_742 = arith.constant 768 : i32
      %dma_start3A_743 = tpu.memref_slice %arg2[%dma_start3A_741, %dma_start3A_742] : memref<100000x2048xf32, #tpu.memory_space<hbm>> -> memref<100000x128xf32, #tpu.memory_space<hbm>>
      tpu.enqueue_indirect_dma source(%dma_start3A_743 : memref<100000x128xf32, #tpu.memory_space<hbm>>) target(%dma_start3A_739 : memref<50x128xf32, #tpu.memory_space<vmem>>) offsets(%dma_start3A_740 : memref<50xi32, #tpu.memory_space<vmem>>) semaphore(%arg9 : memref<!tpu.dma_semaphore, #tpu.memory_space<semaphore_mem>>)
      %dma_start3A_744 = arith.constant 3 : i32
      %dma_start3A_745 = arith.constant 0 : i32
      %dma_start3A_746 = arith.constant 128 : i32
      %dma_start3A_747 = tpu.memref_slice %arg7[%dma_start3A_744, %dma_start3A_745, %dma_start3A_746] : memref<4x50x256xf32, #tpu.memory_space<vmem>> -> memref<1x50x128xf32, #tpu.memory_space<vmem>>
      %dma_start3A_748 = tpu.memref_squeeze %dma_start3A_747 : memref<1x50x128xf32, #tpu.memory_space<vmem>> -> memref<50x128xf32, #tpu.memory_space<vmem>>
      %dma_start3A_749 = tpu.memref_slice %arg5[%mul3A_734] : memref<7168xi32, #tpu.memory_space<vmem>> -> memref<50xi32, #tpu.memory_space<vmem>>
      %dma_start3A_750 = arith.constant 0 : i32
      %dma_start3A_751 = arith.constant 896 : i32
      %dma_start3A_752 = tpu.memref_slice %arg2[%dma_start3A_750, %dma_start3A_751] : memref<100000x2048xf32, #tpu.memory_space<hbm>> -> memref<100000x128xf32, #tpu.memory_space<hbm>>
      tpu.enqueue_indirect_dma source(%dma_start3A_752 : memref<100000x128xf32, #tpu.memory_space<hbm>>) target(%dma_start3A_748 : memref<50x128xf32, #tpu.memory_space<vmem>>) offsets(%dma_start3A_749 : memref<50xi32, #tpu.memory_space<vmem>>) semaphore(%arg9 : memref<!tpu.dma_semaphore, #tpu.memory_space<semaphore_mem>>)
      %scan3A_753 = arith.constant 0 : i32
      scf.yield %scan3A_753 : i32
    }
    %scan3A_169 = arith.constant 15 : i32
    %dma_wait3A = arith.constant 0 : i32
    %dma_wait3A_170 = arith.constant 0 : i32
    %dma_wait3A_171 = arith.constant 0 : i32
    %dma_wait3A_172 = tpu.memref_slice %arg6[%dma_wait3A, %dma_wait3A_170, %dma_wait3A_171] : memref<4x50x256xf32, #tpu.memory_space<vmem>> -> memref<1x50x128xf32, #tpu.memory_space<vmem>>
    %dma_wait3A_173 = tpu.memref_squeeze %dma_wait3A_172 : memref<1x50x128xf32, #tpu.memory_space<vmem>> -> memref<50x128xf32, #tpu.memory_space<vmem>>
    %dma_wait3A_174 = arith.constant 0 : i32
    %dma_wait3A_175 = tpu.memref_slice %arg5[%dma_wait3A_174] : memref<7168xi32, #tpu.memory_space<vmem>> -> memref<50xi32, #tpu.memory_space<vmem>>
    %dma_wait3A_176 = arith.constant 0 : i32
    %dma_wait3A_177 = arith.constant 768 : i32
    %dma_wait3A_178 = tpu.memref_slice %arg2[%dma_wait3A_176, %dma_wait3A_177] : memref<100000x2048xf32, #tpu.memory_space<hbm>> -> memref<100000x128xf32, #tpu.memory_space<hbm>>
    tpu.wait_indirect_dma semaphore(%arg8 : memref<!tpu.dma_semaphore, #tpu.memory_space<semaphore_mem>>) src(%dma_wait3A_178 : memref<100000x128xf32, #tpu.memory_space<hbm>>) dst(%dma_wait3A_173 : memref<50x128xf32, #tpu.memory_space<vmem>>)
    %dma_wait3A_179 = arith.constant 0 : i32
    %dma_wait3A_180 = arith.constant 0 : i32
    %dma_wait3A_181 = arith.constant 128 : i32
    %dma_wait3A_182 = tpu.memref_slice %arg6[%dma_wait3A_179, %dma_wait3A_180, %dma_wait3A_181] : memref<4x50x256xf32, #tpu.memory_space<vmem>> -> memref<1x50x128xf32, #tpu.memory_space<vmem>>
    %dma_wait3A_183 = tpu.memref_squeeze %dma_wait3A_182 : memref<1x50x128xf32, #tpu.memory_space<vmem>> -> memref<50x128xf32, #tpu.memory_space<vmem>>
    %dma_wait3A_184 = arith.constant 0 : i32
    %dma_wait3A_185 = tpu.memref_slice %arg5[%dma_wait3A_184] : memref<7168xi32, #tpu.memory_space<vmem>> -> memref<50xi32, #tpu.memory_space<vmem>>
    %dma_wait3A_186 = arith.constant 0 : i32
    %dma_wait3A_187 = arith.constant 896 : i32
    %dma_wait3A_188 = tpu.memref_slice %arg2[%dma_wait3A_186, %dma_wait3A_187] : memref<100000x2048xf32, #tpu.memory_space<hbm>> -> memref<100000x128xf32, #tpu.memory_space<hbm>>
    tpu.wait_indirect_dma semaphore(%arg8 : memref<!tpu.dma_semaphore, #tpu.memory_space<semaphore_mem>>) src(%dma_wait3A_188 : memref<100000x128xf32, #tpu.memory_space<hbm>>) dst(%dma_wait3A_183 : memref<50x128xf32, #tpu.memory_space<vmem>>)
    %dma_wait3A_189 = arith.constant 1 : i32
    %dma_wait3A_190 = arith.constant 0 : i32
    %dma_wait3A_191 = arith.constant 0 : i32
    %dma_wait3A_192 = tpu.memref_slice %arg6[%dma_wait3A_189, %dma_wait3A_190, %dma_wait3A_191] : memref<4x50x256xf32, #tpu.memory_space<vmem>> -> memref<1x50x128xf32, #tpu.memory_space<vmem>>
    %dma_wait3A_193 = tpu.memref_squeeze %dma_wait3A_192 : memref<1x50x128xf32, #tpu.memory_space<vmem>> -> memref<50x128xf32, #tpu.memory_space<vmem>>
    %dma_wait3A_194 = arith.constant 0 : i32
    %dma_wait3A_195 = tpu.memref_slice %arg5[%dma_wait3A_194] : memref<7168xi32, #tpu.memory_space<vmem>> -> memref<50xi32, #tpu.memory_space<vmem>>
    %dma_wait3A_196 = arith.constant 0 : i32
    %dma_wait3A_197 = arith.constant 768 : i32
    %dma_wait3A_198 = tpu.memref_slice %arg2[%dma_wait3A_196, %dma_wait3A_197] : memref<100000x2048xf32, #tpu.memory_space<hbm>> -> memref<100000x128xf32, #tpu.memory_space<hbm>>
    tpu.wait_indirect_dma semaphore(%arg8 : memref<!tpu.dma_semaphore, #tpu.memory_space<semaphore_mem>>) src(%dma_wait3A_198 : memref<100000x128xf32, #tpu.memory_space<hbm>>) dst(%dma_wait3A_193 : memref<50x128xf32, #tpu.memory_space<vmem>>)
    %dma_wait3A_199 = arith.constant 1 : i32
    %dma_wait3A_200 = arith.constant 0 : i32
    %dma_wait3A_201 = arith.constant 128 : i32
    %dma_wait3A_202 = tpu.memref_slice %arg6[%dma_wait3A_199, %dma_wait3A_200, %dma_wait3A_201] : memref<4x50x256xf32, #tpu.memory_space<vmem>> -> memref<1x50x128xf32, #tpu.memory_space<vmem>>
    %dma_wait3A_203 = tpu.memref_squeeze %dma_wait3A_202 : memref<1x50x128xf32, #tpu.memory_space<vmem>> -> memref<50x128xf32, #tpu.memory_space<vmem>>
    %dma_wait3A_204 = arith.constant 0 : i32
    %dma_wait3A_205 = tpu.memref_slice %arg5[%dma_wait3A_204] : memref<7168xi32, #tpu.memory_space<vmem>> -> memref<50xi32, #tpu.memory_space<vmem>>
    %dma_wait3A_206 = arith.constant 0 : i32
    %dma_wait3A_207 = arith.constant 896 : i32
    %dma_wait3A_208 = tpu.memref_slice %arg2[%dma_wait3A_206, %dma_wait3A_207] : memref<100000x2048xf32, #tpu.memory_space<hbm>> -> memref<100000x128xf32, #tpu.memory_space<hbm>>
    tpu.wait_indirect_dma semaphore(%arg8 : memref<!tpu.dma_semaphore, #tpu.memory_space<semaphore_mem>>) src(%dma_wait3A_208 : memref<100000x128xf32, #tpu.memory_space<hbm>>) dst(%dma_wait3A_203 : memref<50x128xf32, #tpu.memory_space<vmem>>)
    %dma_wait3A_209 = arith.constant 2 : i32
    %dma_wait3A_210 = arith.constant 0 : i32
    %dma_wait3A_211 = arith.constant 0 : i32
    %dma_wait3A_212 = tpu.memref_slice %arg6[%dma_wait3A_209, %dma_wait3A_210, %dma_wait3A_211] : memref<4x50x256xf32, #tpu.memory_space<vmem>> -> memref<1x50x128xf32, #tpu.memory_space<vmem>>
    %dma_wait3A_213 = tpu.memref_squeeze %dma_wait3A_212 : memref<1x50x128xf32, #tpu.memory_space<vmem>> -> memref<50x128xf32, #tpu.memory_space<vmem>>
    %dma_wait3A_214 = arith.constant 0 : i32
    %dma_wait3A_215 = tpu.memref_slice %arg5[%dma_wait3A_214] : memref<7168xi32, #tpu.memory_space<vmem>> -> memref<50xi32, #tpu.memory_space<vmem>>
    %dma_wait3A_216 = arith.constant 0 : i32
    %dma_wait3A_217 = arith.constant 768 : i32
    %dma_wait3A_218 = tpu.memref_slice %arg2[%dma_wait3A_216, %dma_wait3A_217] : memref<100000x2048xf32, #tpu.memory_space<hbm>> -> memref<100000x128xf32, #tpu.memory_space<hbm>>
    tpu.wait_indirect_dma semaphore(%arg8 : memref<!tpu.dma_semaphore, #tpu.memory_space<semaphore_mem>>) src(%dma_wait3A_218 : memref<100000x128xf32, #tpu.memory_space<hbm>>) dst(%dma_wait3A_213 : memref<50x128xf32, #tpu.memory_space<vmem>>)
    %dma_wait3A_219 = arith.constant 2 : i32
    %dma_wait3A_220 = arith.constant 0 : i32
    %dma_wait3A_221 = arith.constant 128 : i32
    %dma_wait3A_222 = tpu.memref_slice %arg6[%dma_wait3A_219, %dma_wait3A_220, %dma_wait3A_221] : memref<4x50x256xf32, #tpu.memory_space<vmem>> -> memref<1x50x128xf32, #tpu.memory_space<vmem>>
    %dma_wait3A_223 = tpu.memref_squeeze %dma_wait3A_222 : memref<1x50x128xf32, #tpu.memory_space<vmem>> -> memref<50x128xf32, #tpu.memory_space<vmem>>
    %dma_wait3A_224 = arith.constant 0 : i32
    %dma_wait3A_225 = tpu.memref_slice %arg5[%dma_wait3A_224] : memref<7168xi32, #tpu.memory_space<vmem>> -> memref<50xi32, #tpu.memory_space<vmem>>
    %dma_wait3A_226 = arith.constant 0 : i32
    %dma_wait3A_227 = arith.constant 896 : i32
    %dma_wait3A_228 = tpu.memref_slice %arg2[%dma_wait3A_226, %dma_wait3A_227] : memref<100000x2048xf32, #tpu.memory_space<hbm>> -> memref<100000x128xf32, #tpu.memory_space<hbm>>
    tpu.wait_indirect_dma semaphore(%arg8 : memref<!tpu.dma_semaphore, #tpu.memory_space<semaphore_mem>>) src(%dma_wait3A_228 : memref<100000x128xf32, #tpu.memory_space<hbm>>) dst(%dma_wait3A_223 : memref<50x128xf32, #tpu.memory_space<vmem>>)
    %dma_wait3A_229 = arith.constant 3 : i32
    %dma_wait3A_230 = arith.constant 0 : i32
    %dma_wait3A_231 = arith.constant 0 : i32
    %dma_wait3A_232 = tpu.memref_slice %arg6[%dma_wait3A_229, %dma_wait3A_230, %dma_wait3A_231] : memref<4x50x256xf32, #tpu.memory_space<vmem>> -> memref<1x50x128xf32, #tpu.memory_space<vmem>>
    %dma_wait3A_233 = tpu.memref_squeeze %dma_wait3A_232 : memref<1x50x128xf32, #tpu.memory_space<vmem>> -> memref<50x128xf32, #tpu.memory_space<vmem>>
    %dma_wait3A_234 = arith.constant 0 : i32
    %dma_wait3A_235 = tpu.memref_slice %arg5[%dma_wait3A_234] : memref<7168xi32, #tpu.memory_space<vmem>> -> memref<50xi32, #tpu.memory_space<vmem>>
    %dma_wait3A_236 = arith.constant 0 : i32
    %dma_wait3A_237 = arith.constant 768 : i32
    %dma_wait3A_238 = tpu.memref_slice %arg2[%dma_wait3A_236, %dma_wait3A_237] : memref<100000x2048xf32, #tpu.memory_space<hbm>> -> memref<100000x128xf32, #tpu.memory_space<hbm>>
    tpu.wait_indirect_dma semaphore(%arg8 : memref<!tpu.dma_semaphore, #tpu.memory_space<semaphore_mem>>) src(%dma_wait3A_238 : memref<100000x128xf32, #tpu.memory_space<hbm>>) dst(%dma_wait3A_233 : memref<50x128xf32, #tpu.memory_space<vmem>>)
    %dma_wait3A_239 = arith.constant 3 : i32
    %dma_wait3A_240 = arith.constant 0 : i32
    %dma_wait3A_241 = arith.constant 128 : i32
    %dma_wait3A_242 = tpu.memref_slice %arg6[%dma_wait3A_239, %dma_wait3A_240, %dma_wait3A_241] : memref<4x50x256xf32, #tpu.memory_space<vmem>> -> memref<1x50x128xf32, #tpu.memory_space<vmem>>
    %dma_wait3A_243 = tpu.memref_squeeze %dma_wait3A_242 : memref<1x50x128xf32, #tpu.memory_space<vmem>> -> memref<50x128xf32, #tpu.memory_space<vmem>>
    %dma_wait3A_244 = arith.constant 0 : i32
    %dma_wait3A_245 = tpu.memref_slice %arg5[%dma_wait3A_244] : memref<7168xi32, #tpu.memory_space<vmem>> -> memref<50xi32, #tpu.memory_space<vmem>>
    %dma_wait3A_246 = arith.constant 0 : i32
    %dma_wait3A_247 = arith.constant 896 : i32
    %dma_wait3A_248 = tpu.memref_slice %arg2[%dma_wait3A_246, %dma_wait3A_247] : memref<100000x2048xf32, #tpu.memory_space<hbm>> -> memref<100000x128xf32, #tpu.memory_space<hbm>>
    tpu.wait_indirect_dma semaphore(%arg8 : memref<!tpu.dma_semaphore, #tpu.memory_space<semaphore_mem>>) src(%dma_wait3A_248 : memref<100000x128xf32, #tpu.memory_space<hbm>>) dst(%dma_wait3A_243 : memref<50x128xf32, #tpu.memory_space<vmem>>)
    %add3A_249 = arith.constant 120 : i32
    %add3A_250 = arith.addi %mul3A_2, %add3A_249 : i32
    %dma_start3A_251 = arith.constant 0 : i32
    %dma_start3A_252 = arith.constant 0 : i32
    %dma_start3A_253 = tpu.memref_slice %arg4[%add3A_250, %dma_start3A_251, %dma_start3A_252] : memref<4096x50x256xf32, #tpu.memory_space<hbm>> -> memref<4x50x256xf32, #tpu.memory_space<hbm>>
    %dma_start3A_254 = arith.constant 0 : i32
    %dma_start3A_255 = arith.constant 0 : i32
    %dma_start3A_256 = tpu.memref_slice %arg4[%add3A_250, %dma_start3A_254, %dma_start3A_255] : memref<4096x50x256xf32, #tpu.memory_space<hbm>> -> memref<4x50x256xf32, #tpu.memory_space<hbm>>
    tpu.enqueue_dma source(%arg6 : memref<4x50x256xf32, #tpu.memory_space<vmem>>) target(%dma_start3A_256 : memref<4x50x256xf32, #tpu.memory_space<hbm>>) target_semaphore(%arg10 : memref<!tpu.dma_semaphore, #tpu.memory_space<semaphore_mem>>)
    %dma_wait3A_257 = arith.constant 0 : i32
    %dma_wait3A_258 = arith.constant 0 : i32
    %dma_wait3A_259 = arith.constant 0 : i32
    %dma_wait3A_260 = tpu.memref_slice %arg7[%dma_wait3A_257, %dma_wait3A_258, %dma_wait3A_259] : memref<4x50x256xf32, #tpu.memory_space<vmem>> -> memref<1x50x128xf32, #tpu.memory_space<vmem>>
    %dma_wait3A_261 = tpu.memref_squeeze %dma_wait3A_260 : memref<1x50x128xf32, #tpu.memory_space<vmem>> -> memref<50x128xf32, #tpu.memory_space<vmem>>
    %dma_wait3A_262 = arith.constant 0 : i32
    %dma_wait3A_263 = tpu.memref_slice %arg5[%dma_wait3A_262] : memref<7168xi32, #tpu.memory_space<vmem>> -> memref<50xi32, #tpu.memory_space<vmem>>
    %dma_wait3A_264 = arith.constant 0 : i32
    %dma_wait3A_265 = arith.constant 768 : i32
    %dma_wait3A_266 = tpu.memref_slice %arg2[%dma_wait3A_264, %dma_wait3A_265] : memref<100000x2048xf32, #tpu.memory_space<hbm>> -> memref<100000x128xf32, #tpu.memory_space<hbm>>
    tpu.wait_indirect_dma semaphore(%arg9 : memref<!tpu.dma_semaphore, #tpu.memory_space<semaphore_mem>>) src(%dma_wait3A_266 : memref<100000x128xf32, #tpu.memory_space<hbm>>) dst(%dma_wait3A_261 : memref<50x128xf32, #tpu.memory_space<vmem>>)
    %dma_wait3A_267 = arith.constant 0 : i32
    %dma_wait3A_268 = arith.constant 0 : i32
    %dma_wait3A_269 = arith.constant 128 : i32
    %dma_wait3A_270 = tpu.memref_slice %arg7[%dma_wait3A_267, %dma_wait3A_268, %dma_wait3A_269] : memref<4x50x256xf32, #tpu.memory_space<vmem>> -> memref<1x50x128xf32, #tpu.memory_space<vmem>>
    %dma_wait3A_271 = tpu.memref_squeeze %dma_wait3A_270 : memref<1x50x128xf32, #tpu.memory_space<vmem>> -> memref<50x128xf32, #tpu.memory_space<vmem>>
    %dma_wait3A_272 = arith.constant 0 : i32
    %dma_wait3A_273 = tpu.memref_slice %arg5[%dma_wait3A_272] : memref<7168xi32, #tpu.memory_space<vmem>> -> memref<50xi32, #tpu.memory_space<vmem>>
    %dma_wait3A_274 = arith.constant 0 : i32
    %dma_wait3A_275 = arith.constant 896 : i32
    %dma_wait3A_276 = tpu.memref_slice %arg2[%dma_wait3A_274, %dma_wait3A_275] : memref<100000x2048xf32, #tpu.memory_space<hbm>> -> memref<100000x128xf32, #tpu.memory_space<hbm>>
    tpu.wait_indirect_dma semaphore(%arg9 : memref<!tpu.dma_semaphore, #tpu.memory_space<semaphore_mem>>) src(%dma_wait3A_276 : memref<100000x128xf32, #tpu.memory_space<hbm>>) dst(%dma_wait3A_271 : memref<50x128xf32, #tpu.memory_space<vmem>>)
    %dma_wait3A_277 = arith.constant 1 : i32
    %dma_wait3A_278 = arith.constant 0 : i32
    %dma_wait3A_279 = arith.constant 0 : i32
    %dma_wait3A_280 = tpu.memref_slice %arg7[%dma_wait3A_277, %dma_wait3A_278, %dma_wait3A_279] : memref<4x50x256xf32, #tpu.memory_space<vmem>> -> memref<1x50x128xf32, #tpu.memory_space<vmem>>
    %dma_wait3A_281 = tpu.memref_squeeze %dma_wait3A_280 : memref<1x50x128xf32, #tpu.memory_space<vmem>> -> memref<50x128xf32, #tpu.memory_space<vmem>>
    %dma_wait3A_282 = arith.constant 0 : i32
    %dma_wait3A_283 = tpu.memref_slice %arg5[%dma_wait3A_282] : memref<7168xi32, #tpu.memory_space<vmem>> -> memref<50xi32, #tpu.memory_space<vmem>>
    %dma_wait3A_284 = arith.constant 0 : i32
    %dma_wait3A_285 = arith.constant 768 : i32
    %dma_wait3A_286 = tpu.memref_slice %arg2[%dma_wait3A_284, %dma_wait3A_285] : memref<100000x2048xf32, #tpu.memory_space<hbm>> -> memref<100000x128xf32, #tpu.memory_space<hbm>>
    tpu.wait_indirect_dma semaphore(%arg9 : memref<!tpu.dma_semaphore, #tpu.memory_space<semaphore_mem>>) src(%dma_wait3A_286 : memref<100000x128xf32, #tpu.memory_space<hbm>>) dst(%dma_wait3A_281 : memref<50x128xf32, #tpu.memory_space<vmem>>)
    %dma_wait3A_287 = arith.constant 1 : i32
    %dma_wait3A_288 = arith.constant 0 : i32
    %dma_wait3A_289 = arith.constant 128 : i32
    %dma_wait3A_290 = tpu.memref_slice %arg7[%dma_wait3A_287, %dma_wait3A_288, %dma_wait3A_289] : memref<4x50x256xf32, #tpu.memory_space<vmem>> -> memref<1x50x128xf32, #tpu.memory_space<vmem>>
    %dma_wait3A_291 = tpu.memref_squeeze %dma_wait3A_290 : memref<1x50x128xf32, #tpu.memory_space<vmem>> -> memref<50x128xf32, #tpu.memory_space<vmem>>
    %dma_wait3A_292 = arith.constant 0 : i32
    %dma_wait3A_293 = tpu.memref_slice %arg5[%dma_wait3A_292] : memref<7168xi32, #tpu.memory_space<vmem>> -> memref<50xi32, #tpu.memory_space<vmem>>
    %dma_wait3A_294 = arith.constant 0 : i32
    %dma_wait3A_295 = arith.constant 896 : i32
    %dma_wait3A_296 = tpu.memref_slice %arg2[%dma_wait3A_294, %dma_wait3A_295] : memref<100000x2048xf32, #tpu.memory_space<hbm>> -> memref<100000x128xf32, #tpu.memory_space<hbm>>
    tpu.wait_indirect_dma semaphore(%arg9 : memref<!tpu.dma_semaphore, #tpu.memory_space<semaphore_mem>>) src(%dma_wait3A_296 : memref<100000x128xf32, #tpu.memory_space<hbm>>) dst(%dma_wait3A_291 : memref<50x128xf32, #tpu.memory_space<vmem>>)
    %dma_wait3A_297 = arith.constant 2 : i32
    %dma_wait3A_298 = arith.constant 0 : i32
    %dma_wait3A_299 = arith.constant 0 : i32
    %dma_wait3A_300 = tpu.memref_slice %arg7[%dma_wait3A_297, %dma_wait3A_298, %dma_wait3A_299] : memref<4x50x256xf32, #tpu.memory_space<vmem>> -> memref<1x50x128xf32, #tpu.memory_space<vmem>>
    %dma_wait3A_301 = tpu.memref_squeeze %dma_wait3A_300 : memref<1x50x128xf32, #tpu.memory_space<vmem>> -> memref<50x128xf32, #tpu.memory_space<vmem>>
    %dma_wait3A_302 = arith.constant 0 : i32
    %dma_wait3A_303 = tpu.memref_slice %arg5[%dma_wait3A_302] : memref<7168xi32, #tpu.memory_space<vmem>> -> memref<50xi32, #tpu.memory_space<vmem>>
    %dma_wait3A_304 = arith.constant 0 : i32
    %dma_wait3A_305 = arith.constant 768 : i32
    %dma_wait3A_306 = tpu.memref_slice %arg2[%dma_wait3A_304, %dma_wait3A_305] : memref<100000x2048xf32, #tpu.memory_space<hbm>> -> memref<100000x128xf32, #tpu.memory_space<hbm>>
    tpu.wait_indirect_dma semaphore(%arg9 : memref<!tpu.dma_semaphore, #tpu.memory_space<semaphore_mem>>) src(%dma_wait3A_306 : memref<100000x128xf32, #tpu.memory_space<hbm>>) dst(%dma_wait3A_301 : memref<50x128xf32, #tpu.memory_space<vmem>>)
    %dma_wait3A_307 = arith.constant 2 : i32
    %dma_wait3A_308 = arith.constant 0 : i32
    %dma_wait3A_309 = arith.constant 128 : i32
    %dma_wait3A_310 = tpu.memref_slice %arg7[%dma_wait3A_307, %dma_wait3A_308, %dma_wait3A_309] : memref<4x50x256xf32, #tpu.memory_space<vmem>> -> memref<1x50x128xf32, #tpu.memory_space<vmem>>
    %dma_wait3A_311 = tpu.memref_squeeze %dma_wait3A_310 : memref<1x50x128xf32, #tpu.memory_space<vmem>> -> memref<50x128xf32, #tpu.memory_space<vmem>>
    %dma_wait3A_312 = arith.constant 0 : i32
    %dma_wait3A_313 = tpu.memref_slice %arg5[%dma_wait3A_312] : memref<7168xi32, #tpu.memory_space<vmem>> -> memref<50xi32, #tpu.memory_space<vmem>>
    %dma_wait3A_314 = arith.constant 0 : i32
    %dma_wait3A_315 = arith.constant 896 : i32
    %dma_wait3A_316 = tpu.memref_slice %arg2[%dma_wait3A_314, %dma_wait3A_315] : memref<100000x2048xf32, #tpu.memory_space<hbm>> -> memref<100000x128xf32, #tpu.memory_space<hbm>>
    tpu.wait_indirect_dma semaphore(%arg9 : memref<!tpu.dma_semaphore, #tpu.memory_space<semaphore_mem>>) src(%dma_wait3A_316 : memref<100000x128xf32, #tpu.memory_space<hbm>>) dst(%dma_wait3A_311 : memref<50x128xf32, #tpu.memory_space<vmem>>)
    %dma_wait3A_317 = arith.constant 3 : i32
    %dma_wait3A_318 = arith.constant 0 : i32
    %dma_wait3A_319 = arith.constant 0 : i32
    %dma_wait3A_320 = tpu.memref_slice %arg7[%dma_wait3A_317, %dma_wait3A_318, %dma_wait3A_319] : memref<4x50x256xf32, #tpu.memory_space<vmem>> -> memref<1x50x128xf32, #tpu.memory_space<vmem>>
    %dma_wait3A_321 = tpu.memref_squeeze %dma_wait3A_320 : memref<1x50x128xf32, #tpu.memory_space<vmem>> -> memref<50x128xf32, #tpu.memory_space<vmem>>
    %dma_wait3A_322 = arith.constant 0 : i32
    %dma_wait3A_323 = tpu.memref_slice %arg5[%dma_wait3A_322] : memref<7168xi32, #tpu.memory_space<vmem>> -> memref<50xi32, #tpu.memory_space<vmem>>
    %dma_wait3A_324 = arith.constant 0 : i32
    %dma_wait3A_325 = arith.constant 768 : i32
    %dma_wait3A_326 = tpu.memref_slice %arg2[%dma_wait3A_324, %dma_wait3A_325] : memref<100000x2048xf32, #tpu.memory_space<hbm>> -> memref<100000x128xf32, #tpu.memory_space<hbm>>
    tpu.wait_indirect_dma semaphore(%arg9 : memref<!tpu.dma_semaphore, #tpu.memory_space<semaphore_mem>>) src(%dma_wait3A_326 : memref<100000x128xf32, #tpu.memory_space<hbm>>) dst(%dma_wait3A_321 : memref<50x128xf32, #tpu.memory_space<vmem>>)
    %dma_wait3A_327 = arith.constant 3 : i32
    %dma_wait3A_328 = arith.constant 0 : i32
    %dma_wait3A_329 = arith.constant 128 : i32
    %dma_wait3A_330 = tpu.memref_slice %arg7[%dma_wait3A_327, %dma_wait3A_328, %dma_wait3A_329] : memref<4x50x256xf32, #tpu.memory_space<vmem>> -> memref<1x50x128xf32, #tpu.memory_space<vmem>>
    %dma_wait3A_331 = tpu.memref_squeeze %dma_wait3A_330 : memref<1x50x128xf32, #tpu.memory_space<vmem>> -> memref<50x128xf32, #tpu.memory_space<vmem>>
    %dma_wait3A_332 = arith.constant 0 : i32
    %dma_wait3A_333 = tpu.memref_slice %arg5[%dma_wait3A_332] : memref<7168xi32, #tpu.memory_space<vmem>> -> memref<50xi32, #tpu.memory_space<vmem>>
    %dma_wait3A_334 = arith.constant 0 : i32
    %dma_wait3A_335 = arith.constant 896 : i32
    %dma_wait3A_336 = tpu.memref_slice %arg2[%dma_wait3A_334, %dma_wait3A_335] : memref<100000x2048xf32, #tpu.memory_space<hbm>> -> memref<100000x128xf32, #tpu.memory_space<hbm>>
    tpu.wait_indirect_dma semaphore(%arg9 : memref<!tpu.dma_semaphore, #tpu.memory_space<semaphore_mem>>) src(%dma_wait3A_336 : memref<100000x128xf32, #tpu.memory_space<hbm>>) dst(%dma_wait3A_331 : memref<50x128xf32, #tpu.memory_space<vmem>>)
    %add3A_337 = arith.constant 124 : i32
    %add3A_338 = arith.addi %mul3A_2, %add3A_337 : i32
    %dma_start3A_339 = arith.constant 0 : i32
    %dma_start3A_340 = arith.constant 0 : i32
    %dma_start3A_341 = tpu.memref_slice %arg4[%add3A_338, %dma_start3A_339, %dma_start3A_340] : memref<4096x50x256xf32, #tpu.memory_space<hbm>> -> memref<4x50x256xf32, #tpu.memory_space<hbm>>
    %dma_start3A_342 = arith.constant 0 : i32
    %dma_start3A_343 = arith.constant 0 : i32
    %dma_start3A_344 = tpu.memref_slice %arg4[%add3A_338, %dma_start3A_342, %dma_start3A_343] : memref<4096x50x256xf32, #tpu.memory_space<hbm>> -> memref<4x50x256xf32, #tpu.memory_space<hbm>>
    tpu.enqueue_dma source(%arg7 : memref<4x50x256xf32, #tpu.memory_space<vmem>>) target(%dma_start3A_344 : memref<4x50x256xf32, #tpu.memory_space<hbm>>) target_semaphore(%arg11 : memref<!tpu.dma_semaphore, #tpu.memory_space<semaphore_mem>>)
    %dma_wait3A_345 = arith.constant 0 : i32
    %dma_wait3A_346 = arith.constant 0 : i32
    %dma_wait3A_347 = tpu.memref_slice %arg4[%mul3A_2, %dma_wait3A_345, %dma_wait3A_346] : memref<4096x50x256xf32, #tpu.memory_space<hbm>> -> memref<4x50x256xf32, #tpu.memory_space<hbm>>
    %dma_wait3A_348 = arith.constant 0 : i32
    %dma_wait3A_349 = arith.constant 0 : i32
    %dma_wait3A_350 = tpu.memref_slice %arg4[%mul3A_2, %dma_wait3A_348, %dma_wait3A_349] : memref<4096x50x256xf32, #tpu.memory_space<hbm>> -> memref<4x50x256xf32, #tpu.memory_space<hbm>>
    tpu.wait_dma2 semaphore(%arg10 : memref<!tpu.dma_semaphore, #tpu.memory_space<semaphore_mem>>) src(%arg6 : memref<4x50x256xf32, #tpu.memory_space<vmem>>) dst(%dma_wait3A_350 : memref<4x50x256xf32, #tpu.memory_space<hbm>>)
    %dma_wait3A_351 = arith.constant 0 : i32
    %dma_wait3A_352 = arith.constant 0 : i32
    %dma_wait3A_353 = tpu.memref_slice %arg4[%mul3A_2, %dma_wait3A_351, %dma_wait3A_352] : memref<4096x50x256xf32, #tpu.memory_space<hbm>> -> memref<4x50x256xf32, #tpu.memory_space<hbm>>
    %dma_wait3A_354 = arith.constant 0 : i32
    %dma_wait3A_355 = arith.constant 0 : i32
    %dma_wait3A_356 = tpu.memref_slice %arg4[%mul3A_2, %dma_wait3A_354, %dma_wait3A_355] : memref<4096x50x256xf32, #tpu.memory_space<hbm>> -> memref<4x50x256xf32, #tpu.memory_space<hbm>>
    tpu.wait_dma2 semaphore(%arg11 : memref<!tpu.dma_semaphore, #tpu.memory_space<semaphore_mem>>) src(%arg7 : memref<4x50x256xf32, #tpu.memory_space<vmem>>) dst(%dma_wait3A_356 : memref<4x50x256xf32, #tpu.memory_space<hbm>>)
    return
  }
}

</mosaic_0001>

<sc_bundles>
// kernel: kernel.3.cloned.1.call-start
scs
__scs_entry_jumppad:
0x0: {  	(pc) =	sbr.rel $0x88, $3  }
0x1: {  	(tag) =	ssettag $0x0;
	lr =	simm.s32 $0x1  }
0x2: {  	[smem:$0x3F9F] =	sst lr;
	_ =	strace $0xD0000000  }
0x3: {  	_ = 	snop  }
0x4: {  	_ = 	snop  }
0x5: {  	_ = 	snop  }
0x6: {  	_ = 	snop  }
0x7: {  	_ = 	snop  }
__scs_overlays_trampoline_lowered:
0x8: {  	[smem:$0x3FAE] =	sst s0  }
0x9: {  	[smem:$0x3FAF] =	sst s1  }
0xa: {  	[smem:$0x3FB0] =	sst s2  }
0xb: {  	[smem:$0x3FB1] =	sst s3  }
0xc: {  	[smem:$0x3FB2] =	sst s4  }
0xd: {  	[smem:$0x3FB3] =	sst s5  }
0xe: {  	[smem:$0x3FB4] =	sst s6  }
0xf: {  	[smem:$0x3FB5] =	sst s7  }
0x10: {  	[smem:$0x3FB6] =	sst s8  }
0x11: {  	[smem:$0x3FB7] =	sst s9;
	s0 =	simm.s32 @!p0 $0x0  }
0x12: {  	s1 =	sld [smem:$0x3F9D];
	s0 =	simm.s32 @p0 $0x1  }
0x13: {  	[smem:$0x3FB8] =	sst s0;
	s0 =	simm.s32 @!p1 $0x0  }
0x14: {  	s2 =	sld [smem:$0x3F9C];
	s0 =	simm.s32 @p1 $0x1  }
0x15: {  	[smem:$0x3FB9] =	sst s0;
	s0 =	simm.s32 @!p2 $0x0  }
0x16: {  	s3 =	sld [smem:$0x3FDB];
	s0 =	simm.s32 @p2 $0x1  }
0x17: {  	s4 =	simm.s32 $0x1BF5;
	[smem:$0x3FBB] =	sst s0  }
0x18: {  	s0 =	sld [smem:$0x3F9E];
	_ =	swait.ge [sflag:s4], $0x0  }
0x19: {  	s7 =	sld [smem:$0x3F9F]  }
0x1a: {  	s8 =	sadd.s32 $0xFFFFE003, lr  }
0x1b: {  	s9 =	sadd.s32 $0xFFFFFEF7, lr;
	s5 =	simm.s32 $0xFFFFFFFF;
	p2 =	slt.u32 s8, $0xFFFFF086  }
0x1c: {  	p1 =	slt.u32 s9, $0xF7A;
	s5 =	simm.s32 @!p2 $0x0  }
0x1d: {  	s5 =	simm.s32 @p1 $0x1;
	p0 =	seq.s32 s7, s2  }
0x1e: {  	s7 =	smul.u32 @!p0 $0xF7A, s2;
	p2 =	seq.s32 @!p0 s5, $0x0  }
0x1f: {  	s9 =	smul.u32 $0xF7A, s1;
	s8 =	simm.s32 @!p0 $0x1BF5;
	p2 =	por !p2, p0  }
0x20: {  	[sflag:s8] =	ssyncset.s32 @!p0 $0xFFFFF086;
	s6 =	sadd.s32 @!p0 s3, s7;
	s7 =	simm.s32 @!p0 $0x108  }
0x21: {  	s3 =	sadd.s32 s3, s9;
	s6 =	sadd.s32 @!p0 $0x88, s6;
	s7 =	simm.s32 @p2 $0x1082  }
0x22: {  	[simem:s7], [sflag:s8] =	dma.local @!p0 [hbm:s6], $0xF7A  }
0x23: {  	s9 =	sor.u32 $0xD0000000, s2;
	s6 =	simm.s32 $0x108;
	_ =	swait.ge @!p0 [sflag:s8], $0x0  }
0x24: {  	s3 =	sadd.s32 $0x88, s3;
	s6 =	simm.s32 @!p1 $0x1082;
	[sflag:s4] =	ssyncset.s32 $0xFFFFF086  }
0x25: {  	[simem:s6], [sflag:s4] =	dma.local [hbm:s3], $0xF7A  }
0x26: {  	[smem:$0x3F9F] =	sst s1;
	(tag) =	ssettag s2;
	_ =	strace s9  }
0x27: {  	s1 =	sld [smem:$0x3FAF]  }
0x28: {  	s2 =	sld [smem:$0x3FB0]  }
0x29: {  	s4 =	sld [smem:$0x3FB2]  }
0x2a: {  	p0 =	seq.s32 s5, $0x0;
	s5 =	sld [smem:$0x3FB3]  }
0x2b: {  	s6 =	sld [smem:$0x3FB4]  }
0x2c: {  	s7 =	sld [smem:$0x3FB5]  }
0x2d: {  	s3 =	simm.s32 $0x108;
	s8 =	sld [smem:$0x3FB6]  }
0x2e: {  	s3 =	simm.s32 @!p0 $0x1082;
	s9 =	sld [smem:$0x3FB7]  }
0x2f: {  	lr =	sadd.s32 s0, s3;
	s0 =	sld [smem:$0x3FAE]  }
0x30: {  	s3 =	sld [smem:$0x3FB1]  }
0x31: {  	[smem:$0x3FBA] =	sst s10  }
0x32: {  	s10 =	sld [smem:$0x3FB8];
	_ =	sdelay $0x3  }
0x33: {  	p0 =	seq.s32 s10, $0x1;
	s10 =	sld [smem:$0x3FBA];
	_ =	sdelay $0x3  }
0x34: {  	[smem:$0x3FBA] =	sst s10  }
0x35: {  	s10 =	sld [smem:$0x3FB9];
	_ =	sdelay $0x3  }
0x36: {  	p1 =	seq.s32 s10, $0x1;
	s10 =	sld [smem:$0x3FBA];
	_ =	sdelay $0x3  }
0x37: {  	[smem:$0x3FBA] =	sst s10  }
0x38: {  	s10 =	sld [smem:$0x3FBB]  }
0x39: {  	_ = 	snop;
	(pc) =	sbr.ind lr, $3  }
0x3a: {  	_ = 	snop  }
0x3b: {  	_ = 	snop  }
0x3c: {  	p2 =	seq.s32 s10, $0x1;
	s10 =	sld [smem:$0x3FBA]  }
0x3d: {  	_ =	shalt  }
0x3e: {  	_ =	shalt  }
0x3f: {  	_ =	shalt  }
0x40: {  	_ =	shalt  }
0x41: {  	_ =	shalt  }
0x42: {  	_ =	shalt  }
0x43: {  	_ =	shalt  }
0x44: {  	_ =	shalt  }
0x45: {  	_ =	shalt  }
0x46: {  	_ =	shalt  }
0x47: {  	_ =	shalt  }
0x48: {  	_ =	shalt  }
0x49: {  	_ =	shalt  }
0x4a: {  	_ =	shalt  }
0x4b: {  	_ =	shalt  }
0x4c: {  	_ =	shalt  }
0x4d: {  	_ =	shalt  }
0x4e: {  	_ =	shalt  }
0x4f: {  	_ =	shalt  }
0x50: {  	_ =	shalt  }
0x51: {  	_ =	shalt  }
0x52: {  	_ =	shalt  }
0x53: {  	_ =	shalt  }
0x54: {  	_ =	shalt  }
0x55: {  	_ =	shalt  }
0x56: {  	_ =	shalt  }
0x57: {  	_ =	shalt  }
0x58: {  	_ =	shalt  }
0x59: {  	_ =	shalt  }
0x5a: {  	_ =	shalt  }
0x5b: {  	_ =	shalt  }
0x5c: {  	_ =	shalt  }
0x5d: {  	_ =	shalt  }
0x5e: {  	_ =	shalt  }
0x5f: {  	_ =	shalt  }
0x60: {  	_ =	shalt  }
0x61: {  	_ =	shalt  }
0x62: {  	_ =	shalt  }
0x63: {  	_ =	shalt  }
0x64: {  	_ =	shalt  }
0x65: {  	_ =	shalt  }
0x66: {  	_ =	shalt  }
0x67: {  	_ =	shalt  }
0x68: {  	_ =	shalt  }
0x69: {  	_ =	shalt  }
0x6a: {  	_ =	shalt  }
0x6b: {  	_ =	shalt  }
0x6c: {  	_ =	shalt  }
0x6d: {  	_ =	shalt  }
0x6e: {  	_ =	shalt  }
0x6f: {  	_ =	shalt  }
0x70: {  	_ =	shalt  }
0x71: {  	_ =	shalt  }
0x72: {  	_ =	shalt  }
0x73: {  	_ =	shalt  }
0x74: {  	_ =	shalt  }
0x75: {  	_ =	shalt  }
0x76: {  	_ =	shalt  }
0x77: {  	_ =	shalt  }
0x78: {  	_ =	shalt  }
0x79: {  	_ =	shalt  }
0x7a: {  	_ =	shalt  }
0x7b: {  	_ =	shalt  }
0x7c: {  	_ =	shalt  }
0x7d: {  	_ =	shalt  }
0x7e: {  	_ =	shalt  }
0x7f: {  	_ =	shalt  }
0x80: {  	_ =	shalt  }
0x81: {  	_ =	shalt  }
0x82: {  	_ =	shalt  }
0x83: {  	_ =	shalt  }
0x84: {  	_ =	shalt  }
0x85: {  	_ =	shalt  }
0x86: {  	_ =	shalt  }
0x87: {  	_ =	shalt  }
.Lfunc_end0:
.L_simem_size_0:
called_computation_lowered:
.L_overlay_start_0:
0x88: {  	s2 =	sld [smem:$0x3FD9]  }
0x89: {  	s3 =	sld [smem:$0x3FFE];
	_ =	sdelay $0x1  }
0x8a: {  	s1 =	srdreg.scid  }
0x8b: {  	s0 =	sand.u32 $0x1, s1  }
0x8c: {  	s17 =	sshll.u32 s0, $0xA;
	s2 =	sadd.s32 s3, s2  }
0x8d: {  	s2 =	sadd.s32 s2, s17  }
0x8e: {  	[smem:$0x3FC6] =	sst s2  }
0x8f: {  	_ = 	snop  }
0x90: {  	s2 =	sld [smem:$0x3FC8]  }
0x91: {  	s18 =	sld [smem:$0x3FD0];
	(tm) =	ssettm $0x1  }
0x92: {  	s4 =	sld [smem:$0x3FFB];
	_ =	sdelay $0x3  }
0x93: {  	_ =	strace s4  }
0x94: {  	s4 =	sld [smem:$0x3FFC];
	_ =	sdelay $0x3  }
0x95: {  	_ =	strace s4  }
0x96: {  	s4 =	sld [smem:$0x3FFD];
	_ =	sdelay $0x3  }
0x97: {  	_ =	strace s4  }
0x98: {  	_ =	strace $0x8FFFFFFF  }
0x99: {  	s19 =	sld [smem:$0x3FDB];
	_ =	sdelay $0x1  }
0x9a: {  	s5 =	simm.s32 $_scs_section_size  }
0x9b: {  	s6 =	simm.s32 $_size__tile_overlayer_lowered;
	s7 =	simm.s32 $_tile_overlayer_lowered  }
0x9c: {  	s22 =	simm.s32 $0x1BFF;
	s21 =	sshll.u32 s7, $0x1;
	s4 =	sadd.s32 s5, s19  }
0x9d: {  	s8 =	simm.s32 $0x0;
	s20 =	sshll.u32 s6, $0x1;
	s6 =	sadd.s32 s21, s4  }
0x9e: {  	[timem:s8], [sflag:s22] =	dma.local [hbm:s6], s20  }
0x9f: {  	_ =	swait.ge [sflag:s22], s20  }
0xa0: {  	s5 =	ssub.s32 $0x0, s20;
	[sflag:s22] =	ssyncset.done $0x0  }
0xa1: {  	[sflag:s22] =	ssyncadd.s32 s5;
	_ =	sdelay $0x1  }
0xa2: {  	s23 =	simm.s32 $0x1B8B  }
0xa3: {  	_ =	swait.ge [sflag:s23], $0x1  }
0xa4: {  	[sflag:s23] =	ssyncset.done $0x0  }
0xa5: {  	s25 =	simm.s32 $0x1B8E;
	s24 =	sld [smem:$0x3FFE];
	[sflag:s23] =	ssyncadd.s32 $0xFFFFFFFF  }
0xa6: {  	s26 =	simm.s32 $execute0_lowered;
	[smem:$0x3FD2] =	sst s25  }
0xa7: {  	s6 =	sshll.u32 s26, $0x1;
	_ =	strace $0x80000046;
	[dreg:$0x1] =	wrdreg $0xFFFFFFFF  }
0xa8: {  	s28 =	simm.s32 $_size_execute0_lowered;
	s4 =	sadd.s32 s4, s6;
	[dreg:$0x0] =	wrdreg $0x0  }
0xa9: {  	s6 =	sshll.u32 s28, $0x1;
	[dreg:$0x2] =	wrdreg s4  }
0xaa: {  	[dreg:$0x3] =	wrdreg s6  }
0xab: {  	[dreg:$0x4] =	wrdreg $0xC0  }
0xac: {  	_ =	task [dreg:s8], $0x5FFFF  }
0xad: {  	[dreg:$0x1] =	wrdreg $0xFFFFFFFF  }
0xae: {  	[dreg:$0x0] =	wrdreg $0x60  }
0xaf: {  	[dreg:$0x2] =	wrdreg s2  }
0xb0: {  	[dreg:$0x3] =	wrdreg s18  }
0xb1: {  	[dreg:$0x4] =	wrdreg s24  }
0xb2: {  	[dreg:$0x5] =	wrdreg $0x9  }
0xb3: {  	_ =	task.clear_ibuf [dreg:s8], $0x6FFFF;
	_ =	strace $0x90000046  }
0xb4: {  	s29 =	simm.s32 $0x9;
	_ =	strace $0x80000048  }
0xb5: {  	_ =	swait.ge [sflag:s29], $0x1  }
0xb6: {  	[sflag:s29] =	ssyncadd.s32 $0xFFFFFFFF  }
0xb7: {  	_ =	strace $0x90000048  }
0xb8: {  	_ =	sfence  }
0xb9: {  	s30 =	sld [smem:$0x0];
	_ =	sdelay $0x2  }
0xba: {  	s31 =	sshll.u32 s1, $0xD;
	s1 =	sshrl.u32 s1, $0x2  }
0xbb: {  	s3 =	sand.u32 $0x4000, s31;
	s1 =	sadd.s32 s1, s30  }
0xbc: {  	s0 =	sor.u32 s3, s0;
	s1 =	sshll.u32 s1, $0x11  }
0xbd: {  	s0 =	sor.u32 s1, s0  }
0xbe: {  	s0 =	sadd.s32 $0x8F2B, s0  }
0xbf: {  	[sflag:s0] =	ssyncadd.remote.s32 $0x1  }
0xc0: {  	_ =	sfence.sel $0xFFFF  }
0xc1: {  	[dreg:$0x0] =	wrdreg $0xFFFFFFFF;
	(pc) =	sbr.abs _section_cstart, $3  }
0xc2: {  	[dreg:$0x1] =	wrdreg $0xFFFFFFFF  }
0xc3: {  	_ =	task.clear_ibuf [dreg:s8], $0x2FFFF;
	_ =	strace $0x9FFFFFFF  }
0xc4: {  	(tm) =	ssettm $0x7FFFFFFF  }
0xc5: {  	_ =	shalt  }
tec
execute0_lowered:
.L_overlay_start_1:
0x0: {  	(tag) =	ssettag $0x1  }
0x1: {  	s0 =	rddreg [dreg:$0x0]  }
0x2: {  	s1 =	rddreg [dreg:$0x1]  }
0x3: {  	s3 =	rddreg [dreg:$0x2]  }
0x4: {  	s4 =	srdreg.scid;
	s10 =	stileid.u32;
	s2 =	simm.s32 $0x0  }
0x5: {  	s12 =	simm.s32 $0x1C00;
	s30 =	simm.s32 $0x2000;
	s29 =	simm.s32 $0x2800  }
0x6: {  	s11 =	simm.s32 $0x6400;
	s13 =	simm.s32 $0x6C00;
	s14 =	simm.s32 $0x7400  }
0x7: {  	s15 =	simm.s32 $0x7C00;
	s31 =	simm.s32 $0x6000;
	s28 =	simm.s32 $0xFC00  }
0x8: {  	s16 =	simm.s32 $0x1;
	s17 =	simm.s32 $0x3;
	s18 =	simm.s32 $0x2  }
0x9: {  	s5 =	sand.u32 $0x1, s4;
	s19 =	sshll.u32 s10, $0x1;
	[smem:$0x7FF] =	sst s2  }
0xa: {  	s3 =	sadd.s32 $0x400, s3;
	s20 =	smul.u32 $0x70000, s10;
	s10 =	simm.s32 $0x8400  }
0xb: {  	s4 =	sor.u32 s5, s19;
	_ =	strace $0x80000047;
	s22 =	smul.u32 $0x38000, s5  }
0xc: {  	s6 =	ssub.s32 $0x2, s5;
	s5 =	sadd.s32 $0x380, s0;
	s7 =	smul.u32 $0x380, s4  }
0xd: {  	s19 =	simm.s32 $0x4;
	s8 =	sshrl.u32 s6, $0x1;
	s9 =	smul.u32 $0x1C0000, s4  }
0xe: {  	s4 =	sadd.s32 $0x300, s0;
	s6 =	ssub.s32 s6, s8;
	s8 =	simm.s32 $0x5400  }
0xf: {  	s1 =	sadd.s32 s1, s7;
	s21 =	sshrl.u32 s9, $0x3;
	s26 =	smax.u32 s6, $0x1  }
0x10: {  	s6 =	simm.s32 $0x4800;
	s7 =	simm.s32 $0x5000;
	s9 =	simm.s32 $0x5C00  }
0x11: {  	[dreg:$0x5] =	wrdreg s1;
	s23 =	sadd.s32 s3, s21;
	s1 =	sadd.s32 s20, s3  }
0x12: {  	[dreg:$0x8] =	wrdreg s26;
	s21 =	simm.s32 $0x2400;
	s20 =	simm.s32 $0x0  }
0x13: {  	s26 =	simm.s32 $0x4C00;
	s24 =	sadd.s32 $0x34800, s23;
	[dreg:$0x9] =	wrdreg s20  }
0x14: {  	s3 =	simm.s32 $0x4000;
	s0 =	sadd.s32 $0x36400, s23;
	[dreg:$0x6] =	wrdreg s24  }
0x15: {  	v2 =	vlaneseq.u32;
	s25 =	sadd.s32 s22, s1;
	s22 =	simm.s32 $0x2C00;
	[dreg:$0x7] =	wrdreg s0  }
0x16: {  	vm0 =	vmmov $0xff;
	vm1 =	vmmov $0x3;
	v1 =	vshrl.u32 v2, $0x3;
	s23 =	simm.s32 $0x3400;
	s1 =	simm.s32 $0x3800;
	[dreg:$0x4] =	wrdreg s25  }
0x17: {  	v0 =	vand.u32 $0x7, v2;
	v2 =	vor.u32 $0x8, v2;
	v1 =	vmul.u32 $0x8, v1;
	s24 =	simm.s32 $0x3C00;
	s25 =	simm.s32 $0x4400;
	s0 =	simm.s32 $0x3000  }
.LBB2_1:
0x18: {  	s20 =	rddreg [dreg:$0x5]  }
0x19: {  	[tilespmem:s2], [sflag:$0x5] =	stream.linear.gather [hbm4b:s20+s2], $0x1C00, $0x38;
	[tilespmem:$0x1DC00] =	vst v63  }
0x1a: {  	s20 =	simm.s32 $0x5  }
0x1b: {  	_ =	swait.ge [sflag:s20], $0x1C00  }
0x1c: {  	[sflag:s20] =	ssyncset.done $0x0  }
0x1d: {  	[sflag:s20] =	ssyncadd.s32 $0xFFFFE400  }
0x1e: {  	v3 =	vld [tilespmem:$0x0];
	_ =	sdelay $0x4  }
0x1f: {  	v4 =	vshll.u32 v3, $0x4  }
0x20: {  	v3 =	vand.u32 $0x7, v3;
	v4 =	vand.u32 $0xFFFFFF80, v4  }
0x21: {  	v3 =	vor.u32 v3, v4  }
0x22: {  	v4 =	vperm.xlane v3, v0;
	_ =	sdelay $0x1  }
0x23: {  	v3 =	vperm.xlane v3, v2;
	v4 =	vadd.s32 v1, v4;
	_ =	sdelay $0x1  }
0x24: {  	v3 =	vadd.s32 v1, v3;
	_ =	sdelay $0x2  }
0x25: {  	[tilespmem:s12], [sflag:$0x1] =	stream.indirect_vreg.gather [hbm4b:s4+s2], $0x80, v4, vm0, $0xb8;
	[tilespmem:$0x1DC00] =	vst v63  }
0x26: {  	_ = 	snop  }
0x27: {  	[tilespmem:s21], [sflag:$0x1] =	stream.indirect_vreg.gather [hbm4b:s4+s2], $0x80, v3, vm0, $0xb8;
	[tilespmem:$0x1DC00] =	vst v63  }
0x28: {  	v3 =	vld [tilespmem:$0x10];
	_ =	sdelay $0x4  }
0x29: {  	v57 =	vshll.u32 v3, $0x4  }
0x2a: {  	v3 =	vand.u32 $0x7, v3;
	v4 =	vand.u32 $0xFFFFFF80, v57  }
0x2b: {  	v3 =	vor.u32 v3, v4  }
0x2c: {  	v4 =	vperm.xlane v3, v0;
	_ =	sdelay $0x1  }
0x2d: {  	v3 =	vperm.xlane v3, v2;
	v4 =	vadd.s32 v1, v4;
	_ =	sdelay $0x1  }
0x2e: {  	v3 =	vadd.s32 v1, v3;
	_ =	sdelay $0x2  }
0x2f: {  	[tilespmem:s22], [sflag:$0x1] =	stream.indirect_vreg.gather [hbm4b:s4+s2], $0x80, v4, vm0, $0xb8;
	[tilespmem:$0x1DC00] =	vst v63  }
0x30: {  	_ = 	snop  }
0x31: {  	[tilespmem:s23], [sflag:$0x1] =	stream.indirect_vreg.gather [hbm4b:s4+s2], $0x80, v3, vm0, $0xb8;
	[tilespmem:$0x1DC00] =	vst v63  }
0x32: {  	v3 =	vld [tilespmem:$0x20];
	_ =	sdelay $0x4  }
0x33: {  	v58 =	vshll.u32 v3, $0x4  }
0x34: {  	v3 =	vand.u32 $0x7, v3;
	v4 =	vand.u32 $0xFFFFFF80, v58  }
0x35: {  	v3 =	vor.u32 v3, v4  }
0x36: {  	v4 =	vperm.xlane v3, v0;
	_ =	sdelay $0x1  }
0x37: {  	v3 =	vperm.xlane v3, v2;
	v4 =	vadd.s32 v1, v4;
	_ =	sdelay $0x1  }
0x38: {  	v3 =	vadd.s32 v1, v3;
	_ =	sdelay $0x2  }
0x39: {  	[tilespmem:s24], [sflag:$0x1] =	stream.indirect_vreg.gather [hbm4b:s4+s2], $0x80, v4, vm0, $0xb8;
	[tilespmem:$0x1DC00] =	vst v63  }
0x3a: {  	_ = 	snop  }
0x3b: {  	[tilespmem:s25], [sflag:$0x1] =	stream.indirect_vreg.gather [hbm4b:s4+s2], $0x80, v3, vm0, $0xb8;
	[tilespmem:$0x1DC00] =	vst v63  }
0x3c: {  	v3 =	vld.msk [tilespmem:$0x30], $0x3;
	_ =	sdelay $0x4  }
0x3d: {  	v59 =	vshll.u32 v3, $0x4  }
0x3e: {  	v3 =	vand.u32 $0x7, v3;
	v4 =	vand.u32 $0xFFFFFF80, v59  }
0x3f: {  	v3 =	vor.u32 v3, v4  }
0x40: {  	v3 =	vperm.xlane v3, v0;
	_ =	sdelay $0x1  }
0x41: {  	v3 =	vadd.s32 v1, v3;
	_ =	sdelay $0x4  }
0x42: {  	[tilespmem:s26], [sflag:$0x1] =	stream.indirect_vreg.gather [hbm4b:s4+s2], $0x80, v3, vm1, $0xb8;
	[tilespmem:$0x1DC00] =	vst v63  }
0x43: {  	v3 =	vld [tilespmem:$0x0];
	_ =	sdelay $0x4  }
0x44: {  	v60 =	vshll.u32 v3, $0x4  }
0x45: {  	v3 =	vand.u32 $0x7, v3;
	v4 =	vand.u32 $0xFFFFFF80, v60  }
0x46: {  	v3 =	vor.u32 v3, v4  }
0x47: {  	v4 =	vperm.xlane v3, v0;
	_ =	sdelay $0x1  }
0x48: {  	v3 =	vperm.xlane v3, v2;
	v4 =	vadd.s32 v1, v4;
	_ =	sdelay $0x1  }
0x49: {  	v3 =	vadd.s32 v1, v3;
	_ =	sdelay $0x2  }
0x4a: {  	[tilespmem:s30], [sflag:$0x1] =	stream.indirect_vreg.gather [hbm4b:s5+s2], $0x80, v4, vm0, $0xb8;
	[tilespmem:$0x1DC00] =	vst v63  }
0x4b: {  	_ = 	snop  }
0x4c: {  	[tilespmem:s29], [sflag:$0x1] =	stream.indirect_vreg.gather [hbm4b:s5+s2], $0x80, v3, vm0, $0xb8;
	[tilespmem:$0x1DC00] =	vst v63  }
0x4d: {  	v3 =	vld [tilespmem:$0x10];
	_ =	sdelay $0x4  }
0x4e: {  	v61 =	vshll.u32 v3, $0x4  }
0x4f: {  	v3 =	vand.u32 $0x7, v3;
	v4 =	vand.u32 $0xFFFFFF80, v61  }
0x50: {  	v3 =	vor.u32 v3, v4  }
0x51: {  	v4 =	vperm.xlane v3, v0;
	_ =	sdelay $0x1  }
0x52: {  	v3 =	vperm.xlane v3, v2;
	v4 =	vadd.s32 v1, v4;
	_ =	sdelay $0x1  }
0x53: {  	v3 =	vadd.s32 v1, v3;
	_ =	sdelay $0x2  }
0x54: {  	[tilespmem:s0], [sflag:$0x1] =	stream.indirect_vreg.gather [hbm4b:s5+s2], $0x80, v4, vm0, $0xb8;
	[tilespmem:$0x1DC00] =	vst v63  }
0x55: {  	_ = 	snop  }
0x56: {  	[tilespmem:s1], [sflag:$0x1] =	stream.indirect_vreg.gather [hbm4b:s5+s2], $0x80, v3, vm0, $0xb8;
	[tilespmem:$0x1DC00] =	vst v63  }
0x57: {  	v3 =	vld [tilespmem:$0x20];
	_ =	sdelay $0x4  }
0x58: {  	v62 =	vshll.u32 v3, $0x4  }
0x59: {  	v3 =	vand.u32 $0x7, v3;
	v4 =	vand.u32 $0xFFFFFF80, v62  }
0x5a: {  	v3 =	vor.u32 v3, v4  }
0x5b: {  	v4 =	vperm.xlane v3, v0;
	_ =	sdelay $0x1  }
0x5c: {  	v3 =	vperm.xlane v3, v2;
	v4 =	vadd.s32 v1, v4;
	_ =	sdelay $0x1  }
0x5d: {  	v3 =	vadd.s32 v1, v3;
	_ =	sdelay $0x2  }
0x5e: {  	[tilespmem:s3], [sflag:$0x1] =	stream.indirect_vreg.gather [hbm4b:s5+s2], $0x80, v4, vm0, $0xb8;
	[tilespmem:$0x1DC00] =	vst v63  }
0x5f: {  	_ = 	snop  }
0x60: {  	[tilespmem:s6], [sflag:$0x1] =	stream.indirect_vreg.gather [hbm4b:s5+s2], $0x80, v3, vm0, $0xb8;
	[tilespmem:$0x1DC00] =	vst v63  }
0x61: {  	v3 =	vld.msk [tilespmem:$0x30], $0x3;
	_ =	sdelay $0x4  }
0x62: {  	v63 =	vshll.u32 v3, $0x4  }
0x63: {  	v3 =	vand.u32 $0x7, v3;
	v4 =	vand.u32 $0xFFFFFF80, v63  }
0x64: {  	v3 =	vor.u32 v3, v4  }
0x65: {  	v3 =	vperm.xlane v3, v0;
	_ =	sdelay $0x1  }
0x66: {  	v3 =	vadd.s32 v1, v3;
	_ =	sdelay $0x4  }
0x67: {  	[tilespmem:s7], [sflag:$0x1] =	stream.indirect_vreg.gather [hbm4b:s5+s2], $0x80, v3, vm1, $0xb8;
	[tilespmem:$0x1DC00] =	vst v63  }
0x68: {  	v3 =	vld [tilespmem:$0x38];
	_ =	sdelay $0x4  }
0x69: {  	v8 =	vshll.u32 v3, $0x4  }
0x6a: {  	v3 =	vand.u32 $0x7, v3;
	v4 =	vand.u32 $0xFFFFFF80, v8  }
0x6b: {  	v3 =	vor.u32 v3, v4  }
0x6c: {  	v4 =	vperm.xlane v3, v0;
	_ =	sdelay $0x1  }
0x6d: {  	v3 =	vperm.xlane v3, v2;
	v4 =	vadd.s32 v1, v4;
	_ =	sdelay $0x1  }
0x6e: {  	v3 =	vadd.s32 v1, v3;
	_ =	sdelay $0x2  }
0x6f: {  	[tilespmem:s8], [sflag:$0x1] =	stream.indirect_vreg.gather [hbm4b:s4+s2], $0x80, v4, vm0, $0xb8;
	[tilespmem:$0x1DC00] =	vst v63  }
0x70: {  	_ = 	snop  }
0x71: {  	[tilespmem:s9], [sflag:$0x1] =	stream.indirect_vreg.gather [hbm4b:s4+s2], $0x80, v3, vm0, $0xb8;
	[tilespmem:$0x1DC00] =	vst v63  }
0x72: {  	v3 =	vld [tilespmem:$0x48];
	_ =	sdelay $0x4  }
0x73: {  	v9 =	vshll.u32 v3, $0x4  }
0x74: {  	v3 =	vand.u32 $0x7, v3;
	v4 =	vand.u32 $0xFFFFFF80, v9  }
0x75: {  	v3 =	vor.u32 v3, v4  }
0x76: {  	v4 =	vperm.xlane v3, v0;
	_ =	sdelay $0x1  }
0x77: {  	v3 =	vperm.xlane v3, v2;
	v4 =	vadd.s32 v1, v4;
	_ =	sdelay $0x1  }
0x78: {  	v3 =	vadd.s32 v1, v3;
	_ =	sdelay $0x2  }
0x79: {  	[tilespmem:s11], [sflag:$0x1] =	stream.indirect_vreg.gather [hbm4b:s4+s2], $0x80, v4, vm0, $0xb8;
	[tilespmem:$0x1DC00] =	vst v63  }
0x7a: {  	_ = 	snop  }
0x7b: {  	[tilespmem:s13], [sflag:$0x1] =	stream.indirect_vreg.gather [hbm4b:s4+s2], $0x80, v3, vm0, $0xb8;
	[tilespmem:$0x1DC00] =	vst v63  }
0x7c: {  	v3 =	vld [tilespmem:$0x58];
	_ =	sdelay $0x4  }
0x7d: {  	v10 =	vshll.u32 v3, $0x4  }
0x7e: {  	v3 =	vand.u32 $0x7, v3;
	v4 =	vand.u32 $0xFFFFFF80, v10  }
0x7f: {  	v3 =	vor.u32 v3, v4  }
0x80: {  	v4 =	vperm.xlane v3, v0;
	_ =	sdelay $0x1  }
0x81: {  	v3 =	vperm.xlane v3, v2;
	v4 =	vadd.s32 v1, v4;
	_ =	sdelay $0x1  }
0x82: {  	v3 =	vadd.s32 v1, v3;
	_ =	sdelay $0x2  }
0x83: {  	[tilespmem:s14], [sflag:$0x1] =	stream.indirect_vreg.gather [hbm4b:s4+s2], $0x80, v4, vm0, $0xb8;
	[tilespmem:$0x1DC00] =	vst v63  }
0x84: {  	_ = 	snop  }
0x85: {  	[tilespmem:s15], [sflag:$0x1] =	stream.indirect_vreg.gather [hbm4b:s4+s2], $0x80, v3, vm0, $0xb8;
	[tilespmem:$0x1DC00] =	vst v63  }
0x86: {  	v3 =	vld.msk [tilespmem:$0x68], $0x3;
	_ =	sdelay $0x4  }
0x87: {  	v11 =	vshll.u32 v3, $0x4  }
0x88: {  	v3 =	vand.u32 $0x7, v3;
	v4 =	vand.u32 $0xFFFFFF80, v11  }
0x89: {  	v3 =	vor.u32 v3, v4  }
0x8a: {  	v3 =	vperm.xlane v3, v0;
	_ =	sdelay $0x1  }
0x8b: {  	v3 =	vadd.s32 v1, v3;
	_ =	sdelay $0x4  }
0x8c: {  	[tilespmem:s10], [sflag:$0x1] =	stream.indirect_vreg.gather [hbm4b:s4+s2], $0x80, v3, vm1, $0xb8;
	[tilespmem:$0x1DC00] =	vst v63  }
0x8d: {  	v3 =	vld [tilespmem:$0x38];
	_ =	sdelay $0x4  }
0x8e: {  	v12 =	vshll.u32 v3, $0x4  }
0x8f: {  	v3 =	vand.u32 $0x7, v3;
	v4 =	vand.u32 $0xFFFFFF80, v12  }
0x90: {  	v3 =	vor.u32 v3, v4  }
0x91: {  	v4 =	vperm.xlane v3, v0;
	_ =	sdelay $0x1  }
0x92: {  	v3 =	vperm.xlane v3, v2;
	v4 =	vadd.s32 v1, v4;
	_ =	sdelay $0x1  }
0x93: {  	v3 =	vadd.s32 v1, v3;
	_ =	sdelay $0x1  }
0x94: {  	s21 =	simm.s32 $0x5800  }
0x95: {  	[tilespmem:s21], [sflag:$0x1] =	stream.indirect_vreg.gather [hbm4b:s5+s2], $0x80, v4, vm0, $0xb8;
	[tilespmem:$0x1DC00] =	vst v63  }
0x96: {  	_ = 	snop  }
0x97: {  	[tilespmem:s31], [sflag:$0x1] =	stream.indirect_vreg.gather [hbm4b:s5+s2], $0x80, v3, vm0, $0xb8;
	[tilespmem:$0x1DC00] =	vst v63  }
0x98: {  	v3 =	vld [tilespmem:$0x48];
	_ =	sdelay $0x4  }
0x99: {  	v13 =	vshll.u32 v3, $0x4  }
0x9a: {  	v3 =	vand.u32 $0x7, v3;
	v4 =	vand.u32 $0xFFFFFF80, v13  }
0x9b: {  	v3 =	vor.u32 v3, v4  }
0x9c: {  	v4 =	vperm.xlane v3, v0;
	_ =	sdelay $0x1  }
0x9d: {  	v3 =	vperm.xlane v3, v2;
	v4 =	vadd.s32 v1, v4;
	_ =	sdelay $0x1  }
0x9e: {  	v3 =	vadd.s32 v1, v3;
	_ =	sdelay $0x1  }
0x9f: {  	s22 =	simm.s32 $0x6800  }
0xa0: {  	[tilespmem:s22], [sflag:$0x1] =	stream.indirect_vreg.gather [hbm4b:s5+s2], $0x80, v4, vm0, $0xb8;
	[tilespmem:$0x1DC00] =	vst v63  }
0xa1: {  	s23 =	simm.s32 $0x7000  }
0xa2: {  	[tilespmem:s23], [sflag:$0x1] =	stream.indirect_vreg.gather [hbm4b:s5+s2], $0x80, v3, vm0, $0xb8;
	[tilespmem:$0x1DC00] =	vst v63  }
0xa3: {  	v3 =	vld [tilespmem:$0x58];
	_ =	sdelay $0x4  }
0xa4: {  	v14 =	vshll.u32 v3, $0x4  }
0xa5: {  	v3 =	vand.u32 $0x7, v3;
	v4 =	vand.u32 $0xFFFFFF80, v14  }
0xa6: {  	v3 =	vor.u32 v3, v4  }
0xa7: {  	v4 =	vperm.xlane v3, v0;
	_ =	sdelay $0x1  }
0xa8: {  	v3 =	vperm.xlane v3, v2;
	v4 =	vadd.s32 v1, v4;
	_ =	sdelay $0x1  }
0xa9: {  	v3 =	vadd.s32 v1, v3;
	_ =	sdelay $0x1  }
0xaa: {  	s24 =	simm.s32 $0x7800  }
0xab: {  	[tilespmem:s24], [sflag:$0x1] =	stream.indirect_vreg.gather [hbm4b:s5+s2], $0x80, v4, vm0, $0xb8;
	[tilespmem:$0x1DC00] =	vst v63  }
0xac: {  	s25 =	simm.s32 $0x8000  }
0xad: {  	[tilespmem:s25], [sflag:$0x1] =	stream.indirect_vreg.gather [hbm4b:s5+s2], $0x80, v3, vm0, $0xb8;
	[tilespmem:$0x1DC00] =	vst v63  }
0xae: {  	v3 =	vld.msk [tilespmem:$0x68], $0x3;
	_ =	sdelay $0x4  }
0xaf: {  	v15 =	vshll.u32 v3, $0x4  }
0xb0: {  	v3 =	vand.u32 $0x7, v3;
	v4 =	vand.u32 $0xFFFFFF80, v15  }
0xb1: {  	v3 =	vor.u32 v3, v4  }
0xb2: {  	v3 =	vperm.xlane v3, v0;
	_ =	sdelay $0x1  }
0xb3: {  	v3 =	vadd.s32 v1, v3;
	_ =	sdelay $0x3  }
0xb4: {  	s26 =	simm.s32 $0x8800  }
0xb5: {  	[tilespmem:s26], [sflag:$0x1] =	stream.indirect_vreg.gather [hbm4b:s5+s2], $0x80, v3, vm1, $0xb8;
	[tilespmem:$0x1DC00] =	vst v63  }
0xb6: {  	v3 =	vld [tilespmem:$0x70];
	_ =	sdelay $0x4  }
0xb7: {  	v16 =	vshll.u32 v3, $0x4  }
0xb8: {  	v3 =	vand.u32 $0x7, v3;
	v4 =	vand.u32 $0xFFFFFF80, v16  }
0xb9: {  	v3 =	vor.u32 v3, v4  }
0xba: {  	v4 =	vperm.xlane v3, v0;
	_ =	sdelay $0x1  }
0xbb: {  	v3 =	vperm.xlane v3, v2;
	v4 =	vadd.s32 v1, v4;
	_ =	sdelay $0x1  }
0xbc: {  	v3 =	vadd.s32 v1, v3;
	_ =	sdelay $0x1  }
0xbd: {  	s1 =	simm.s32 $0x8C00  }
0xbe: {  	[tilespmem:s1], [sflag:$0x1] =	stream.indirect_vreg.gather [hbm4b:s4+s2], $0x80, v4, vm0, $0xb8;
	[tilespmem:$0x1DC00] =	vst v63  }
0xbf: {  	s3 =	simm.s32 $0x9400  }
0xc0: {  	[tilespmem:s3], [sflag:$0x1] =	stream.indirect_vreg.gather [hbm4b:s4+s2], $0x80, v3, vm0, $0xb8;
	[tilespmem:$0x1DC00] =	vst v63  }
0xc1: {  	v3 =	vld [tilespmem:$0x80];
	_ =	sdelay $0x4  }
0xc2: {  	v17 =	vshll.u32 v3, $0x4  }
0xc3: {  	v3 =	vand.u32 $0x7, v3;
	v4 =	vand.u32 $0xFFFFFF80, v17  }
0xc4: {  	v3 =	vor.u32 v3, v4  }
0xc5: {  	v4 =	vperm.xlane v3, v0;
	_ =	sdelay $0x1  }
0xc6: {  	v3 =	vperm.xlane v3, v2;
	v4 =	vadd.s32 v1, v4;
	_ =	sdelay $0x1  }
0xc7: {  	v3 =	vadd.s32 v1, v3;
	_ =	sdelay $0x1  }
0xc8: {  	s6 =	simm.s32 $0x9C00  }
0xc9: {  	[tilespmem:s6], [sflag:$0x1] =	stream.indirect_vreg.gather [hbm4b:s4+s2], $0x80, v4, vm0, $0xb8;
	[tilespmem:$0x1DC00] =	vst v63  }
0xca: {  	s7 =	simm.s32 $0xA400  }
0xcb: {  	[tilespmem:s7], [sflag:$0x1] =	stream.indirect_vreg.gather [hbm4b:s4+s2], $0x80, v3, vm0, $0xb8;
	[tilespmem:$0x1DC00] =	vst v63  }
0xcc: {  	v3 =	vld [tilespmem:$0x90];
	_ =	sdelay $0x4  }
0xcd: {  	v18 =	vshll.u32 v3, $0x4  }
0xce: {  	v3 =	vand.u32 $0x7, v3;
	v4 =	vand.u32 $0xFFFFFF80, v18  }
0xcf: {  	v3 =	vor.u32 v3, v4  }
0xd0: {  	v4 =	vperm.xlane v3, v0;
	_ =	sdelay $0x1  }
0xd1: {  	v3 =	vperm.xlane v3, v2;
	v4 =	vadd.s32 v1, v4;
	_ =	sdelay $0x1  }
0xd2: {  	v3 =	vadd.s32 v1, v3;
	_ =	sdelay $0x1  }
0xd3: {  	s8 =	simm.s32 $0xAC00  }
0xd4: {  	[tilespmem:s8], [sflag:$0x1] =	stream.indirect_vreg.gather [hbm4b:s4+s2], $0x80, v4, vm0, $0xb8;
	[tilespmem:$0x1DC00] =	vst v63  }
0xd5: {  	s9 =	simm.s32 $0xB400  }
0xd6: {  	[tilespmem:s9], [sflag:$0x1] =	stream.indirect_vreg.gather [hbm4b:s4+s2], $0x80, v3, vm0, $0xb8;
	[tilespmem:$0x1DC00] =	vst v63  }
0xd7: {  	v3 =	vld.msk [tilespmem:$0xA0], $0x3;
	_ =	sdelay $0x4  }
0xd8: {  	v19 =	vshll.u32 v3, $0x4  }
0xd9: {  	v3 =	vand.u32 $0x7, v3;
	v4 =	vand.u32 $0xFFFFFF80, v19  }
0xda: {  	v3 =	vor.u32 v3, v4  }
0xdb: {  	v3 =	vperm.xlane v3, v0;
	_ =	sdelay $0x1  }
0xdc: {  	v3 =	vadd.s32 v1, v3;
	_ =	sdelay $0x3  }
0xdd: {  	s10 =	simm.s32 $0xBC00  }
0xde: {  	[tilespmem:s10], [sflag:$0x1] =	stream.indirect_vreg.gather [hbm4b:s4+s2], $0x80, v3, vm1, $0xb8;
	[tilespmem:$0x1DC00] =	vst v63  }
0xdf: {  	v3 =	vld [tilespmem:$0x70];
	_ =	sdelay $0x4  }
0xe0: {  	v20 =	vshll.u32 v3, $0x4  }
0xe1: {  	v3 =	vand.u32 $0x7, v3;
	v4 =	vand.u32 $0xFFFFFF80, v20  }
0xe2: {  	v3 =	vor.u32 v3, v4  }
0xe3: {  	v4 =	vperm.xlane v3, v0;
	_ =	sdelay $0x1  }
0xe4: {  	v3 =	vperm.xlane v3, v2;
	v4 =	vadd.s32 v1, v4;
	_ =	sdelay $0x1  }
0xe5: {  	v3 =	vadd.s32 v1, v3;
	_ =	sdelay $0x1  }
0xe6: {  	s11 =	simm.s32 $0x9000  }
0xe7: {  	[tilespmem:s11], [sflag:$0x1] =	stream.indirect_vreg.gather [hbm4b:s5+s2], $0x80, v4, vm0, $0xb8;
	[tilespmem:$0x1DC00] =	vst v63  }
0xe8: {  	s12 =	simm.s32 $0x9800  }
0xe9: {  	[tilespmem:s12], [sflag:$0x1] =	stream.indirect_vreg.gather [hbm4b:s5+s2], $0x80, v3, vm0, $0xb8;
	[tilespmem:$0x1DC00] =	vst v63  }
0xea: {  	v3 =	vld [tilespmem:$0x80];
	_ =	sdelay $0x4  }
0xeb: {  	v21 =	vshll.u32 v3, $0x4  }
0xec: {  	v3 =	vand.u32 $0x7, v3;
	v4 =	vand.u32 $0xFFFFFF80, v21  }
0xed: {  	v3 =	vor.u32 v3, v4  }
0xee: {  	v4 =	vperm.xlane v3, v0;
	_ =	sdelay $0x1  }
0xef: {  	v3 =	vperm.xlane v3, v2;
	v4 =	vadd.s32 v1, v4;
	_ =	sdelay $0x1  }
0xf0: {  	v3 =	vadd.s32 v1, v3;
	_ =	sdelay $0x1  }
0xf1: {  	s13 =	simm.s32 $0xA000  }
0xf2: {  	[tilespmem:s13], [sflag:$0x1] =	stream.indirect_vreg.gather [hbm4b:s5+s2], $0x80, v4, vm0, $0xb8;
	[tilespmem:$0x1DC00] =	vst v63  }
0xf3: {  	s14 =	simm.s32 $0xA800  }
0xf4: {  	[tilespmem:s14], [sflag:$0x1] =	stream.indirect_vreg.gather [hbm4b:s5+s2], $0x80, v3, vm0, $0xb8;
	[tilespmem:$0x1DC00] =	vst v63  }
0xf5: {  	v3 =	vld [tilespmem:$0x90];
	_ =	sdelay $0x4  }
0xf6: {  	v22 =	vshll.u32 v3, $0x4  }
0xf7: {  	v3 =	vand.u32 $0x7, v3;
	v4 =	vand.u32 $0xFFFFFF80, v22  }
0xf8: {  	v3 =	vor.u32 v3, v4  }
0xf9: {  	v4 =	vperm.xlane v3, v0;
	_ =	sdelay $0x1  }
0xfa: {  	v3 =	vperm.xlane v3, v2;
	v4 =	vadd.s32 v1, v4;
	_ =	sdelay $0x1  }
0xfb: {  	v3 =	vadd.s32 v1, v3;
	_ =	sdelay $0x1  }
0xfc: {  	s15 =	simm.s32 $0xB000  }
0xfd: {  	[tilespmem:s15], [sflag:$0x1] =	stream.indirect_vreg.gather [hbm4b:s5+s2], $0x80, v4, vm0, $0xb8;
	[tilespmem:$0x1DC00] =	vst v63  }
0xfe: {  	s20 =	simm.s32 $0xB800  }
0xff: {  	[tilespmem:s20], [sflag:$0x1] =	stream.indirect_vreg.gather [hbm4b:s5+s2], $0x80, v3, vm0, $0xb8;
	[tilespmem:$0x1DC00] =	vst v63  }
0x100: {  	v3 =	vld.msk [tilespmem:$0xA0], $0x3;
	_ =	sdelay $0x4  }
0x101: {  	v23 =	vshll.u32 v3, $0x4  }
0x102: {  	v3 =	vand.u32 $0x7, v3;
	v4 =	vand.u32 $0xFFFFFF80, v23  }
0x103: {  	v3 =	vor.u32 v3, v4  }
0x104: {  	v3 =	vperm.xlane v3, v0;
	_ =	sdelay $0x1  }
0x105: {  	v3 =	vadd.s32 v1, v3;
	_ =	sdelay $0x3  }
0x106: {  	s21 =	simm.s32 $0xC000  }
0x107: {  	[tilespmem:s21], [sflag:$0x1] =	stream.indirect_vreg.gather [hbm4b:s5+s2], $0x80, v3, vm1, $0xb8;
	[tilespmem:$0x1DC00] =	vst v63  }
0x108: {  	v3 =	vld [tilespmem:$0xA8];
	_ =	sdelay $0x4  }
0x109: {  	v24 =	vshll.u32 v3, $0x4  }
0x10a: {  	v3 =	vand.u32 $0x7, v3;
	v4 =	vand.u32 $0xFFFFFF80, v24  }
0x10b: {  	v3 =	vor.u32 v3, v4  }
0x10c: {  	v4 =	vperm.xlane v3, v0;
	_ =	sdelay $0x1  }
0x10d: {  	v3 =	vperm.xlane v3, v2;
	v4 =	vadd.s32 v1, v4;
	_ =	sdelay $0x1  }
0x10e: {  	v3 =	vadd.s32 v1, v3;
	_ =	sdelay $0x1  }
0x10f: {  	s22 =	simm.s32 $0xC400  }
0x110: {  	[tilespmem:s22], [sflag:$0x1] =	stream.indirect_vreg.gather [hbm4b:s4+s2], $0x80, v4, vm0, $0xb8;
	[tilespmem:$0x1DC00] =	vst v63  }
0x111: {  	s23 =	simm.s32 $0xCC00  }
0x112: {  	[tilespmem:s23], [sflag:$0x1] =	stream.indirect_vreg.gather [hbm4b:s4+s2], $0x80, v3, vm0, $0xb8;
	[tilespmem:$0x1DC00] =	vst v63  }
0x113: {  	v3 =	vld [tilespmem:$0xB8];
	_ =	sdelay $0x4  }
0x114: {  	v25 =	vshll.u32 v3, $0x4  }
0x115: {  	v3 =	vand.u32 $0x7, v3;
	v4 =	vand.u32 $0xFFFFFF80, v25  }
0x116: {  	v3 =	vor.u32 v3, v4  }
0x117: {  	v4 =	vperm.xlane v3, v0;
	_ =	sdelay $0x1  }
0x118: {  	v3 =	vperm.xlane v3, v2;
	v4 =	vadd.s32 v1, v4;
	_ =	sdelay $0x1  }
0x119: {  	v3 =	vadd.s32 v1, v3;
	_ =	sdelay $0x1  }
0x11a: {  	s24 =	simm.s32 $0xD400  }
0x11b: {  	[tilespmem:s24], [sflag:$0x1] =	stream.indirect_vreg.gather [hbm4b:s4+s2], $0x80, v4, vm0, $0xb8;
	[tilespmem:$0x1DC00] =	vst v63  }
0x11c: {  	s25 =	simm.s32 $0xDC00  }
0x11d: {  	[tilespmem:s25], [sflag:$0x1] =	stream.indirect_vreg.gather [hbm4b:s4+s2], $0x80, v3, vm0, $0xb8;
	[tilespmem:$0x1DC00] =	vst v63  }
0x11e: {  	v3 =	vld [tilespmem:$0xC8];
	_ =	sdelay $0x4  }
0x11f: {  	v26 =	vshll.u32 v3, $0x4  }
0x120: {  	v3 =	vand.u32 $0x7, v3;
	v4 =	vand.u32 $0xFFFFFF80, v26  }
0x121: {  	v3 =	vor.u32 v3, v4  }
0x122: {  	v4 =	vperm.xlane v3, v0;
	_ =	sdelay $0x1  }
0x123: {  	v3 =	vperm.xlane v3, v2;
	v4 =	vadd.s32 v1, v4;
	_ =	sdelay $0x1  }
0x124: {  	v3 =	vadd.s32 v1, v3;
	_ =	sdelay $0x1  }
0x125: {  	s26 =	simm.s32 $0xE400  }
0x126: {  	[tilespmem:s26], [sflag:$0x1] =	stream.indirect_vreg.gather [hbm4b:s4+s2], $0x80, v4, vm0, $0xb8;
	[tilespmem:$0x1DC00] =	vst v63  }
0x127: {  	s1 =	simm.s32 $0xEC00  }
0x128: {  	[tilespmem:s1], [sflag:$0x1] =	stream.indirect_vreg.gather [hbm4b:s4+s2], $0x80, v3, vm0, $0xb8;
	[tilespmem:$0x1DC00] =	vst v63  }
0x129: {  	v3 =	vld.msk [tilespmem:$0xD8], $0x3;
	_ =	sdelay $0x4  }
0x12a: {  	v27 =	vshll.u32 v3, $0x4  }
0x12b: {  	v3 =	vand.u32 $0x7, v3;
	v4 =	vand.u32 $0xFFFFFF80, v27  }
0x12c: {  	v3 =	vor.u32 v3, v4  }
0x12d: {  	v3 =	vperm.xlane v3, v0;
	_ =	sdelay $0x1  }
0x12e: {  	v3 =	vadd.s32 v1, v3;
	_ =	sdelay $0x3  }
0x12f: {  	s3 =	simm.s32 $0xF400  }
0x130: {  	[tilespmem:s3], [sflag:$0x1] =	stream.indirect_vreg.gather [hbm4b:s4+s2], $0x80, v3, vm1, $0xb8;
	[tilespmem:$0x1DC00] =	vst v63  }
0x131: {  	v3 =	vld [tilespmem:$0xA8];
	_ =	sdelay $0x4  }
0x132: {  	v28 =	vshll.u32 v3, $0x4  }
0x133: {  	v3 =	vand.u32 $0x7, v3;
	v4 =	vand.u32 $0xFFFFFF80, v28  }
0x134: {  	v3 =	vor.u32 v3, v4  }
0x135: {  	v4 =	vperm.xlane v3, v0;
	_ =	sdelay $0x1  }
0x136: {  	v3 =	vperm.xlane v3, v2;
	v4 =	vadd.s32 v1, v4;
	_ =	sdelay $0x1  }
0x137: {  	v3 =	vadd.s32 v1, v3;
	_ =	sdelay $0x1  }
0x138: {  	s6 =	simm.s32 $0xC800  }
0x139: {  	[tilespmem:s6], [sflag:$0x1] =	stream.indirect_vreg.gather [hbm4b:s5+s2], $0x80, v4, vm0, $0xb8;
	[tilespmem:$0x1DC00] =	vst v63  }
0x13a: {  	s7 =	simm.s32 $0xD000  }
0x13b: {  	[tilespmem:s7], [sflag:$0x1] =	stream.indirect_vreg.gather [hbm4b:s5+s2], $0x80, v3, vm0, $0xb8;
	[tilespmem:$0x1DC00] =	vst v63  }
0x13c: {  	v3 =	vld [tilespmem:$0xB8];
	_ =	sdelay $0x4  }
0x13d: {  	v29 =	vshll.u32 v3, $0x4  }
0x13e: {  	v3 =	vand.u32 $0x7, v3;
	v4 =	vand.u32 $0xFFFFFF80, v29  }
0x13f: {  	v3 =	vor.u32 v3, v4  }
0x140: {  	v4 =	vperm.xlane v3, v0;
	_ =	sdelay $0x1  }
0x141: {  	v3 =	vperm.xlane v3, v2;
	v4 =	vadd.s32 v1, v4;
	_ =	sdelay $0x1  }
0x142: {  	v3 =	vadd.s32 v1, v3;
	_ =	sdelay $0x1  }
0x143: {  	s8 =	simm.s32 $0xD800  }
0x144: {  	[tilespmem:s8], [sflag:$0x1] =	stream.indirect_vreg.gather [hbm4b:s5+s2], $0x80, v4, vm0, $0xb8;
	[tilespmem:$0x1DC00] =	vst v63  }
0x145: {  	s9 =	simm.s32 $0xE000  }
0x146: {  	[tilespmem:s9], [sflag:$0x1] =	stream.indirect_vreg.gather [hbm4b:s5+s2], $0x80, v3, vm0, $0xb8;
	[tilespmem:$0x1DC00] =	vst v63  }
0x147: {  	v3 =	vld [tilespmem:$0xC8];
	_ =	sdelay $0x4  }
0x148: {  	v30 =	vshll.u32 v3, $0x4  }
0x149: {  	v3 =	vand.u32 $0x7, v3;
	v4 =	vand.u32 $0xFFFFFF80, v30  }
0x14a: {  	v3 =	vor.u32 v3, v4  }
0x14b: {  	v4 =	vperm.xlane v3, v0;
	_ =	sdelay $0x1  }
0x14c: {  	v3 =	vperm.xlane v3, v2;
	v4 =	vadd.s32 v1, v4;
	_ =	sdelay $0x1  }
0x14d: {  	v3 =	vadd.s32 v1, v3;
	_ =	sdelay $0x1  }
0x14e: {  	s10 =	simm.s32 $0xE800  }
0x14f: {  	[tilespmem:s10], [sflag:$0x1] =	stream.indirect_vreg.gather [hbm4b:s5+s2], $0x80, v4, vm0, $0xb8;
	[tilespmem:$0x1DC00] =	vst v63  }
0x150: {  	s11 =	simm.s32 $0xF000  }
0x151: {  	[tilespmem:s11], [sflag:$0x1] =	stream.indirect_vreg.gather [hbm4b:s5+s2], $0x80, v3, vm0, $0xb8;
	[tilespmem:$0x1DC00] =	vst v63  }
0x152: {  	v3 =	vld.msk [tilespmem:$0xD8], $0x3;
	_ =	sdelay $0x4  }
0x153: {  	v31 =	vshll.u32 v3, $0x4  }
0x154: {  	v3 =	vand.u32 $0x7, v3;
	v4 =	vand.u32 $0xFFFFFF80, v31  }
0x155: {  	v3 =	vor.u32 v3, v4  }
0x156: {  	v3 =	vperm.xlane v3, v0;
	_ =	sdelay $0x1  }
0x157: {  	v3 =	vadd.s32 v1, v3;
	_ =	sdelay $0x3  }
0x158: {  	s12 =	simm.s32 $0xF800  }
0x159: {  	[tilespmem:s12], [sflag:$0x1] =	stream.indirect_vreg.gather [hbm4b:s5+s2], $0x80, v3, vm1, $0xb8;
	[tilespmem:$0x1DC00] =	vst v63  }
0x15a: {  	v3 =	vld [tilespmem:$0xE0];
	_ =	sdelay $0x4  }
0x15b: {  	v32 =	vshll.u32 v3, $0x4  }
0x15c: {  	v3 =	vand.u32 $0x7, v3;
	v4 =	vand.u32 $0xFFFFFF80, v32  }
0x15d: {  	v3 =	vor.u32 v3, v4  }
0x15e: {  	v4 =	vperm.xlane v3, v0;
	_ =	sdelay $0x1  }
0x15f: {  	v3 =	vperm.xlane v3, v2;
	v4 =	vadd.s32 v1, v4;
	_ =	sdelay $0x1  }
0x160: {  	v3 =	vadd.s32 v1, v3;
	_ =	sdelay $0x2  }
0x161: {  	[tilespmem:s28], [sflag:$0x2] =	stream.indirect_vreg.gather [hbm4b:s4+s2], $0x80, v4, vm0, $0xb8;
	[tilespmem:$0x1DC00] =	vst v63  }
0x162: {  	s13 =	simm.s32 $0x10400  }
0x163: {  	[tilespmem:s13], [sflag:$0x2] =	stream.indirect_vreg.gather [hbm4b:s4+s2], $0x80, v3, vm0, $0xb8;
	[tilespmem:$0x1DC00] =	vst v63  }
0x164: {  	v3 =	vld [tilespmem:$0xF0];
	_ =	sdelay $0x4  }
0x165: {  	v33 =	vshll.u32 v3, $0x4  }
0x166: {  	v3 =	vand.u32 $0x7, v3;
	v4 =	vand.u32 $0xFFFFFF80, v33  }
0x167: {  	v3 =	vor.u32 v3, v4  }
0x168: {  	v4 =	vperm.xlane v3, v0;
	_ =	sdelay $0x1  }
0x169: {  	v3 =	vperm.xlane v3, v2;
	v4 =	vadd.s32 v1, v4;
	_ =	sdelay $0x1  }
0x16a: {  	v3 =	vadd.s32 v1, v3;
	_ =	sdelay $0x1  }
0x16b: {  	s14 =	simm.s32 $0x10C00  }
0x16c: {  	[tilespmem:s14], [sflag:$0x2] =	stream.indirect_vreg.gather [hbm4b:s4+s2], $0x80, v4, vm0, $0xb8;
	[tilespmem:$0x1DC00] =	vst v63  }
0x16d: {  	s15 =	simm.s32 $0x11400  }
0x16e: {  	[tilespmem:s15], [sflag:$0x2] =	stream.indirect_vreg.gather [hbm4b:s4+s2], $0x80, v3, vm0, $0xb8;
	[tilespmem:$0x1DC00] =	vst v63  }
0x16f: {  	v3 =	vld [tilespmem:$0x100];
	_ =	sdelay $0x4  }
0x170: {  	v34 =	vshll.u32 v3, $0x4  }
0x171: {  	v3 =	vand.u32 $0x7, v3;
	v4 =	vand.u32 $0xFFFFFF80, v34  }
0x172: {  	v3 =	vor.u32 v3, v4  }
0x173: {  	v4 =	vperm.xlane v3, v0;
	_ =	sdelay $0x1  }
0x174: {  	v3 =	vperm.xlane v3, v2;
	v4 =	vadd.s32 v1, v4;
	_ =	sdelay $0x1  }
0x175: {  	v3 =	vadd.s32 v1, v3;
	_ =	sdelay $0x1  }
0x176: {  	s20 =	simm.s32 $0x11C00  }
0x177: {  	[tilespmem:s20], [sflag:$0x2] =	stream.indirect_vreg.gather [hbm4b:s4+s2], $0x80, v4, vm0, $0xb8;
	[tilespmem:$0x1DC00] =	vst v63  }
0x178: {  	s21 =	simm.s32 $0x12400  }
0x179: {  	[tilespmem:s21], [sflag:$0x2] =	stream.indirect_vreg.gather [hbm4b:s4+s2], $0x80, v3, vm0, $0xb8;
	[tilespmem:$0x1DC00] =	vst v63  }
0x17a: {  	v3 =	vld.msk [tilespmem:$0x110], $0x3;
	_ =	sdelay $0x4  }
0x17b: {  	v35 =	vshll.u32 v3, $0x4  }
0x17c: {  	v3 =	vand.u32 $0x7, v3;
	v4 =	vand.u32 $0xFFFFFF80, v35  }
0x17d: {  	v3 =	vor.u32 v3, v4  }
0x17e: {  	v3 =	vperm.xlane v3, v0;
	_ =	sdelay $0x1  }
0x17f: {  	v3 =	vadd.s32 v1, v3;
	_ =	sdelay $0x3  }
0x180: {  	s22 =	simm.s32 $0x12C00  }
0x181: {  	[tilespmem:s22], [sflag:$0x2] =	stream.indirect_vreg.gather [hbm4b:s4+s2], $0x80, v3, vm1, $0xb8;
	[tilespmem:$0x1DC00] =	vst v63  }
0x182: {  	v3 =	vld [tilespmem:$0xE0];
	_ =	sdelay $0x4  }
0x183: {  	v36 =	vshll.u32 v3, $0x4  }
0x184: {  	v3 =	vand.u32 $0x7, v3;
	v4 =	vand.u32 $0xFFFFFF80, v36  }
0x185: {  	v3 =	vor.u32 v3, v4  }
0x186: {  	v4 =	vperm.xlane v3, v0;
	_ =	sdelay $0x1  }
0x187: {  	v3 =	vperm.xlane v3, v2;
	v4 =	vadd.s32 v1, v4;
	_ =	sdelay $0x1  }
0x188: {  	v3 =	vadd.s32 v1, v3;
	_ =	sdelay $0x1  }
0x189: {  	s23 =	simm.s32 $0x10000  }
0x18a: {  	[tilespmem:s23], [sflag:$0x2] =	stream.indirect_vreg.gather [hbm4b:s5+s2], $0x80, v4, vm0, $0xb8;
	[tilespmem:$0x1DC00] =	vst v63  }
0x18b: {  	s24 =	simm.s32 $0x10800  }
0x18c: {  	[tilespmem:s24], [sflag:$0x2] =	stream.indirect_vreg.gather [hbm4b:s5+s2], $0x80, v3, vm0, $0xb8;
	[tilespmem:$0x1DC00] =	vst v63  }
0x18d: {  	v3 =	vld [tilespmem:$0xF0];
	_ =	sdelay $0x4  }
0x18e: {  	v37 =	vshll.u32 v3, $0x4  }
0x18f: {  	v3 =	vand.u32 $0x7, v3;
	v4 =	vand.u32 $0xFFFFFF80, v37  }
0x190: {  	v3 =	vor.u32 v3, v4  }
0x191: {  	v4 =	vperm.xlane v3, v0;
	_ =	sdelay $0x1  }
0x192: {  	v3 =	vperm.xlane v3, v2;
	v4 =	vadd.s32 v1, v4;
	_ =	sdelay $0x1  }
0x193: {  	v3 =	vadd.s32 v1, v3;
	_ =	sdelay $0x1  }
0x194: {  	s25 =	simm.s32 $0x11000  }
0x195: {  	[tilespmem:s25], [sflag:$0x2] =	stream.indirect_vreg.gather [hbm4b:s5+s2], $0x80, v4, vm0, $0xb8;
	[tilespmem:$0x1DC00] =	vst v63  }
0x196: {  	s26 =	simm.s32 $0x11800  }
0x197: {  	[tilespmem:s26], [sflag:$0x2] =	stream.indirect_vreg.gather [hbm4b:s5+s2], $0x80, v3, vm0, $0xb8;
	[tilespmem:$0x1DC00] =	vst v63  }
0x198: {  	v3 =	vld [tilespmem:$0x100];
	_ =	sdelay $0x4  }
0x199: {  	v38 =	vshll.u32 v3, $0x4  }
0x19a: {  	v3 =	vand.u32 $0x7, v3;
	v4 =	vand.u32 $0xFFFFFF80, v38  }
0x19b: {  	v3 =	vor.u32 v3, v4  }
0x19c: {  	v4 =	vperm.xlane v3, v0;
	_ =	sdelay $0x1  }
0x19d: {  	v3 =	vperm.xlane v3, v2;
	v4 =	vadd.s32 v1, v4;
	_ =	sdelay $0x1  }
0x19e: {  	v3 =	vadd.s32 v1, v3;
	_ =	sdelay $0x1  }
0x19f: {  	s28 =	simm.s32 $0x12000  }
0x1a0: {  	[tilespmem:s28], [sflag:$0x2] =	stream.indirect_vreg.gather [hbm4b:s5+s2], $0x80, v4, vm0, $0xb8;
	[tilespmem:$0x1DC00] =	vst v63  }
0x1a1: {  	s1 =	simm.s32 $0x12800  }
0x1a2: {  	[tilespmem:s1], [sflag:$0x2] =	stream.indirect_vreg.gather [hbm4b:s5+s2], $0x80, v3, vm0, $0xb8;
	[tilespmem:$0x1DC00] =	vst v63  }
0x1a3: {  	v3 =	vld.msk [tilespmem:$0x110], $0x3;
	_ =	sdelay $0x4  }
0x1a4: {  	v39 =	vshll.u32 v3, $0x4  }
0x1a5: {  	v3 =	vand.u32 $0x7, v3;
	v4 =	vand.u32 $0xFFFFFF80, v39  }
0x1a6: {  	v3 =	vor.u32 v3, v4  }
0x1a7: {  	v3 =	vperm.xlane v3, v0;
	_ =	sdelay $0x1  }
0x1a8: {  	v3 =	vadd.s32 v1, v3;
	_ =	sdelay $0x3  }
0x1a9: {  	s3 =	simm.s32 $0x13000  }
0x1aa: {  	[tilespmem:s3], [sflag:$0x2] =	stream.indirect_vreg.gather [hbm4b:s5+s2], $0x80, v3, vm1, $0xb8;
	[tilespmem:$0x1DC00] =	vst v63  }
0x1ab: {  	v3 =	vld [tilespmem:$0x118];
	_ =	sdelay $0x4  }
0x1ac: {  	v40 =	vshll.u32 v3, $0x4  }
0x1ad: {  	v3 =	vand.u32 $0x7, v3;
	v4 =	vand.u32 $0xFFFFFF80, v40  }
0x1ae: {  	v3 =	vor.u32 v3, v4  }
0x1af: {  	v4 =	vperm.xlane v3, v0;
	_ =	sdelay $0x1  }
0x1b0: {  	v3 =	vperm.xlane v3, v2;
	v4 =	vadd.s32 v1, v4;
	_ =	sdelay $0x1  }
0x1b1: {  	v3 =	vadd.s32 v1, v3;
	_ =	sdelay $0x1  }
0x1b2: {  	s6 =	simm.s32 $0x13400  }
0x1b3: {  	[tilespmem:s6], [sflag:$0x2] =	stream.indirect_vreg.gather [hbm4b:s4+s2], $0x80, v4, vm0, $0xb8;
	[tilespmem:$0x1DC00] =	vst v63  }
0x1b4: {  	s7 =	simm.s32 $0x13C00  }
0x1b5: {  	[tilespmem:s7], [sflag:$0x2] =	stream.indirect_vreg.gather [hbm4b:s4+s2], $0x80, v3, vm0, $0xb8;
	[tilespmem:$0x1DC00] =	vst v63  }
0x1b6: {  	v3 =	vld [tilespmem:$0x128];
	_ =	sdelay $0x4  }
0x1b7: {  	v41 =	vshll.u32 v3, $0x4  }
0x1b8: {  	v3 =	vand.u32 $0x7, v3;
	v4 =	vand.u32 $0xFFFFFF80, v41  }
0x1b9: {  	v3 =	vor.u32 v3, v4  }
0x1ba: {  	v4 =	vperm.xlane v3, v0;
	_ =	sdelay $0x1  }
0x1bb: {  	v3 =	vperm.xlane v3, v2;
	v4 =	vadd.s32 v1, v4;
	_ =	sdelay $0x1  }
0x1bc: {  	v3 =	vadd.s32 v1, v3;
	_ =	sdelay $0x1  }
0x1bd: {  	s8 =	simm.s32 $0x14400  }
0x1be: {  	[tilespmem:s8], [sflag:$0x2] =	stream.indirect_vreg.gather [hbm4b:s4+s2], $0x80, v4, vm0, $0xb8;
	[tilespmem:$0x1DC00] =	vst v63  }
0x1bf: {  	s9 =	simm.s32 $0x14C00  }
0x1c0: {  	[tilespmem:s9], [sflag:$0x2] =	stream.indirect_vreg.gather [hbm4b:s4+s2], $0x80, v3, vm0, $0xb8;
	[tilespmem:$0x1DC00] =	vst v63  }
0x1c1: {  	v3 =	vld [tilespmem:$0x138];
	_ =	sdelay $0x4  }
0x1c2: {  	v42 =	vshll.u32 v3, $0x4  }
0x1c3: {  	v3 =	vand.u32 $0x7, v3;
	v4 =	vand.u32 $0xFFFFFF80, v42  }
0x1c4: {  	v3 =	vor.u32 v3, v4  }
0x1c5: {  	v4 =	vperm.xlane v3, v0;
	_ =	sdelay $0x1  }
0x1c6: {  	v3 =	vperm.xlane v3, v2;
	v4 =	vadd.s32 v1, v4;
	_ =	sdelay $0x1  }
0x1c7: {  	v3 =	vadd.s32 v1, v3;
	_ =	sdelay $0x1  }
0x1c8: {  	s10 =	simm.s32 $0x15400  }
0x1c9: {  	[tilespmem:s10], [sflag:$0x2] =	stream.indirect_vreg.gather [hbm4b:s4+s2], $0x80, v4, vm0, $0xb8;
	[tilespmem:$0x1DC00] =	vst v63  }
0x1ca: {  	s11 =	simm.s32 $0x15C00  }
0x1cb: {  	[tilespmem:s11], [sflag:$0x2] =	stream.indirect_vreg.gather [hbm4b:s4+s2], $0x80, v3, vm0, $0xb8;
	[tilespmem:$0x1DC00] =	vst v63  }
0x1cc: {  	v3 =	vld.msk [tilespmem:$0x148], $0x3;
	_ =	sdelay $0x4  }
0x1cd: {  	v43 =	vshll.u32 v3, $0x4  }
0x1ce: {  	v3 =	vand.u32 $0x7, v3;
	v4 =	vand.u32 $0xFFFFFF80, v43  }
0x1cf: {  	v3 =	vor.u32 v3, v4  }
0x1d0: {  	v3 =	vperm.xlane v3, v0;
	_ =	sdelay $0x1  }
0x1d1: {  	v3 =	vadd.s32 v1, v3;
	_ =	sdelay $0x3  }
0x1d2: {  	s12 =	simm.s32 $0x16400  }
0x1d3: {  	[tilespmem:s12], [sflag:$0x2] =	stream.indirect_vreg.gather [hbm4b:s4+s2], $0x80, v3, vm1, $0xb8;
	[tilespmem:$0x1DC00] =	vst v63  }
0x1d4: {  	v3 =	vld [tilespmem:$0x118];
	_ =	sdelay $0x4  }
0x1d5: {  	v44 =	vshll.u32 v3, $0x4  }
0x1d6: {  	v3 =	vand.u32 $0x7, v3;
	v4 =	vand.u32 $0xFFFFFF80, v44  }
0x1d7: {  	v3 =	vor.u32 v3, v4  }
0x1d8: {  	v4 =	vperm.xlane v3, v0;
	_ =	sdelay $0x1  }
0x1d9: {  	v3 =	vperm.xlane v3, v2;
	v4 =	vadd.s32 v1, v4;
	_ =	sdelay $0x1  }
0x1da: {  	v3 =	vadd.s32 v1, v3;
	_ =	sdelay $0x1  }
0x1db: {  	s13 =	simm.s32 $0x13800  }
0x1dc: {  	[tilespmem:s13], [sflag:$0x2] =	stream.indirect_vreg.gather [hbm4b:s5+s2], $0x80, v4, vm0, $0xb8;
	[tilespmem:$0x1DC00] =	vst v63  }
0x1dd: {  	s14 =	simm.s32 $0x14000  }
0x1de: {  	[tilespmem:s14], [sflag:$0x2] =	stream.indirect_vreg.gather [hbm4b:s5+s2], $0x80, v3, vm0, $0xb8;
	[tilespmem:$0x1DC00] =	vst v63  }
0x1df: {  	v3 =	vld [tilespmem:$0x128];
	_ =	sdelay $0x4  }
0x1e0: {  	v45 =	vshll.u32 v3, $0x4  }
0x1e1: {  	v3 =	vand.u32 $0x7, v3;
	v4 =	vand.u32 $0xFFFFFF80, v45  }
0x1e2: {  	v3 =	vor.u32 v3, v4  }
0x1e3: {  	v4 =	vperm.xlane v3, v0;
	_ =	sdelay $0x1  }
0x1e4: {  	v3 =	vperm.xlane v3, v2;
	v4 =	vadd.s32 v1, v4;
	_ =	sdelay $0x1  }
0x1e5: {  	v3 =	vadd.s32 v1, v3;
	_ =	sdelay $0x1  }
0x1e6: {  	s15 =	simm.s32 $0x14800  }
0x1e7: {  	[tilespmem:s15], [sflag:$0x2] =	stream.indirect_vreg.gather [hbm4b:s5+s2], $0x80, v4, vm0, $0xb8;
	[tilespmem:$0x1DC00] =	vst v63  }
0x1e8: {  	s20 =	simm.s32 $0x15000  }
0x1e9: {  	[tilespmem:s20], [sflag:$0x2] =	stream.indirect_vreg.gather [hbm4b:s5+s2], $0x80, v3, vm0, $0xb8;
	[tilespmem:$0x1DC00] =	vst v63  }
0x1ea: {  	v3 =	vld [tilespmem:$0x138];
	_ =	sdelay $0x4  }
0x1eb: {  	v46 =	vshll.u32 v3, $0x4  }
0x1ec: {  	v3 =	vand.u32 $0x7, v3;
	v4 =	vand.u32 $0xFFFFFF80, v46  }
0x1ed: {  	v3 =	vor.u32 v3, v4  }
0x1ee: {  	v4 =	vperm.xlane v3, v0;
	_ =	sdelay $0x1  }
0x1ef: {  	v3 =	vperm.xlane v3, v2;
	v4 =	vadd.s32 v1, v4;
	_ =	sdelay $0x1  }
0x1f0: {  	v3 =	vadd.s32 v1, v3;
	_ =	sdelay $0x1  }
0x1f1: {  	s21 =	simm.s32 $0x15800  }
0x1f2: {  	[tilespmem:s21], [sflag:$0x2] =	stream.indirect_vreg.gather [hbm4b:s5+s2], $0x80, v4, vm0, $0xb8;
	[tilespmem:$0x1DC00] =	vst v63  }
0x1f3: {  	s22 =	simm.s32 $0x16000  }
0x1f4: {  	[tilespmem:s22], [sflag:$0x2] =	stream.indirect_vreg.gather [hbm4b:s5+s2], $0x80, v3, vm0, $0xb8;
	[tilespmem:$0x1DC00] =	vst v63  }
0x1f5: {  	v3 =	vld.msk [tilespmem:$0x148], $0x3;
	_ =	sdelay $0x4  }
0x1f6: {  	v47 =	vshll.u32 v3, $0x4  }
0x1f7: {  	v3 =	vand.u32 $0x7, v3;
	v4 =	vand.u32 $0xFFFFFF80, v47  }
0x1f8: {  	v3 =	vor.u32 v3, v4  }
0x1f9: {  	v3 =	vperm.xlane v3, v0;
	_ =	sdelay $0x1  }
0x1fa: {  	v3 =	vadd.s32 v1, v3;
	_ =	sdelay $0x3  }
0x1fb: {  	s23 =	simm.s32 $0x16800  }
0x1fc: {  	[tilespmem:s23], [sflag:$0x2] =	stream.indirect_vreg.gather [hbm4b:s5+s2], $0x80, v3, vm1, $0xb8;
	[tilespmem:$0x1DC00] =	vst v63  }
0x1fd: {  	v3 =	vld [tilespmem:$0x150];
	_ =	sdelay $0x4  }
0x1fe: {  	v48 =	vshll.u32 v3, $0x4  }
0x1ff: {  	v3 =	vand.u32 $0x7, v3;
	v4 =	vand.u32 $0xFFFFFF80, v48  }
0x200: {  	v3 =	vor.u32 v3, v4  }
0x201: {  	v4 =	vperm.xlane v3, v0;
	_ =	sdelay $0x1  }
0x202: {  	v3 =	vperm.xlane v3, v2;
	v4 =	vadd.s32 v1, v4;
	_ =	sdelay $0x1  }
0x203: {  	v3 =	vadd.s32 v1, v3;
	_ =	sdelay $0x1  }
0x204: {  	s24 =	simm.s32 $0x16C00  }
0x205: {  	[tilespmem:s24], [sflag:$0x2] =	stream.indirect_vreg.gather [hbm4b:s4+s2], $0x80, v4, vm0, $0xb8;
	[tilespmem:$0x1DC00] =	vst v63  }
0x206: {  	s25 =	simm.s32 $0x17400  }
0x207: {  	[tilespmem:s25], [sflag:$0x2] =	stream.indirect_vreg.gather [hbm4b:s4+s2], $0x80, v3, vm0, $0xb8;
	[tilespmem:$0x1DC00] =	vst v63  }
0x208: {  	v3 =	vld [tilespmem:$0x160];
	_ =	sdelay $0x4  }
0x209: {  	v49 =	vshll.u32 v3, $0x4  }
0x20a: {  	v3 =	vand.u32 $0x7, v3;
	v4 =	vand.u32 $0xFFFFFF80, v49  }
0x20b: {  	v3 =	vor.u32 v3, v4  }
0x20c: {  	v4 =	vperm.xlane v3, v0;
	_ =	sdelay $0x1  }
0x20d: {  	v3 =	vperm.xlane v3, v2;
	v4 =	vadd.s32 v1, v4;
	_ =	sdelay $0x1  }
0x20e: {  	v3 =	vadd.s32 v1, v3;
	_ =	sdelay $0x1  }
0x20f: {  	s26 =	simm.s32 $0x17C00  }
0x210: {  	[tilespmem:s26], [sflag:$0x2] =	stream.indirect_vreg.gather [hbm4b:s4+s2], $0x80, v4, vm0, $0xb8;
	[tilespmem:$0x1DC00] =	vst v63  }
0x211: {  	s28 =	simm.s32 $0x18400  }
0x212: {  	[tilespmem:s28], [sflag:$0x2] =	stream.indirect_vreg.gather [hbm4b:s4+s2], $0x80, v3, vm0, $0xb8;
	[tilespmem:$0x1DC00] =	vst v63  }
0x213: {  	v3 =	vld [tilespmem:$0x170];
	_ =	sdelay $0x4  }
0x214: {  	v50 =	vshll.u32 v3, $0x4  }
0x215: {  	v3 =	vand.u32 $0x7, v3;
	v4 =	vand.u32 $0xFFFFFF80, v50  }
0x216: {  	v3 =	vor.u32 v3, v4  }
0x217: {  	v4 =	vperm.xlane v3, v0;
	_ =	sdelay $0x1  }
0x218: {  	v3 =	vperm.xlane v3, v2;
	v4 =	vadd.s32 v1, v4;
	_ =	sdelay $0x1  }
0x219: {  	v3 =	vadd.s32 v1, v3;
	_ =	sdelay $0x1  }
0x21a: {  	s1 =	simm.s32 $0x18C00  }
0x21b: {  	[tilespmem:s1], [sflag:$0x2] =	stream.indirect_vreg.gather [hbm4b:s4+s2], $0x80, v4, vm0, $0xb8;
	[tilespmem:$0x1DC00] =	vst v63  }
0x21c: {  	s3 =	simm.s32 $0x19400  }
0x21d: {  	[tilespmem:s3], [sflag:$0x2] =	stream.indirect_vreg.gather [hbm4b:s4+s2], $0x80, v3, vm0, $0xb8;
	[tilespmem:$0x1DC00] =	vst v63  }
0x21e: {  	v3 =	vld.msk [tilespmem:$0x180], $0x3;
	_ =	sdelay $0x4  }
0x21f: {  	v51 =	vshll.u32 v3, $0x4  }
0x220: {  	v3 =	vand.u32 $0x7, v3;
	v4 =	vand.u32 $0xFFFFFF80, v51  }
0x221: {  	v3 =	vor.u32 v3, v4  }
0x222: {  	v3 =	vperm.xlane v3, v0;
	_ =	sdelay $0x1  }
0x223: {  	v3 =	vadd.s32 v1, v3;
	_ =	sdelay $0x3  }
0x224: {  	s6 =	simm.s32 $0x19C00  }
0x225: {  	[tilespmem:s6], [sflag:$0x2] =	stream.indirect_vreg.gather [hbm4b:s4+s2], $0x80, v3, vm1, $0xb8;
	[tilespmem:$0x1DC00] =	vst v63  }
0x226: {  	v3 =	vld [tilespmem:$0x150];
	_ =	sdelay $0x4  }
0x227: {  	v52 =	vshll.u32 v3, $0x4  }
0x228: {  	v3 =	vand.u32 $0x7, v3;
	v4 =	vand.u32 $0xFFFFFF80, v52  }
0x229: {  	v3 =	vor.u32 v3, v4  }
0x22a: {  	v4 =	vperm.xlane v3, v0;
	_ =	sdelay $0x1  }
0x22b: {  	v3 =	vperm.xlane v3, v2;
	v4 =	vadd.s32 v1, v4;
	_ =	sdelay $0x1  }
0x22c: {  	v3 =	vadd.s32 v1, v3;
	_ =	sdelay $0x1  }
0x22d: {  	s7 =	simm.s32 $0x17000  }
0x22e: {  	[tilespmem:s7], [sflag:$0x2] =	stream.indirect_vreg.gather [hbm4b:s5+s2], $0x80, v4, vm0, $0xb8;
	[tilespmem:$0x1DC00] =	vst v63  }
0x22f: {  	s8 =	simm.s32 $0x17800  }
0x230: {  	[tilespmem:s8], [sflag:$0x2] =	stream.indirect_vreg.gather [hbm4b:s5+s2], $0x80, v3, vm0, $0xb8;
	[tilespmem:$0x1DC00] =	vst v63  }
0x231: {  	v3 =	vld [tilespmem:$0x160];
	_ =	sdelay $0x4  }
0x232: {  	v53 =	vshll.u32 v3, $0x4  }
0x233: {  	v3 =	vand.u32 $0x7, v3;
	v4 =	vand.u32 $0xFFFFFF80, v53  }
0x234: {  	v3 =	vor.u32 v3, v4  }
0x235: {  	v4 =	vperm.xlane v3, v0;
	_ =	sdelay $0x1  }
0x236: {  	v3 =	vperm.xlane v3, v2;
	v4 =	vadd.s32 v1, v4;
	_ =	sdelay $0x1  }
0x237: {  	v3 =	vadd.s32 v1, v3;
	_ =	sdelay $0x1  }
0x238: {  	s9 =	simm.s32 $0x18000  }
0x239: {  	[tilespmem:s9], [sflag:$0x2] =	stream.indirect_vreg.gather [hbm4b:s5+s2], $0x80, v4, vm0, $0xb8;
	[tilespmem:$0x1DC00] =	vst v63  }
0x23a: {  	s10 =	simm.s32 $0x18800  }
0x23b: {  	[tilespmem:s10], [sflag:$0x2] =	stream.indirect_vreg.gather [hbm4b:s5+s2], $0x80, v3, vm0, $0xb8;
	[tilespmem:$0x1DC00] =	vst v63  }
0x23c: {  	v3 =	vld [tilespmem:$0x170];
	_ =	sdelay $0x4  }
0x23d: {  	v54 =	vshll.u32 v3, $0x4  }
0x23e: {  	v3 =	vand.u32 $0x7, v3;
	v4 =	vand.u32 $0xFFFFFF80, v54  }
0x23f: {  	v3 =	vor.u32 v3, v4  }
0x240: {  	v4 =	vperm.xlane v3, v0;
	_ =	sdelay $0x1  }
0x241: {  	v3 =	vperm.xlane v3, v2;
	v4 =	vadd.s32 v1, v4;
	_ =	sdelay $0x1  }
0x242: {  	v3 =	vadd.s32 v1, v3;
	_ =	sdelay $0x1  }
0x243: {  	s11 =	simm.s32 $0x19000  }
0x244: {  	[tilespmem:s11], [sflag:$0x2] =	stream.indirect_vreg.gather [hbm4b:s5+s2], $0x80, v4, vm0, $0xb8;
	[tilespmem:$0x1DC00] =	vst v63  }
0x245: {  	s12 =	simm.s32 $0x19800  }
0x246: {  	[tilespmem:s12], [sflag:$0x2] =	stream.indirect_vreg.gather [hbm4b:s5+s2], $0x80, v3, vm0, $0xb8;
	[tilespmem:$0x1DC00] =	vst v63  }
0x247: {  	v3 =	vld.msk [tilespmem:$0x180], $0x3;
	_ =	sdelay $0x4  }
0x248: {  	v55 =	vshll.u32 v3, $0x4  }
0x249: {  	v3 =	vand.u32 $0x7, v3;
	v4 =	vand.u32 $0xFFFFFF80, v55  }
0x24a: {  	v3 =	vor.u32 v3, v4  }
0x24b: {  	v3 =	vperm.xlane v3, v0;
	_ =	sdelay $0x1  }
0x24c: {  	v3 =	vadd.s32 v1, v3;
	_ =	sdelay $0x3  }
0x24d: {  	s13 =	simm.s32 $0x1A000  }
0x24e: {  	[tilespmem:s13], [sflag:$0x2] =	stream.indirect_vreg.gather [hbm4b:s5+s2], $0x80, v3, vm1, $0xb8;
	[tilespmem:$0x1DC00] =	vst v63  }
0x24f: {  	v3 =	vld [tilespmem:$0x188];
	_ =	sdelay $0x4  }
0x250: {  	v56 =	vshll.u32 v3, $0x4  }
0x251: {  	v3 =	vand.u32 $0x7, v3;
	v4 =	vand.u32 $0xFFFFFF80, v56  }
0x252: {  	v3 =	vor.u32 v3, v4  }
0x253: {  	v4 =	vperm.xlane v3, v0;
	_ =	sdelay $0x1  }
0x254: {  	v3 =	vperm.xlane v3, v2;
	v4 =	vadd.s32 v1, v4;
	_ =	sdelay $0x1  }
0x255: {  	v3 =	vadd.s32 v1, v3;
	_ =	sdelay $0x1  }
0x256: {  	s14 =	simm.s32 $0x1A400  }
0x257: {  	[tilespmem:s14], [sflag:$0x2] =	stream.indirect_vreg.gather [hbm4b:s4+s2], $0x80, v4, vm0, $0xb8;
	[tilespmem:$0x1DC00] =	vst v63  }
0x258: {  	s15 =	simm.s32 $0x1AC00  }
0x259: {  	[tilespmem:s15], [sflag:$0x2] =	stream.indirect_vreg.gather [hbm4b:s4+s2], $0x80, v3, vm0, $0xb8;
	[tilespmem:$0x1DC00] =	vst v63  }
0x25a: {  	v3 =	vld [tilespmem:$0x198];
	_ =	sdelay $0x4  }
0x25b: {  	v57 =	vshll.u32 v3, $0x4  }
0x25c: {  	v3 =	vand.u32 $0x7, v3;
	v4 =	vand.u32 $0xFFFFFF80, v57  }
0x25d: {  	v3 =	vor.u32 v3, v4  }
0x25e: {  	v4 =	vperm.xlane v3, v0;
	_ =	sdelay $0x1  }
0x25f: {  	v3 =	vperm.xlane v3, v2;
	v4 =	vadd.s32 v1, v4;
	_ =	sdelay $0x1  }
0x260: {  	v3 =	vadd.s32 v1, v3;
	_ =	sdelay $0x1  }
0x261: {  	s20 =	simm.s32 $0x1B400  }
0x262: {  	[tilespmem:s20], [sflag:$0x2] =	stream.indirect_vreg.gather [hbm4b:s4+s2], $0x80, v4, vm0, $0xb8;
	[tilespmem:$0x1DC00] =	vst v63  }
0x263: {  	s21 =	simm.s32 $0x1BC00  }
0x264: {  	[tilespmem:s21], [sflag:$0x2] =	stream.indirect_vreg.gather [hbm4b:s4+s2], $0x80, v3, vm0, $0xb8;
	[tilespmem:$0x1DC00] =	vst v63  }
0x265: {  	v3 =	vld [tilespmem:$0x1A8];
	_ =	sdelay $0x4  }
0x266: {  	v58 =	vshll.u32 v3, $0x4  }
0x267: {  	v3 =	vand.u32 $0x7, v3;
	v4 =	vand.u32 $0xFFFFFF80, v58  }
0x268: {  	v3 =	vor.u32 v3, v4  }
0x269: {  	v4 =	vperm.xlane v3, v0;
	_ =	sdelay $0x1  }
0x26a: {  	v3 =	vperm.xlane v3, v2;
	v4 =	vadd.s32 v1, v4;
	_ =	sdelay $0x1  }
0x26b: {  	v3 =	vadd.s32 v1, v3;
	_ =	sdelay $0x1  }
0x26c: {  	s22 =	simm.s32 $0x1C400  }
0x26d: {  	[tilespmem:s22], [sflag:$0x2] =	stream.indirect_vreg.gather [hbm4b:s4+s2], $0x80, v4, vm0, $0xb8;
	[tilespmem:$0x1DC00] =	vst v63  }
0x26e: {  	s23 =	simm.s32 $0x1CC00  }
0x26f: {  	[tilespmem:s23], [sflag:$0x2] =	stream.indirect_vreg.gather [hbm4b:s4+s2], $0x80, v3, vm0, $0xb8;
	[tilespmem:$0x1DC00] =	vst v63  }
0x270: {  	v3 =	vld.msk [tilespmem:$0x1B8], $0x3;
	_ =	sdelay $0x4  }
0x271: {  	v59 =	vshll.u32 v3, $0x4  }
0x272: {  	v3 =	vand.u32 $0x7, v3;
	v4 =	vand.u32 $0xFFFFFF80, v59  }
0x273: {  	v3 =	vor.u32 v3, v4  }
0x274: {  	v3 =	vperm.xlane v3, v0;
	_ =	sdelay $0x1  }
0x275: {  	v3 =	vadd.s32 v1, v3;
	_ =	sdelay $0x3  }
0x276: {  	s24 =	simm.s32 $0x1D400  }
0x277: {  	[tilespmem:s24], [sflag:$0x2] =	stream.indirect_vreg.gather [hbm4b:s4+s2], $0x80, v3, vm1, $0xb8;
	[tilespmem:$0x1DC00] =	vst v63  }
0x278: {  	v3 =	vld [tilespmem:$0x188];
	_ =	sdelay $0x4  }
0x279: {  	v60 =	vshll.u32 v3, $0x4  }
0x27a: {  	v3 =	vand.u32 $0x7, v3;
	v4 =	vand.u32 $0xFFFFFF80, v60  }
0x27b: {  	v3 =	vor.u32 v3, v4  }
0x27c: {  	v4 =	vperm.xlane v3, v0;
	_ =	sdelay $0x1  }
0x27d: {  	v3 =	vperm.xlane v3, v2;
	v4 =	vadd.s32 v1, v4;
	_ =	sdelay $0x1  }
0x27e: {  	v3 =	vadd.s32 v1, v3;
	_ =	sdelay $0x1  }
0x27f: {  	s25 =	simm.s32 $0x1A800  }
0x280: {  	[tilespmem:s25], [sflag:$0x2] =	stream.indirect_vreg.gather [hbm4b:s5+s2], $0x80, v4, vm0, $0xb8;
	[tilespmem:$0x1DC00] =	vst v63  }
0x281: {  	s26 =	simm.s32 $0x1B000  }
0x282: {  	[tilespmem:s26], [sflag:$0x2] =	stream.indirect_vreg.gather [hbm4b:s5+s2], $0x80, v3, vm0, $0xb8;
	[tilespmem:$0x1DC00] =	vst v63  }
0x283: {  	v3 =	vld [tilespmem:$0x198];
	_ =	sdelay $0x4  }
0x284: {  	v61 =	vshll.u32 v3, $0x4  }
0x285: {  	v3 =	vand.u32 $0x7, v3;
	v4 =	vand.u32 $0xFFFFFF80, v61  }
0x286: {  	v3 =	vor.u32 v3, v4  }
0x287: {  	v4 =	vperm.xlane v3, v0;
	_ =	sdelay $0x1  }
0x288: {  	v3 =	vperm.xlane v3, v2;
	v4 =	vadd.s32 v1, v4;
	_ =	sdelay $0x1  }
0x289: {  	v3 =	vadd.s32 v1, v3;
	_ =	sdelay $0x1  }
0x28a: {  	s28 =	simm.s32 $0x1B800  }
0x28b: {  	[tilespmem:s28], [sflag:$0x2] =	stream.indirect_vreg.gather [hbm4b:s5+s2], $0x80, v4, vm0, $0xb8;
	[tilespmem:$0x1DC00] =	vst v63  }
0x28c: {  	s1 =	simm.s32 $0x1C000  }
0x28d: {  	[tilespmem:s1], [sflag:$0x2] =	stream.indirect_vreg.gather [hbm4b:s5+s2], $0x80, v3, vm0, $0xb8;
	[tilespmem:$0x1DC00] =	vst v63  }
0x28e: {  	v3 =	vld [tilespmem:$0x1A8];
	_ =	sdelay $0x4  }
0x28f: {  	v62 =	vshll.u32 v3, $0x4  }
0x290: {  	v3 =	vand.u32 $0x7, v3;
	v4 =	vand.u32 $0xFFFFFF80, v62  }
0x291: {  	v3 =	vor.u32 v3, v4  }
0x292: {  	v4 =	vperm.xlane v3, v0;
	_ =	sdelay $0x1  }
0x293: {  	v3 =	vperm.xlane v3, v2;
	v4 =	vadd.s32 v1, v4;
	_ =	sdelay $0x1  }
0x294: {  	v3 =	vadd.s32 v1, v3;
	_ =	sdelay $0x1  }
0x295: {  	s23 =	simm.s32 $0x1C800  }
0x296: {  	[tilespmem:s23], [sflag:$0x2] =	stream.indirect_vreg.gather [hbm4b:s5+s2], $0x80, v4, vm0, $0xb8;
	[tilespmem:$0x1DC00] =	vst v63  }
0x297: {  	s3 =	simm.s32 $0x1D000  }
0x298: {  	[tilespmem:s3], [sflag:$0x2] =	stream.indirect_vreg.gather [hbm4b:s5+s2], $0x80, v3, vm0, $0xb8;
	[tilespmem:$0x1DC00] =	vst v63  }
0x299: {  	v3 =	vld.msk [tilespmem:$0x1B8], $0x3;
	_ =	sdelay $0x4  }
0x29a: {  	v63 =	vshll.u32 v3, $0x4  }
0x29b: {  	v3 =	vand.u32 $0x7, v3;
	v4 =	vand.u32 $0xFFFFFF80, v63  }
0x29c: {  	v3 =	vor.u32 v3, v4  }
0x29d: {  	v3 =	vperm.xlane v3, v0  }
0x29e: {  	s30 =	simm.s32 $0x5800;
	s29 =	simm.s32 $0x4C00  }
0x29f: {  	s0 =	simm.s32 $0x6000;
	s31 =	simm.s32 $0x2800;
	s6 =	simm.s32 $0x4800;
	v3 =	vadd.s32 v1, v3  }
0x2a0: {  	s7 =	simm.s32 $0x5000;
	s8 =	simm.s32 $0x5400;
	s9 =	simm.s32 $0x5C00  }
0x2a1: {  	s10 =	simm.s32 $0x8400;
	s11 =	simm.s32 $0x6400;
	s13 =	simm.s32 $0x6C00  }
0x2a2: {  	s14 =	simm.s32 $0x7400;
	s15 =	simm.s32 $0x7C00;
	s20 =	simm.s32 $0x378  }
0x2a3: {  	s21 =	simm.s32 $0x0;
	s24 =	simm.s32 $0x2C00;
	s26 =	simm.s32 $0x1D800  }
0x2a4: {  	[tilespmem:s26], [sflag:$0x2] =	stream.indirect_vreg.gather [hbm4b:s5+s2], $0x80, v3, vm1, $0xb8;
	[tilespmem:$0x1DC00] =	vst v63  }
.LBB2_2:
0x2a5: {  	_ =	swait.ge [sflag:s16], $0x1900  }
0x2a6: {  	[sflag:s16] =	ssyncset.done $0x0  }
0x2a7: {  	[sflag:s16] =	ssyncadd.s32 $0xFFFFE700  }
0x2a8: {  	_ =	swait.ge [sflag:s16], $0x1900  }
0x2a9: {  	[sflag:s16] =	ssyncset.done $0x0  }
0x2aa: {  	[sflag:s16] =	ssyncadd.s32 $0xFFFFE700  }
0x2ab: {  	_ =	swait.ge [sflag:s16], $0x1900  }
0x2ac: {  	[sflag:s16] =	ssyncset.done $0x0  }
0x2ad: {  	[sflag:s16] =	ssyncadd.s32 $0xFFFFE700  }
0x2ae: {  	_ =	swait.ge [sflag:s16], $0x1900  }
0x2af: {  	[sflag:s16] =	ssyncset.done $0x0  }
0x2b0: {  	[sflag:s16] =	ssyncadd.s32 $0xFFFFE700  }
0x2b1: {  	_ =	swait.ge [sflag:s16], $0x1900  }
0x2b2: {  	[sflag:s16] =	ssyncset.done $0x0  }
0x2b3: {  	[sflag:s16] =	ssyncadd.s32 $0xFFFFE700  }
0x2b4: {  	_ =	swait.ge [sflag:s16], $0x1900  }
0x2b5: {  	[sflag:s16] =	ssyncset.done $0x0  }
0x2b6: {  	[sflag:s16] =	ssyncadd.s32 $0xFFFFE700  }
0x2b7: {  	_ =	swait.ge [sflag:s16], $0x1900  }
0x2b8: {  	[sflag:s16] =	ssyncset.done $0x0  }
0x2b9: {  	[sflag:s16] =	ssyncadd.s32 $0xFFFFE700  }
0x2ba: {  	_ =	swait.ge [sflag:s16], $0x1900  }
0x2bb: {  	s22 =	rddreg [dreg:$0x4];
	[sflag:s16] =	ssyncset.done $0x0  }
0x2bc: {  	s25 =	simm.s32 $0x1C00;
	[sflag:s16] =	ssyncadd.s32 $0xFFFFE700;
	s22 =	sadd.s32 s21, s22  }
0x2bd: {  	[hbm4b:s22+s2] =	stream.linear.scatter [tilespmem:s25], [sflag:$0x3], $0xE000, $0x38;
	[tilespmem:$0x1DC00] =	vst v63  }
0x2be: {  	_ =	swait.ge [sflag:s17], $0xE000  }
0x2bf: {  	[sflag:s17] =	ssyncset.done $0x0  }
0x2c0: {  	[sflag:s17] =	ssyncadd.s32 $0xFFFF2000  }
0x2c1: {  	v3 =	vld [tilespmem:s20+$0xFFFFFE48];
	_ =	sdelay $0x4  }
0x2c2: {  	v4 =	vshll.u32 v3, $0x4  }
0x2c3: {  	v3 =	vand.u32 $0x7, v3;
	v4 =	vand.u32 $0xFFFFFF80, v4  }
0x2c4: {  	v3 =	vor.u32 v3, v4  }
0x2c5: {  	v4 =	vperm.xlane v3, v0;
	_ =	sdelay $0x1  }
0x2c6: {  	v3 =	vperm.xlane v3, v2;
	v4 =	vadd.s32 v1, v4;
	_ =	sdelay $0x1  }
0x2c7: {  	v3 =	vadd.s32 v1, v3;
	_ =	sdelay $0x2  }
0x2c8: {  	[tilespmem:s25], [sflag:$0x1] =	stream.indirect_vreg.gather [hbm4b:s4+s2], $0x80, v4, vm0, $0xb8;
	[tilespmem:$0x1DC00] =	vst v63  }
0x2c9: {  	s25 =	simm.s32 $0x2400  }
0x2ca: {  	[tilespmem:s25], [sflag:$0x1] =	stream.indirect_vreg.gather [hbm4b:s4+s2], $0x80, v3, vm0, $0xb8;
	[tilespmem:$0x1DC00] =	vst v63  }
0x2cb: {  	v3 =	vld [tilespmem:s20+$0xFFFFFE58];
	_ =	sdelay $0x4  }
0x2cc: {  	v57 =	vshll.u32 v3, $0x4  }
0x2cd: {  	v3 =	vand.u32 $0x7, v3;
	v4 =	vand.u32 $0xFFFFFF80, v57  }
0x2ce: {  	v3 =	vor.u32 v3, v4  }
0x2cf: {  	v4 =	vperm.xlane v3, v0;
	_ =	sdelay $0x1  }
0x2d0: {  	v3 =	vperm.xlane v3, v2;
	v4 =	vadd.s32 v1, v4;
	_ =	sdelay $0x1  }
0x2d1: {  	v3 =	vadd.s32 v1, v3;
	_ =	sdelay $0x2  }
0x2d2: {  	[tilespmem:s24], [sflag:$0x1] =	stream.indirect_vreg.gather [hbm4b:s4+s2], $0x80, v4, vm0, $0xb8;
	[tilespmem:$0x1DC00] =	vst v63  }
0x2d3: {  	s25 =	simm.s32 $0x3400  }
0x2d4: {  	[tilespmem:s25], [sflag:$0x1] =	stream.indirect_vreg.gather [hbm4b:s4+s2], $0x80, v3, vm0, $0xb8;
	[tilespmem:$0x1DC00] =	vst v63  }
0x2d5: {  	v3 =	vld [tilespmem:s20+$0xFFFFFE68];
	_ =	sdelay $0x4  }
0x2d6: {  	v58 =	vshll.u32 v3, $0x4  }
0x2d7: {  	v3 =	vand.u32 $0x7, v3;
	v4 =	vand.u32 $0xFFFFFF80, v58  }
0x2d8: {  	v3 =	vor.u32 v3, v4  }
0x2d9: {  	v4 =	vperm.xlane v3, v0;
	_ =	sdelay $0x1  }
0x2da: {  	v3 =	vperm.xlane v3, v2;
	v4 =	vadd.s32 v1, v4;
	_ =	sdelay $0x1  }
0x2db: {  	v3 =	vadd.s32 v1, v3;
	_ =	sdelay $0x1  }
0x2dc: {  	s25 =	simm.s32 $0x3C00  }
0x2dd: {  	[tilespmem:s25], [sflag:$0x1] =	stream.indirect_vreg.gather [hbm4b:s4+s2], $0x80, v4, vm0, $0xb8;
	[tilespmem:$0x1DC00] =	vst v63  }
0x2de: {  	s25 =	simm.s32 $0x4400  }
0x2df: {  	[tilespmem:s25], [sflag:$0x1] =	stream.indirect_vreg.gather [hbm4b:s4+s2], $0x80, v3, vm0, $0xb8;
	[tilespmem:$0x1DC00] =	vst v63  }
0x2e0: {  	v3 =	vld.msk [tilespmem:s20+$0xFFFFFE78], $0x3;
	_ =	sdelay $0x4  }
0x2e1: {  	v59 =	vshll.u32 v3, $0x4  }
0x2e2: {  	v3 =	vand.u32 $0x7, v3;
	v4 =	vand.u32 $0xFFFFFF80, v59  }
0x2e3: {  	v3 =	vor.u32 v3, v4  }
0x2e4: {  	v3 =	vperm.xlane v3, v0;
	_ =	sdelay $0x1  }
0x2e5: {  	v3 =	vadd.s32 v1, v3;
	_ =	sdelay $0x4  }
0x2e6: {  	[tilespmem:s29], [sflag:$0x1] =	stream.indirect_vreg.gather [hbm4b:s4+s2], $0x80, v3, vm1, $0xb8;
	[tilespmem:$0x1DC00] =	vst v63  }
0x2e7: {  	v3 =	vld [tilespmem:s20+$0xFFFFFE48];
	_ =	sdelay $0x4  }
0x2e8: {  	v60 =	vshll.u32 v3, $0x4  }
0x2e9: {  	v3 =	vand.u32 $0x7, v3;
	v4 =	vand.u32 $0xFFFFFF80, v60  }
0x2ea: {  	v3 =	vor.u32 v3, v4  }
0x2eb: {  	v4 =	vperm.xlane v3, v0;
	_ =	sdelay $0x1  }
0x2ec: {  	v3 =	vperm.xlane v3, v2;
	v4 =	vadd.s32 v1, v4;
	_ =	sdelay $0x1  }
0x2ed: {  	v3 =	vadd.s32 v1, v3;
	_ =	sdelay $0x1  }
0x2ee: {  	s25 =	simm.s32 $0x2000  }
0x2ef: {  	[tilespmem:s25], [sflag:$0x1] =	stream.indirect_vreg.gather [hbm4b:s5+s2], $0x80, v4, vm0, $0xb8;
	[tilespmem:$0x1DC00] =	vst v63  }
0x2f0: {  	_ = 	snop  }
0x2f1: {  	[tilespmem:s31], [sflag:$0x1] =	stream.indirect_vreg.gather [hbm4b:s5+s2], $0x80, v3, vm0, $0xb8;
	[tilespmem:$0x1DC00] =	vst v63  }
0x2f2: {  	v3 =	vld [tilespmem:s20+$0xFFFFFE58];
	_ =	sdelay $0x4  }
0x2f3: {  	v61 =	vshll.u32 v3, $0x4  }
0x2f4: {  	v3 =	vand.u32 $0x7, v3;
	v4 =	vand.u32 $0xFFFFFF80, v61  }
0x2f5: {  	v3 =	vor.u32 v3, v4  }
0x2f6: {  	v4 =	vperm.xlane v3, v0;
	_ =	sdelay $0x1  }
0x2f7: {  	v3 =	vperm.xlane v3, v2;
	v4 =	vadd.s32 v1, v4;
	_ =	sdelay $0x1  }
0x2f8: {  	v3 =	vadd.s32 v1, v3;
	_ =	sdelay $0x1  }
0x2f9: {  	s25 =	simm.s32 $0x3000  }
0x2fa: {  	[tilespmem:s25], [sflag:$0x1] =	stream.indirect_vreg.gather [hbm4b:s5+s2], $0x80, v4, vm0, $0xb8;
	[tilespmem:$0x1DC00] =	vst v63  }
0x2fb: {  	s25 =	simm.s32 $0x3800  }
0x2fc: {  	[tilespmem:s25], [sflag:$0x1] =	stream.indirect_vreg.gather [hbm4b:s5+s2], $0x80, v3, vm0, $0xb8;
	[tilespmem:$0x1DC00] =	vst v63  }
0x2fd: {  	v3 =	vld [tilespmem:s20+$0xFFFFFE68];
	_ =	sdelay $0x4  }
0x2fe: {  	v62 =	vshll.u32 v3, $0x4  }
0x2ff: {  	v3 =	vand.u32 $0x7, v3;
	v4 =	vand.u32 $0xFFFFFF80, v62  }
0x300: {  	v3 =	vor.u32 v3, v4  }
0x301: {  	v4 =	vperm.xlane v3, v0;
	_ =	sdelay $0x1  }
0x302: {  	v3 =	vperm.xlane v3, v2;
	v4 =	vadd.s32 v1, v4;
	_ =	sdelay $0x1  }
0x303: {  	v3 =	vadd.s32 v1, v3;
	_ =	sdelay $0x1  }
0x304: {  	s25 =	simm.s32 $0x4000  }
0x305: {  	[tilespmem:s25], [sflag:$0x1] =	stream.indirect_vreg.gather [hbm4b:s5+s2], $0x80, v4, vm0, $0xb8;
	[tilespmem:$0x1DC00] =	vst v63  }
0x306: {  	_ = 	snop  }
0x307: {  	[tilespmem:s6], [sflag:$0x1] =	stream.indirect_vreg.gather [hbm4b:s5+s2], $0x80, v3, vm0, $0xb8;
	[tilespmem:$0x1DC00] =	vst v63  }
0x308: {  	v3 =	vld.msk [tilespmem:s20+$0xFFFFFE78], $0x3;
	_ =	sdelay $0x4  }
0x309: {  	v63 =	vshll.u32 v3, $0x4  }
0x30a: {  	v3 =	vand.u32 $0x7, v3;
	v4 =	vand.u32 $0xFFFFFF80, v63  }
0x30b: {  	v3 =	vor.u32 v3, v4  }
0x30c: {  	v3 =	vperm.xlane v3, v0;
	_ =	sdelay $0x1  }
0x30d: {  	v3 =	vadd.s32 v1, v3;
	_ =	sdelay $0x4  }
0x30e: {  	[tilespmem:s7], [sflag:$0x1] =	stream.indirect_vreg.gather [hbm4b:s5+s2], $0x80, v3, vm1, $0xb8;
	[tilespmem:$0x1DC00] =	vst v63  }
0x30f: {  	v3 =	vld [tilespmem:s20+$0xFFFFFE80];
	_ =	sdelay $0x4  }
0x310: {  	v8 =	vshll.u32 v3, $0x4  }
0x311: {  	v3 =	vand.u32 $0x7, v3;
	v4 =	vand.u32 $0xFFFFFF80, v8  }
0x312: {  	v3 =	vor.u32 v3, v4  }
0x313: {  	v4 =	vperm.xlane v3, v0;
	_ =	sdelay $0x1  }
0x314: {  	v3 =	vperm.xlane v3, v2;
	v4 =	vadd.s32 v1, v4;
	_ =	sdelay $0x1  }
0x315: {  	v3 =	vadd.s32 v1, v3;
	_ =	sdelay $0x2  }
0x316: {  	[tilespmem:s8], [sflag:$0x1] =	stream.indirect_vreg.gather [hbm4b:s4+s2], $0x80, v4, vm0, $0xb8;
	[tilespmem:$0x1DC00] =	vst v63  }
0x317: {  	_ = 	snop  }
0x318: {  	[tilespmem:s9], [sflag:$0x1] =	stream.indirect_vreg.gather [hbm4b:s4+s2], $0x80, v3, vm0, $0xb8;
	[tilespmem:$0x1DC00] =	vst v63  }
0x319: {  	v3 =	vld [tilespmem:s20+$0xFFFFFE90];
	_ =	sdelay $0x4  }
0x31a: {  	v9 =	vshll.u32 v3, $0x4  }
0x31b: {  	v3 =	vand.u32 $0x7, v3;
	v4 =	vand.u32 $0xFFFFFF80, v9  }
0x31c: {  	v3 =	vor.u32 v3, v4  }
0x31d: {  	v4 =	vperm.xlane v3, v0;
	_ =	sdelay $0x1  }
0x31e: {  	v3 =	vperm.xlane v3, v2;
	v4 =	vadd.s32 v1, v4;
	_ =	sdelay $0x1  }
0x31f: {  	v3 =	vadd.s32 v1, v3;
	_ =	sdelay $0x2  }
0x320: {  	[tilespmem:s11], [sflag:$0x1] =	stream.indirect_vreg.gather [hbm4b:s4+s2], $0x80, v4, vm0, $0xb8;
	[tilespmem:$0x1DC00] =	vst v63  }
0x321: {  	_ = 	snop  }
0x322: {  	[tilespmem:s13], [sflag:$0x1] =	stream.indirect_vreg.gather [hbm4b:s4+s2], $0x80, v3, vm0, $0xb8;
	[tilespmem:$0x1DC00] =	vst v63  }
0x323: {  	v3 =	vld [tilespmem:s20+$0xFFFFFEA0];
	_ =	sdelay $0x4  }
0x324: {  	v10 =	vshll.u32 v3, $0x4  }
0x325: {  	v3 =	vand.u32 $0x7, v3;
	v4 =	vand.u32 $0xFFFFFF80, v10  }
0x326: {  	v3 =	vor.u32 v3, v4  }
0x327: {  	v4 =	vperm.xlane v3, v0;
	_ =	sdelay $0x1  }
0x328: {  	v3 =	vperm.xlane v3, v2;
	v4 =	vadd.s32 v1, v4;
	_ =	sdelay $0x1  }
0x329: {  	v3 =	vadd.s32 v1, v3;
	_ =	sdelay $0x2  }
0x32a: {  	[tilespmem:s14], [sflag:$0x1] =	stream.indirect_vreg.gather [hbm4b:s4+s2], $0x80, v4, vm0, $0xb8;
	[tilespmem:$0x1DC00] =	vst v63  }
0x32b: {  	_ = 	snop  }
0x32c: {  	[tilespmem:s15], [sflag:$0x1] =	stream.indirect_vreg.gather [hbm4b:s4+s2], $0x80, v3, vm0, $0xb8;
	[tilespmem:$0x1DC00] =	vst v63  }
0x32d: {  	v3 =	vld.msk [tilespmem:s20+$0xFFFFFEB0], $0x3;
	_ =	sdelay $0x4  }
0x32e: {  	v11 =	vshll.u32 v3, $0x4  }
0x32f: {  	v3 =	vand.u32 $0x7, v3;
	v4 =	vand.u32 $0xFFFFFF80, v11  }
0x330: {  	v3 =	vor.u32 v3, v4  }
0x331: {  	v3 =	vperm.xlane v3, v0;
	_ =	sdelay $0x1  }
0x332: {  	v3 =	vadd.s32 v1, v3;
	_ =	sdelay $0x4  }
0x333: {  	[tilespmem:s10], [sflag:$0x1] =	stream.indirect_vreg.gather [hbm4b:s4+s2], $0x80, v3, vm1, $0xb8;
	[tilespmem:$0x1DC00] =	vst v63  }
0x334: {  	v3 =	vld [tilespmem:s20+$0xFFFFFE80];
	_ =	sdelay $0x4  }
0x335: {  	v12 =	vshll.u32 v3, $0x4  }
0x336: {  	v3 =	vand.u32 $0x7, v3;
	v4 =	vand.u32 $0xFFFFFF80, v12  }
0x337: {  	v3 =	vor.u32 v3, v4  }
0x338: {  	v4 =	vperm.xlane v3, v0;
	_ =	sdelay $0x1  }
0x339: {  	v3 =	vperm.xlane v3, v2;
	v4 =	vadd.s32 v1, v4;
	_ =	sdelay $0x1  }
0x33a: {  	v3 =	vadd.s32 v1, v3;
	_ =	sdelay $0x2  }
0x33b: {  	[tilespmem:s30], [sflag:$0x1] =	stream.indirect_vreg.gather [hbm4b:s5+s2], $0x80, v4, vm0, $0xb8;
	[tilespmem:$0x1DC00] =	vst v63  }
0x33c: {  	_ = 	snop  }
0x33d: {  	[tilespmem:s0], [sflag:$0x1] =	stream.indirect_vreg.gather [hbm4b:s5+s2], $0x80, v3, vm0, $0xb8;
	[tilespmem:$0x1DC00] =	vst v63  }
0x33e: {  	v3 =	vld [tilespmem:s20+$0xFFFFFE90];
	_ =	sdelay $0x4  }
0x33f: {  	v13 =	vshll.u32 v3, $0x4  }
0x340: {  	v3 =	vand.u32 $0x7, v3;
	v4 =	vand.u32 $0xFFFFFF80, v13  }
0x341: {  	v3 =	vor.u32 v3, v4  }
0x342: {  	v4 =	vperm.xlane v3, v0;
	_ =	sdelay $0x1  }
0x343: {  	v3 =	vperm.xlane v3, v2;
	v4 =	vadd.s32 v1, v4;
	_ =	sdelay $0x1  }
0x344: {  	v3 =	vadd.s32 v1, v3;
	_ =	sdelay $0x1  }
0x345: {  	s25 =	simm.s32 $0x6800  }
0x346: {  	[tilespmem:s25], [sflag:$0x1] =	stream.indirect_vreg.gather [hbm4b:s5+s2], $0x80, v4, vm0, $0xb8;
	[tilespmem:$0x1DC00] =	vst v63  }
0x347: {  	s25 =	simm.s32 $0x7000  }
0x348: {  	[tilespmem:s25], [sflag:$0x1] =	stream.indirect_vreg.gather [hbm4b:s5+s2], $0x80, v3, vm0, $0xb8;
	[tilespmem:$0x1DC00] =	vst v63  }
0x349: {  	v3 =	vld [tilespmem:s20+$0xFFFFFEA0];
	_ =	sdelay $0x4  }
0x34a: {  	v14 =	vshll.u32 v3, $0x4  }
0x34b: {  	v3 =	vand.u32 $0x7, v3;
	v4 =	vand.u32 $0xFFFFFF80, v14  }
0x34c: {  	v3 =	vor.u32 v3, v4  }
0x34d: {  	v4 =	vperm.xlane v3, v0;
	_ =	sdelay $0x1  }
0x34e: {  	v3 =	vperm.xlane v3, v2;
	v4 =	vadd.s32 v1, v4;
	_ =	sdelay $0x1  }
0x34f: {  	v3 =	vadd.s32 v1, v3;
	_ =	sdelay $0x1  }
0x350: {  	s25 =	simm.s32 $0x7800  }
0x351: {  	[tilespmem:s25], [sflag:$0x1] =	stream.indirect_vreg.gather [hbm4b:s5+s2], $0x80, v4, vm0, $0xb8;
	[tilespmem:$0x1DC00] =	vst v63  }
0x352: {  	s25 =	simm.s32 $0x8000  }
0x353: {  	[tilespmem:s25], [sflag:$0x1] =	stream.indirect_vreg.gather [hbm4b:s5+s2], $0x80, v3, vm0, $0xb8;
	[tilespmem:$0x1DC00] =	vst v63  }
0x354: {  	v3 =	vld.msk [tilespmem:s20+$0xFFFFFEB0], $0x3;
	_ =	sdelay $0x4  }
0x355: {  	v15 =	vshll.u32 v3, $0x4  }
0x356: {  	v3 =	vand.u32 $0x7, v3;
	v4 =	vand.u32 $0xFFFFFF80, v15  }
0x357: {  	v3 =	vor.u32 v3, v4  }
0x358: {  	v3 =	vperm.xlane v3, v0;
	_ =	sdelay $0x1  }
0x359: {  	v3 =	vadd.s32 v1, v3;
	_ =	sdelay $0x3  }
0x35a: {  	s25 =	simm.s32 $0x8800  }
0x35b: {  	[tilespmem:s25], [sflag:$0x1] =	stream.indirect_vreg.gather [hbm4b:s5+s2], $0x80, v3, vm1, $0xb8;
	[tilespmem:$0x1DC00] =	vst v63  }
0x35c: {  	v3 =	vld [tilespmem:s20+$0xFFFFFEB8];
	_ =	sdelay $0x4  }
0x35d: {  	v16 =	vshll.u32 v3, $0x4  }
0x35e: {  	v3 =	vand.u32 $0x7, v3;
	v4 =	vand.u32 $0xFFFFFF80, v16  }
0x35f: {  	v3 =	vor.u32 v3, v4  }
0x360: {  	v4 =	vperm.xlane v3, v0;
	_ =	sdelay $0x1  }
0x361: {  	v3 =	vperm.xlane v3, v2;
	v4 =	vadd.s32 v1, v4;
	_ =	sdelay $0x1  }
0x362: {  	v3 =	vadd.s32 v1, v3;
	_ =	sdelay $0x1  }
0x363: {  	s25 =	simm.s32 $0x8C00  }
0x364: {  	[tilespmem:s25], [sflag:$0x1] =	stream.indirect_vreg.gather [hbm4b:s4+s2], $0x80, v4, vm0, $0xb8;
	[tilespmem:$0x1DC00] =	vst v63  }
0x365: {  	s25 =	simm.s32 $0x9400  }
0x366: {  	[tilespmem:s25], [sflag:$0x1] =	stream.indirect_vreg.gather [hbm4b:s4+s2], $0x80, v3, vm0, $0xb8;
	[tilespmem:$0x1DC00] =	vst v63  }
0x367: {  	v3 =	vld [tilespmem:s20+$0xFFFFFEC8];
	_ =	sdelay $0x4  }
0x368: {  	v17 =	vshll.u32 v3, $0x4  }
0x369: {  	v3 =	vand.u32 $0x7, v3;
	v4 =	vand.u32 $0xFFFFFF80, v17  }
0x36a: {  	v3 =	vor.u32 v3, v4  }
0x36b: {  	v4 =	vperm.xlane v3, v0;
	_ =	sdelay $0x1  }
0x36c: {  	v3 =	vperm.xlane v3, v2;
	v4 =	vadd.s32 v1, v4;
	_ =	sdelay $0x1  }
0x36d: {  	v3 =	vadd.s32 v1, v3;
	_ =	sdelay $0x1  }
0x36e: {  	s25 =	simm.s32 $0x9C00  }
0x36f: {  	[tilespmem:s25], [sflag:$0x1] =	stream.indirect_vreg.gather [hbm4b:s4+s2], $0x80, v4, vm0, $0xb8;
	[tilespmem:$0x1DC00] =	vst v63  }
0x370: {  	s25 =	simm.s32 $0xA400  }
0x371: {  	[tilespmem:s25], [sflag:$0x1] =	stream.indirect_vreg.gather [hbm4b:s4+s2], $0x80, v3, vm0, $0xb8;
	[tilespmem:$0x1DC00] =	vst v63  }
0x372: {  	v3 =	vld [tilespmem:s20+$0xFFFFFED8];
	_ =	sdelay $0x4  }
0x373: {  	v18 =	vshll.u32 v3, $0x4  }
0x374: {  	v3 =	vand.u32 $0x7, v3;
	v4 =	vand.u32 $0xFFFFFF80, v18  }
0x375: {  	v3 =	vor.u32 v3, v4  }
0x376: {  	v4 =	vperm.xlane v3, v0;
	_ =	sdelay $0x1  }
0x377: {  	v3 =	vperm.xlane v3, v2;
	v4 =	vadd.s32 v1, v4;
	_ =	sdelay $0x1  }
0x378: {  	v3 =	vadd.s32 v1, v3;
	_ =	sdelay $0x1  }
0x379: {  	s25 =	simm.s32 $0xAC00  }
0x37a: {  	[tilespmem:s25], [sflag:$0x1] =	stream.indirect_vreg.gather [hbm4b:s4+s2], $0x80, v4, vm0, $0xb8;
	[tilespmem:$0x1DC00] =	vst v63  }
0x37b: {  	s25 =	simm.s32 $0xB400  }
0x37c: {  	[tilespmem:s25], [sflag:$0x1] =	stream.indirect_vreg.gather [hbm4b:s4+s2], $0x80, v3, vm0, $0xb8;
	[tilespmem:$0x1DC00] =	vst v63  }
0x37d: {  	v3 =	vld.msk [tilespmem:s20+$0xFFFFFEE8], $0x3;
	_ =	sdelay $0x4  }
0x37e: {  	v19 =	vshll.u32 v3, $0x4  }
0x37f: {  	v3 =	vand.u32 $0x7, v3;
	v4 =	vand.u32 $0xFFFFFF80, v19  }
0x380: {  	v3 =	vor.u32 v3, v4  }
0x381: {  	v3 =	vperm.xlane v3, v0;
	_ =	sdelay $0x1  }
0x382: {  	v3 =	vadd.s32 v1, v3;
	_ =	sdelay $0x3  }
0x383: {  	s25 =	simm.s32 $0xBC00  }
0x384: {  	[tilespmem:s25], [sflag:$0x1] =	stream.indirect_vreg.gather [hbm4b:s4+s2], $0x80, v3, vm1, $0xb8;
	[tilespmem:$0x1DC00] =	vst v63  }
0x385: {  	v3 =	vld [tilespmem:s20+$0xFFFFFEB8];
	_ =	sdelay $0x4  }
0x386: {  	v20 =	vshll.u32 v3, $0x4  }
0x387: {  	v3 =	vand.u32 $0x7, v3;
	v4 =	vand.u32 $0xFFFFFF80, v20  }
0x388: {  	v3 =	vor.u32 v3, v4  }
0x389: {  	v4 =	vperm.xlane v3, v0;
	_ =	sdelay $0x1  }
0x38a: {  	v3 =	vperm.xlane v3, v2;
	v4 =	vadd.s32 v1, v4;
	_ =	sdelay $0x1  }
0x38b: {  	v3 =	vadd.s32 v1, v3;
	_ =	sdelay $0x1  }
0x38c: {  	s25 =	simm.s32 $0x9000  }
0x38d: {  	[tilespmem:s25], [sflag:$0x1] =	stream.indirect_vreg.gather [hbm4b:s5+s2], $0x80, v4, vm0, $0xb8;
	[tilespmem:$0x1DC00] =	vst v63  }
0x38e: {  	s25 =	simm.s32 $0x9800  }
0x38f: {  	[tilespmem:s25], [sflag:$0x1] =	stream.indirect_vreg.gather [hbm4b:s5+s2], $0x80, v3, vm0, $0xb8;
	[tilespmem:$0x1DC00] =	vst v63  }
0x390: {  	v3 =	vld [tilespmem:s20+$0xFFFFFEC8];
	_ =	sdelay $0x4  }
0x391: {  	v21 =	vshll.u32 v3, $0x4  }
0x392: {  	v3 =	vand.u32 $0x7, v3;
	v4 =	vand.u32 $0xFFFFFF80, v21  }
0x393: {  	v3 =	vor.u32 v3, v4  }
0x394: {  	v4 =	vperm.xlane v3, v0;
	_ =	sdelay $0x1  }
0x395: {  	v3 =	vperm.xlane v3, v2;
	v4 =	vadd.s32 v1, v4;
	_ =	sdelay $0x1  }
0x396: {  	v3 =	vadd.s32 v1, v3;
	_ =	sdelay $0x1  }
0x397: {  	s25 =	simm.s32 $0xA000  }
0x398: {  	[tilespmem:s25], [sflag:$0x1] =	stream.indirect_vreg.gather [hbm4b:s5+s2], $0x80, v4, vm0, $0xb8;
	[tilespmem:$0x1DC00] =	vst v63  }
0x399: {  	s25 =	simm.s32 $0xA800  }
0x39a: {  	[tilespmem:s25], [sflag:$0x1] =	stream.indirect_vreg.gather [hbm4b:s5+s2], $0x80, v3, vm0, $0xb8;
	[tilespmem:$0x1DC00] =	vst v63  }
0x39b: {  	v3 =	vld [tilespmem:s20+$0xFFFFFED8];
	_ =	sdelay $0x4  }
0x39c: {  	v22 =	vshll.u32 v3, $0x4  }
0x39d: {  	v3 =	vand.u32 $0x7, v3;
	v4 =	vand.u32 $0xFFFFFF80, v22  }
0x39e: {  	v3 =	vor.u32 v3, v4  }
0x39f: {  	v4 =	vperm.xlane v3, v0;
	_ =	sdelay $0x1  }
0x3a0: {  	v3 =	vperm.xlane v3, v2;
	v4 =	vadd.s32 v1, v4;
	_ =	sdelay $0x1  }
0x3a1: {  	v3 =	vadd.s32 v1, v3;
	_ =	sdelay $0x1  }
0x3a2: {  	s25 =	simm.s32 $0xB000  }
0x3a3: {  	[tilespmem:s25], [sflag:$0x1] =	stream.indirect_vreg.gather [hbm4b:s5+s2], $0x80, v4, vm0, $0xb8;
	[tilespmem:$0x1DC00] =	vst v63  }
0x3a4: {  	s25 =	simm.s32 $0xB800  }
0x3a5: {  	[tilespmem:s25], [sflag:$0x1] =	stream.indirect_vreg.gather [hbm4b:s5+s2], $0x80, v3, vm0, $0xb8;
	[tilespmem:$0x1DC00] =	vst v63  }
0x3a6: {  	v3 =	vld.msk [tilespmem:s20+$0xFFFFFEE8], $0x3;
	_ =	sdelay $0x4  }
0x3a7: {  	v23 =	vshll.u32 v3, $0x4  }
0x3a8: {  	v3 =	vand.u32 $0x7, v3;
	v4 =	vand.u32 $0xFFFFFF80, v23  }
0x3a9: {  	v3 =	vor.u32 v3, v4  }
0x3aa: {  	v3 =	vperm.xlane v3, v0;
	_ =	sdelay $0x1  }
0x3ab: {  	v3 =	vadd.s32 v1, v3;
	_ =	sdelay $0x3  }
0x3ac: {  	s25 =	simm.s32 $0xC000  }
0x3ad: {  	[tilespmem:s25], [sflag:$0x1] =	stream.indirect_vreg.gather [hbm4b:s5+s2], $0x80, v3, vm1, $0xb8;
	[tilespmem:$0x1DC00] =	vst v63  }
0x3ae: {  	v3 =	vld [tilespmem:s20+$0xFFFFFEF0];
	_ =	sdelay $0x4  }
0x3af: {  	v24 =	vshll.u32 v3, $0x4  }
0x3b0: {  	v3 =	vand.u32 $0x7, v3;
	v4 =	vand.u32 $0xFFFFFF80, v24  }
0x3b1: {  	v3 =	vor.u32 v3, v4  }
0x3b2: {  	v4 =	vperm.xlane v3, v0;
	_ =	sdelay $0x1  }
0x3b3: {  	v3 =	vperm.xlane v3, v2;
	v4 =	vadd.s32 v1, v4;
	_ =	sdelay $0x1  }
0x3b4: {  	v3 =	vadd.s32 v1, v3;
	_ =	sdelay $0x1  }
0x3b5: {  	s25 =	simm.s32 $0xC400  }
0x3b6: {  	[tilespmem:s25], [sflag:$0x1] =	stream.indirect_vreg.gather [hbm4b:s4+s2], $0x80, v4, vm0, $0xb8;
	[tilespmem:$0x1DC00] =	vst v63  }
0x3b7: {  	s25 =	simm.s32 $0xCC00  }
0x3b8: {  	[tilespmem:s25], [sflag:$0x1] =	stream.indirect_vreg.gather [hbm4b:s4+s2], $0x80, v3, vm0, $0xb8;
	[tilespmem:$0x1DC00] =	vst v63  }
0x3b9: {  	v3 =	vld [tilespmem:s20+$0xFFFFFF00];
	_ =	sdelay $0x4  }
0x3ba: {  	v25 =	vshll.u32 v3, $0x4  }
0x3bb: {  	v3 =	vand.u32 $0x7, v3;
	v4 =	vand.u32 $0xFFFFFF80, v25  }
0x3bc: {  	v3 =	vor.u32 v3, v4  }
0x3bd: {  	v4 =	vperm.xlane v3, v0;
	_ =	sdelay $0x1  }
0x3be: {  	v3 =	vperm.xlane v3, v2;
	v4 =	vadd.s32 v1, v4;
	_ =	sdelay $0x1  }
0x3bf: {  	v3 =	vadd.s32 v1, v3;
	_ =	sdelay $0x1  }
0x3c0: {  	s25 =	simm.s32 $0xD400  }
0x3c1: {  	[tilespmem:s25], [sflag:$0x1] =	stream.indirect_vreg.gather [hbm4b:s4+s2], $0x80, v4, vm0, $0xb8;
	[tilespmem:$0x1DC00] =	vst v63  }
0x3c2: {  	s25 =	simm.s32 $0xDC00  }
0x3c3: {  	[tilespmem:s25], [sflag:$0x1] =	stream.indirect_vreg.gather [hbm4b:s4+s2], $0x80, v3, vm0, $0xb8;
	[tilespmem:$0x1DC00] =	vst v63  }
0x3c4: {  	v3 =	vld [tilespmem:s20+$0xFFFFFF10];
	_ =	sdelay $0x4  }
0x3c5: {  	v26 =	vshll.u32 v3, $0x4  }
0x3c6: {  	v3 =	vand.u32 $0x7, v3;
	v4 =	vand.u32 $0xFFFFFF80, v26  }
0x3c7: {  	v3 =	vor.u32 v3, v4  }
0x3c8: {  	v4 =	vperm.xlane v3, v0;
	_ =	sdelay $0x1  }
0x3c9: {  	v3 =	vperm.xlane v3, v2;
	v4 =	vadd.s32 v1, v4;
	_ =	sdelay $0x1  }
0x3ca: {  	v3 =	vadd.s32 v1, v3;
	_ =	sdelay $0x1  }
0x3cb: {  	s25 =	simm.s32 $0xE400  }
0x3cc: {  	[tilespmem:s25], [sflag:$0x1] =	stream.indirect_vreg.gather [hbm4b:s4+s2], $0x80, v4, vm0, $0xb8;
	[tilespmem:$0x1DC00] =	vst v63  }
0x3cd: {  	s25 =	simm.s32 $0xEC00  }
0x3ce: {  	[tilespmem:s25], [sflag:$0x1] =	stream.indirect_vreg.gather [hbm4b:s4+s2], $0x80, v3, vm0, $0xb8;
	[tilespmem:$0x1DC00] =	vst v63  }
0x3cf: {  	v3 =	vld.msk [tilespmem:s20+$0xFFFFFF20], $0x3;
	_ =	sdelay $0x4  }
0x3d0: {  	v27 =	vshll.u32 v3, $0x4  }
0x3d1: {  	v3 =	vand.u32 $0x7, v3;
	v4 =	vand.u32 $0xFFFFFF80, v27  }
0x3d2: {  	v3 =	vor.u32 v3, v4  }
0x3d3: {  	v3 =	vperm.xlane v3, v0;
	_ =	sdelay $0x1  }
0x3d4: {  	v3 =	vadd.s32 v1, v3;
	_ =	sdelay $0x3  }
0x3d5: {  	s25 =	simm.s32 $0xF400  }
0x3d6: {  	[tilespmem:s25], [sflag:$0x1] =	stream.indirect_vreg.gather [hbm4b:s4+s2], $0x80, v3, vm1, $0xb8;
	[tilespmem:$0x1DC00] =	vst v63  }
0x3d7: {  	v3 =	vld [tilespmem:s20+$0xFFFFFEF0];
	_ =	sdelay $0x4  }
0x3d8: {  	v28 =	vshll.u32 v3, $0x4  }
0x3d9: {  	v3 =	vand.u32 $0x7, v3;
	v4 =	vand.u32 $0xFFFFFF80, v28  }
0x3da: {  	v3 =	vor.u32 v3, v4  }
0x3db: {  	v4 =	vperm.xlane v3, v0;
	_ =	sdelay $0x1  }
0x3dc: {  	v3 =	vperm.xlane v3, v2;
	v4 =	vadd.s32 v1, v4;
	_ =	sdelay $0x1  }
0x3dd: {  	v3 =	vadd.s32 v1, v3;
	_ =	sdelay $0x1  }
0x3de: {  	s25 =	simm.s32 $0xC800  }
0x3df: {  	[tilespmem:s25], [sflag:$0x1] =	stream.indirect_vreg.gather [hbm4b:s5+s2], $0x80, v4, vm0, $0xb8;
	[tilespmem:$0x1DC00] =	vst v63  }
0x3e0: {  	s25 =	simm.s32 $0xD000  }
0x3e1: {  	[tilespmem:s25], [sflag:$0x1] =	stream.indirect_vreg.gather [hbm4b:s5+s2], $0x80, v3, vm0, $0xb8;
	[tilespmem:$0x1DC00] =	vst v63  }
0x3e2: {  	v3 =	vld [tilespmem:s20+$0xFFFFFF00];
	_ =	sdelay $0x4  }
0x3e3: {  	v29 =	vshll.u32 v3, $0x4  }
0x3e4: {  	v3 =	vand.u32 $0x7, v3;
	v4 =	vand.u32 $0xFFFFFF80, v29  }
0x3e5: {  	v3 =	vor.u32 v3, v4  }
0x3e6: {  	v4 =	vperm.xlane v3, v0;
	_ =	sdelay $0x1  }
0x3e7: {  	v3 =	vperm.xlane v3, v2;
	v4 =	vadd.s32 v1, v4;
	_ =	sdelay $0x1  }
0x3e8: {  	v3 =	vadd.s32 v1, v3;
	_ =	sdelay $0x1  }
0x3e9: {  	s25 =	simm.s32 $0xD800  }
0x3ea: {  	[tilespmem:s25], [sflag:$0x1] =	stream.indirect_vreg.gather [hbm4b:s5+s2], $0x80, v4, vm0, $0xb8;
	[tilespmem:$0x1DC00] =	vst v63  }
0x3eb: {  	s25 =	simm.s32 $0xE000  }
0x3ec: {  	[tilespmem:s25], [sflag:$0x1] =	stream.indirect_vreg.gather [hbm4b:s5+s2], $0x80, v3, vm0, $0xb8;
	[tilespmem:$0x1DC00] =	vst v63  }
0x3ed: {  	v3 =	vld [tilespmem:s20+$0xFFFFFF10];
	_ =	sdelay $0x4  }
0x3ee: {  	v30 =	vshll.u32 v3, $0x4  }
0x3ef: {  	v3 =	vand.u32 $0x7, v3;
	v4 =	vand.u32 $0xFFFFFF80, v30  }
0x3f0: {  	v3 =	vor.u32 v3, v4  }
0x3f1: {  	v4 =	vperm.xlane v3, v0;
	_ =	sdelay $0x1  }
0x3f2: {  	v3 =	vperm.xlane v3, v2;
	v4 =	vadd.s32 v1, v4;
	_ =	sdelay $0x1  }
0x3f3: {  	v3 =	vadd.s32 v1, v3;
	_ =	sdelay $0x1  }
0x3f4: {  	s25 =	simm.s32 $0xE800  }
0x3f5: {  	[tilespmem:s25], [sflag:$0x1] =	stream.indirect_vreg.gather [hbm4b:s5+s2], $0x80, v4, vm0, $0xb8;
	[tilespmem:$0x1DC00] =	vst v63  }
0x3f6: {  	s25 =	simm.s32 $0xF000  }
0x3f7: {  	[tilespmem:s25], [sflag:$0x1] =	stream.indirect_vreg.gather [hbm4b:s5+s2], $0x80, v3, vm0, $0xb8;
	[tilespmem:$0x1DC00] =	vst v63  }
0x3f8: {  	v3 =	vld.msk [tilespmem:s20+$0xFFFFFF20], $0x3;
	_ =	sdelay $0x4  }
0x3f9: {  	v31 =	vshll.u32 v3, $0x4  }
0x3fa: {  	v3 =	vand.u32 $0x7, v3;
	v4 =	vand.u32 $0xFFFFFF80, v31  }
0x3fb: {  	v3 =	vor.u32 v3, v4  }
0x3fc: {  	v3 =	vperm.xlane v3, v0;
	_ =	sdelay $0x1  }
0x3fd: {  	v3 =	vadd.s32 v1, v3;
	_ =	sdelay $0x3  }
0x3fe: {  	s25 =	simm.s32 $0xF800  }
0x3ff: {  	[tilespmem:s25], [sflag:$0x1] =	stream.indirect_vreg.gather [hbm4b:s5+s2], $0x80, v3, vm1, $0xb8;
	[tilespmem:$0x1DC00] =	vst v63  }
0x400: {  	_ =	swait.ge [sflag:s18], $0x1900  }
0x401: {  	[sflag:s18] =	ssyncset.done $0x0  }
0x402: {  	[sflag:s18] =	ssyncadd.s32 $0xFFFFE700  }
0x403: {  	_ =	swait.ge [sflag:s18], $0x1900  }
0x404: {  	[sflag:s18] =	ssyncset.done $0x0  }
0x405: {  	[sflag:s18] =	ssyncadd.s32 $0xFFFFE700  }
0x406: {  	_ =	swait.ge [sflag:s18], $0x1900  }
0x407: {  	[sflag:s18] =	ssyncset.done $0x0  }
0x408: {  	[sflag:s18] =	ssyncadd.s32 $0xFFFFE700  }
0x409: {  	_ =	swait.ge [sflag:s18], $0x1900  }
0x40a: {  	[sflag:s18] =	ssyncset.done $0x0  }
0x40b: {  	[sflag:s18] =	ssyncadd.s32 $0xFFFFE700  }
0x40c: {  	_ =	swait.ge [sflag:s18], $0x1900  }
0x40d: {  	[sflag:s18] =	ssyncset.done $0x0  }
0x40e: {  	[sflag:s18] =	ssyncadd.s32 $0xFFFFE700  }
0x40f: {  	_ =	swait.ge [sflag:s18], $0x1900  }
0x410: {  	[sflag:s18] =	ssyncset.done $0x0  }
0x411: {  	[sflag:s18] =	ssyncadd.s32 $0xFFFFE700  }
0x412: {  	_ =	swait.ge [sflag:s18], $0x1900  }
0x413: {  	[sflag:s18] =	ssyncset.done $0x0  }
0x414: {  	[sflag:s18] =	ssyncadd.s32 $0xFFFFE700  }
0x415: {  	_ =	swait.ge [sflag:s18], $0x1900  }
0x416: {  	[sflag:s18] =	ssyncset.done $0x0  }
0x417: {  	s22 =	sadd.s32 $0x1C00, s22;
	s25 =	simm.s32 $0xFC00;
	[sflag:s18] =	ssyncadd.s32 $0xFFFFE700  }
0x418: {  	[hbm4b:s22+s2] =	stream.linear.scatter [tilespmem:s25], [sflag:$0x4], $0xE000, $0x38;
	[tilespmem:$0x1DC00] =	vst v63  }
0x419: {  	_ =	swait.ge [sflag:s19], $0xE000  }
0x41a: {  	[sflag:s19] =	ssyncset.done $0x0  }
0x41b: {  	[sflag:s19] =	ssyncadd.s32 $0xFFFF2000  }
0x41c: {  	v3 =	vld [tilespmem:s20+$0xFFFFFF28];
	_ =	sdelay $0x4  }
0x41d: {  	v32 =	vshll.u32 v3, $0x4  }
0x41e: {  	v3 =	vand.u32 $0x7, v3;
	v4 =	vand.u32 $0xFFFFFF80, v32  }
0x41f: {  	v3 =	vor.u32 v3, v4  }
0x420: {  	v4 =	vperm.xlane v3, v0;
	_ =	sdelay $0x1  }
0x421: {  	v3 =	vperm.xlane v3, v2;
	v4 =	vadd.s32 v1, v4;
	_ =	sdelay $0x1  }
0x422: {  	v3 =	vadd.s32 v1, v3;
	_ =	sdelay $0x2  }
0x423: {  	[tilespmem:s25], [sflag:$0x2] =	stream.indirect_vreg.gather [hbm4b:s4+s2], $0x80, v4, vm0, $0xb8;
	[tilespmem:$0x1DC00] =	vst v63  }
0x424: {  	s25 =	simm.s32 $0x10400  }
0x425: {  	[tilespmem:s25], [sflag:$0x2] =	stream.indirect_vreg.gather [hbm4b:s4+s2], $0x80, v3, vm0, $0xb8;
	[tilespmem:$0x1DC00] =	vst v63  }
0x426: {  	v3 =	vld [tilespmem:s20+$0xFFFFFF38];
	_ =	sdelay $0x4  }
0x427: {  	v33 =	vshll.u32 v3, $0x4  }
0x428: {  	v3 =	vand.u32 $0x7, v3;
	v4 =	vand.u32 $0xFFFFFF80, v33  }
0x429: {  	v3 =	vor.u32 v3, v4  }
0x42a: {  	v4 =	vperm.xlane v3, v0;
	_ =	sdelay $0x1  }
0x42b: {  	v3 =	vperm.xlane v3, v2;
	v4 =	vadd.s32 v1, v4;
	_ =	sdelay $0x1  }
0x42c: {  	v3 =	vadd.s32 v1, v3;
	_ =	sdelay $0x1  }
0x42d: {  	s25 =	simm.s32 $0x10C00  }
0x42e: {  	[tilespmem:s25], [sflag:$0x2] =	stream.indirect_vreg.gather [hbm4b:s4+s2], $0x80, v4, vm0, $0xb8;
	[tilespmem:$0x1DC00] =	vst v63  }
0x42f: {  	s25 =	simm.s32 $0x11400  }
0x430: {  	[tilespmem:s25], [sflag:$0x2] =	stream.indirect_vreg.gather [hbm4b:s4+s2], $0x80, v3, vm0, $0xb8;
	[tilespmem:$0x1DC00] =	vst v63  }
0x431: {  	v3 =	vld [tilespmem:s20+$0xFFFFFF48];
	_ =	sdelay $0x4  }
0x432: {  	v34 =	vshll.u32 v3, $0x4  }
0x433: {  	v3 =	vand.u32 $0x7, v3;
	v4 =	vand.u32 $0xFFFFFF80, v34  }
0x434: {  	v3 =	vor.u32 v3, v4  }
0x435: {  	v4 =	vperm.xlane v3, v0;
	_ =	sdelay $0x1  }
0x436: {  	v3 =	vperm.xlane v3, v2;
	v4 =	vadd.s32 v1, v4;
	_ =	sdelay $0x1  }
0x437: {  	v3 =	vadd.s32 v1, v3;
	_ =	sdelay $0x1  }
0x438: {  	s25 =	simm.s32 $0x11C00  }
0x439: {  	[tilespmem:s25], [sflag:$0x2] =	stream.indirect_vreg.gather [hbm4b:s4+s2], $0x80, v4, vm0, $0xb8;
	[tilespmem:$0x1DC00] =	vst v63  }
0x43a: {  	s25 =	simm.s32 $0x12400  }
0x43b: {  	[tilespmem:s25], [sflag:$0x2] =	stream.indirect_vreg.gather [hbm4b:s4+s2], $0x80, v3, vm0, $0xb8;
	[tilespmem:$0x1DC00] =	vst v63  }
0x43c: {  	v3 =	vld.msk [tilespmem:s20+$0xFFFFFF58], $0x3;
	_ =	sdelay $0x4  }
0x43d: {  	v35 =	vshll.u32 v3, $0x4  }
0x43e: {  	v3 =	vand.u32 $0x7, v3;
	v4 =	vand.u32 $0xFFFFFF80, v35  }
0x43f: {  	v3 =	vor.u32 v3, v4  }
0x440: {  	v3 =	vperm.xlane v3, v0;
	_ =	sdelay $0x1  }
0x441: {  	v3 =	vadd.s32 v1, v3;
	_ =	sdelay $0x3  }
0x442: {  	s25 =	simm.s32 $0x12C00  }
0x443: {  	[tilespmem:s25], [sflag:$0x2] =	stream.indirect_vreg.gather [hbm4b:s4+s2], $0x80, v3, vm1, $0xb8;
	[tilespmem:$0x1DC00] =	vst v63  }
0x444: {  	v3 =	vld [tilespmem:s20+$0xFFFFFF28];
	_ =	sdelay $0x4  }
0x445: {  	v36 =	vshll.u32 v3, $0x4  }
0x446: {  	v3 =	vand.u32 $0x7, v3;
	v4 =	vand.u32 $0xFFFFFF80, v36  }
0x447: {  	v3 =	vor.u32 v3, v4  }
0x448: {  	v4 =	vperm.xlane v3, v0;
	_ =	sdelay $0x1  }
0x449: {  	v3 =	vperm.xlane v3, v2;
	v4 =	vadd.s32 v1, v4;
	_ =	sdelay $0x1  }
0x44a: {  	v3 =	vadd.s32 v1, v3;
	_ =	sdelay $0x1  }
0x44b: {  	s25 =	simm.s32 $0x10000  }
0x44c: {  	[tilespmem:s25], [sflag:$0x2] =	stream.indirect_vreg.gather [hbm4b:s5+s2], $0x80, v4, vm0, $0xb8;
	[tilespmem:$0x1DC00] =	vst v63  }
0x44d: {  	s25 =	simm.s32 $0x10800  }
0x44e: {  	[tilespmem:s25], [sflag:$0x2] =	stream.indirect_vreg.gather [hbm4b:s5+s2], $0x80, v3, vm0, $0xb8;
	[tilespmem:$0x1DC00] =	vst v63  }
0x44f: {  	v3 =	vld [tilespmem:s20+$0xFFFFFF38];
	_ =	sdelay $0x4  }
0x450: {  	v37 =	vshll.u32 v3, $0x4  }
0x451: {  	v3 =	vand.u32 $0x7, v3;
	v4 =	vand.u32 $0xFFFFFF80, v37  }
0x452: {  	v3 =	vor.u32 v3, v4  }
0x453: {  	v4 =	vperm.xlane v3, v0;
	_ =	sdelay $0x1  }
0x454: {  	v3 =	vperm.xlane v3, v2;
	v4 =	vadd.s32 v1, v4;
	_ =	sdelay $0x1  }
0x455: {  	v3 =	vadd.s32 v1, v3;
	_ =	sdelay $0x1  }
0x456: {  	s25 =	simm.s32 $0x11000  }
0x457: {  	[tilespmem:s25], [sflag:$0x2] =	stream.indirect_vreg.gather [hbm4b:s5+s2], $0x80, v4, vm0, $0xb8;
	[tilespmem:$0x1DC00] =	vst v63  }
0x458: {  	s25 =	simm.s32 $0x11800  }
0x459: {  	[tilespmem:s25], [sflag:$0x2] =	stream.indirect_vreg.gather [hbm4b:s5+s2], $0x80, v3, vm0, $0xb8;
	[tilespmem:$0x1DC00] =	vst v63  }
0x45a: {  	v3 =	vld [tilespmem:s20+$0xFFFFFF48];
	_ =	sdelay $0x4  }
0x45b: {  	v38 =	vshll.u32 v3, $0x4  }
0x45c: {  	v3 =	vand.u32 $0x7, v3;
	v4 =	vand.u32 $0xFFFFFF80, v38  }
0x45d: {  	v3 =	vor.u32 v3, v4  }
0x45e: {  	v4 =	vperm.xlane v3, v0;
	_ =	sdelay $0x1  }
0x45f: {  	v3 =	vperm.xlane v3, v2;
	v4 =	vadd.s32 v1, v4;
	_ =	sdelay $0x1  }
0x460: {  	v3 =	vadd.s32 v1, v3;
	_ =	sdelay $0x1  }
0x461: {  	s25 =	simm.s32 $0x12000  }
0x462: {  	[tilespmem:s25], [sflag:$0x2] =	stream.indirect_vreg.gather [hbm4b:s5+s2], $0x80, v4, vm0, $0xb8;
	[tilespmem:$0x1DC00] =	vst v63  }
0x463: {  	s25 =	simm.s32 $0x12800  }
0x464: {  	[tilespmem:s25], [sflag:$0x2] =	stream.indirect_vreg.gather [hbm4b:s5+s2], $0x80, v3, vm0, $0xb8;
	[tilespmem:$0x1DC00] =	vst v63  }
0x465: {  	v3 =	vld.msk [tilespmem:s20+$0xFFFFFF58], $0x3;
	_ =	sdelay $0x4  }
0x466: {  	v39 =	vshll.u32 v3, $0x4  }
0x467: {  	v3 =	vand.u32 $0x7, v3;
	v4 =	vand.u32 $0xFFFFFF80, v39  }
0x468: {  	v3 =	vor.u32 v3, v4  }
0x469: {  	v3 =	vperm.xlane v3, v0;
	_ =	sdelay $0x1  }
0x46a: {  	v3 =	vadd.s32 v1, v3;
	_ =	sdelay $0x3  }
0x46b: {  	s25 =	simm.s32 $0x13000  }
0x46c: {  	[tilespmem:s25], [sflag:$0x2] =	stream.indirect_vreg.gather [hbm4b:s5+s2], $0x80, v3, vm1, $0xb8;
	[tilespmem:$0x1DC00] =	vst v63  }
0x46d: {  	v3 =	vld [tilespmem:s20+$0xFFFFFF60];
	_ =	sdelay $0x4  }
0x46e: {  	v40 =	vshll.u32 v3, $0x4  }
0x46f: {  	v3 =	vand.u32 $0x7, v3;
	v4 =	vand.u32 $0xFFFFFF80, v40  }
0x470: {  	v3 =	vor.u32 v3, v4  }
0x471: {  	v4 =	vperm.xlane v3, v0;
	_ =	sdelay $0x1  }
0x472: {  	v3 =	vperm.xlane v3, v2;
	v4 =	vadd.s32 v1, v4;
	_ =	sdelay $0x1  }
0x473: {  	v3 =	vadd.s32 v1, v3;
	_ =	sdelay $0x1  }
0x474: {  	s25 =	simm.s32 $0x13400  }
0x475: {  	[tilespmem:s25], [sflag:$0x2] =	stream.indirect_vreg.gather [hbm4b:s4+s2], $0x80, v4, vm0, $0xb8;
	[tilespmem:$0x1DC00] =	vst v63  }
0x476: {  	s25 =	simm.s32 $0x13C00  }
0x477: {  	[tilespmem:s25], [sflag:$0x2] =	stream.indirect_vreg.gather [hbm4b:s4+s2], $0x80, v3, vm0, $0xb8;
	[tilespmem:$0x1DC00] =	vst v63  }
0x478: {  	v3 =	vld [tilespmem:s20+$0xFFFFFF70];
	_ =	sdelay $0x4  }
0x479: {  	v41 =	vshll.u32 v3, $0x4  }
0x47a: {  	v3 =	vand.u32 $0x7, v3;
	v4 =	vand.u32 $0xFFFFFF80, v41  }
0x47b: {  	v3 =	vor.u32 v3, v4  }
0x47c: {  	v4 =	vperm.xlane v3, v0;
	_ =	sdelay $0x1  }
0x47d: {  	v3 =	vperm.xlane v3, v2;
	v4 =	vadd.s32 v1, v4;
	_ =	sdelay $0x1  }
0x47e: {  	v3 =	vadd.s32 v1, v3;
	_ =	sdelay $0x1  }
0x47f: {  	s25 =	simm.s32 $0x14400  }
0x480: {  	[tilespmem:s25], [sflag:$0x2] =	stream.indirect_vreg.gather [hbm4b:s4+s2], $0x80, v4, vm0, $0xb8;
	[tilespmem:$0x1DC00] =	vst v63  }
0x481: {  	s25 =	simm.s32 $0x14C00  }
0x482: {  	[tilespmem:s25], [sflag:$0x2] =	stream.indirect_vreg.gather [hbm4b:s4+s2], $0x80, v3, vm0, $0xb8;
	[tilespmem:$0x1DC00] =	vst v63  }
0x483: {  	v3 =	vld [tilespmem:s20+$0xFFFFFF80];
	_ =	sdelay $0x4  }
0x484: {  	v42 =	vshll.u32 v3, $0x4  }
0x485: {  	v3 =	vand.u32 $0x7, v3;
	v4 =	vand.u32 $0xFFFFFF80, v42  }
0x486: {  	v3 =	vor.u32 v3, v4  }
0x487: {  	v4 =	vperm.xlane v3, v0;
	_ =	sdelay $0x1  }
0x488: {  	v3 =	vperm.xlane v3, v2;
	v4 =	vadd.s32 v1, v4;
	_ =	sdelay $0x1  }
0x489: {  	v3 =	vadd.s32 v1, v3;
	_ =	sdelay $0x1  }
0x48a: {  	s25 =	simm.s32 $0x15400  }
0x48b: {  	[tilespmem:s25], [sflag:$0x2] =	stream.indirect_vreg.gather [hbm4b:s4+s2], $0x80, v4, vm0, $0xb8;
	[tilespmem:$0x1DC00] =	vst v63  }
0x48c: {  	s25 =	simm.s32 $0x15C00  }
0x48d: {  	[tilespmem:s25], [sflag:$0x2] =	stream.indirect_vreg.gather [hbm4b:s4+s2], $0x80, v3, vm0, $0xb8;
	[tilespmem:$0x1DC00] =	vst v63  }
0x48e: {  	v3 =	vld.msk [tilespmem:s20+$0xFFFFFF90], $0x3;
	_ =	sdelay $0x4  }
0x48f: {  	v43 =	vshll.u32 v3, $0x4  }
0x490: {  	v3 =	vand.u32 $0x7, v3;
	v4 =	vand.u32 $0xFFFFFF80, v43  }
0x491: {  	v3 =	vor.u32 v3, v4  }
0x492: {  	v3 =	vperm.xlane v3, v0;
	_ =	sdelay $0x1  }
0x493: {  	v3 =	vadd.s32 v1, v3;
	_ =	sdelay $0x3  }
0x494: {  	s25 =	simm.s32 $0x16400  }
0x495: {  	[tilespmem:s25], [sflag:$0x2] =	stream.indirect_vreg.gather [hbm4b:s4+s2], $0x80, v3, vm1, $0xb8;
	[tilespmem:$0x1DC00] =	vst v63  }
0x496: {  	v3 =	vld [tilespmem:s20+$0xFFFFFF60];
	_ =	sdelay $0x4  }
0x497: {  	v44 =	vshll.u32 v3, $0x4  }
0x498: {  	v3 =	vand.u32 $0x7, v3;
	v4 =	vand.u32 $0xFFFFFF80, v44  }
0x499: {  	v3 =	vor.u32 v3, v4  }
0x49a: {  	v4 =	vperm.xlane v3, v0;
	_ =	sdelay $0x1  }
0x49b: {  	v3 =	vperm.xlane v3, v2;
	v4 =	vadd.s32 v1, v4;
	_ =	sdelay $0x1  }
0x49c: {  	v3 =	vadd.s32 v1, v3;
	_ =	sdelay $0x1  }
0x49d: {  	s25 =	simm.s32 $0x13800  }
0x49e: {  	[tilespmem:s25], [sflag:$0x2] =	stream.indirect_vreg.gather [hbm4b:s5+s2], $0x80, v4, vm0, $0xb8;
	[tilespmem:$0x1DC00] =	vst v63  }
0x49f: {  	s25 =	simm.s32 $0x14000  }
0x4a0: {  	[tilespmem:s25], [sflag:$0x2] =	stream.indirect_vreg.gather [hbm4b:s5+s2], $0x80, v3, vm0, $0xb8;
	[tilespmem:$0x1DC00] =	vst v63  }
0x4a1: {  	v3 =	vld [tilespmem:s20+$0xFFFFFF70];
	_ =	sdelay $0x4  }
0x4a2: {  	v45 =	vshll.u32 v3, $0x4  }
0x4a3: {  	v3 =	vand.u32 $0x7, v3;
	v4 =	vand.u32 $0xFFFFFF80, v45  }
0x4a4: {  	v3 =	vor.u32 v3, v4  }
0x4a5: {  	v4 =	vperm.xlane v3, v0;
	_ =	sdelay $0x1  }
0x4a6: {  	v3 =	vperm.xlane v3, v2;
	v4 =	vadd.s32 v1, v4;
	_ =	sdelay $0x1  }
0x4a7: {  	v3 =	vadd.s32 v1, v3;
	_ =	sdelay $0x1  }
0x4a8: {  	s25 =	simm.s32 $0x14800  }
0x4a9: {  	[tilespmem:s25], [sflag:$0x2] =	stream.indirect_vreg.gather [hbm4b:s5+s2], $0x80, v4, vm0, $0xb8;
	[tilespmem:$0x1DC00] =	vst v63  }
0x4aa: {  	s25 =	simm.s32 $0x15000  }
0x4ab: {  	[tilespmem:s25], [sflag:$0x2] =	stream.indirect_vreg.gather [hbm4b:s5+s2], $0x80, v3, vm0, $0xb8;
	[tilespmem:$0x1DC00] =	vst v63  }
0x4ac: {  	v3 =	vld [tilespmem:s20+$0xFFFFFF80];
	_ =	sdelay $0x4  }
0x4ad: {  	v46 =	vshll.u32 v3, $0x4  }
0x4ae: {  	v3 =	vand.u32 $0x7, v3;
	v4 =	vand.u32 $0xFFFFFF80, v46  }
0x4af: {  	v3 =	vor.u32 v3, v4  }
0x4b0: {  	v4 =	vperm.xlane v3, v0;
	_ =	sdelay $0x1  }
0x4b1: {  	v3 =	vperm.xlane v3, v2;
	v4 =	vadd.s32 v1, v4;
	_ =	sdelay $0x1  }
0x4b2: {  	v3 =	vadd.s32 v1, v3;
	_ =	sdelay $0x1  }
0x4b3: {  	s25 =	simm.s32 $0x15800  }
0x4b4: {  	[tilespmem:s25], [sflag:$0x2] =	stream.indirect_vreg.gather [hbm4b:s5+s2], $0x80, v4, vm0, $0xb8;
	[tilespmem:$0x1DC00] =	vst v63  }
0x4b5: {  	s25 =	simm.s32 $0x16000  }
0x4b6: {  	[tilespmem:s25], [sflag:$0x2] =	stream.indirect_vreg.gather [hbm4b:s5+s2], $0x80, v3, vm0, $0xb8;
	[tilespmem:$0x1DC00] =	vst v63  }
0x4b7: {  	v3 =	vld.msk [tilespmem:s20+$0xFFFFFF90], $0x3;
	_ =	sdelay $0x4  }
0x4b8: {  	v47 =	vshll.u32 v3, $0x4  }
0x4b9: {  	v3 =	vand.u32 $0x7, v3;
	v4 =	vand.u32 $0xFFFFFF80, v47  }
0x4ba: {  	v3 =	vor.u32 v3, v4  }
0x4bb: {  	v3 =	vperm.xlane v3, v0;
	_ =	sdelay $0x1  }
0x4bc: {  	v3 =	vadd.s32 v1, v3;
	_ =	sdelay $0x3  }
0x4bd: {  	s25 =	simm.s32 $0x16800  }
0x4be: {  	[tilespmem:s25], [sflag:$0x2] =	stream.indirect_vreg.gather [hbm4b:s5+s2], $0x80, v3, vm1, $0xb8;
	[tilespmem:$0x1DC00] =	vst v63  }
0x4bf: {  	v3 =	vld [tilespmem:s20+$0xFFFFFF98];
	_ =	sdelay $0x4  }
0x4c0: {  	v48 =	vshll.u32 v3, $0x4  }
0x4c1: {  	v3 =	vand.u32 $0x7, v3;
	v4 =	vand.u32 $0xFFFFFF80, v48  }
0x4c2: {  	v3 =	vor.u32 v3, v4  }
0x4c3: {  	v4 =	vperm.xlane v3, v0;
	_ =	sdelay $0x1  }
0x4c4: {  	v3 =	vperm.xlane v3, v2;
	v4 =	vadd.s32 v1, v4;
	_ =	sdelay $0x1  }
0x4c5: {  	v3 =	vadd.s32 v1, v3;
	_ =	sdelay $0x1  }
0x4c6: {  	s25 =	simm.s32 $0x16C00  }
0x4c7: {  	[tilespmem:s25], [sflag:$0x2] =	stream.indirect_vreg.gather [hbm4b:s4+s2], $0x80, v4, vm0, $0xb8;
	[tilespmem:$0x1DC00] =	vst v63  }
0x4c8: {  	s25 =	simm.s32 $0x17400  }
0x4c9: {  	[tilespmem:s25], [sflag:$0x2] =	stream.indirect_vreg.gather [hbm4b:s4+s2], $0x80, v3, vm0, $0xb8;
	[tilespmem:$0x1DC00] =	vst v63  }
0x4ca: {  	v3 =	vld [tilespmem:s20+$0xFFFFFFA8];
	_ =	sdelay $0x4  }
0x4cb: {  	v49 =	vshll.u32 v3, $0x4  }
0x4cc: {  	v3 =	vand.u32 $0x7, v3;
	v4 =	vand.u32 $0xFFFFFF80, v49  }
0x4cd: {  	v3 =	vor.u32 v3, v4  }
0x4ce: {  	v4 =	vperm.xlane v3, v0;
	_ =	sdelay $0x1  }
0x4cf: {  	v3 =	vperm.xlane v3, v2;
	v4 =	vadd.s32 v1, v4;
	_ =	sdelay $0x1  }
0x4d0: {  	v3 =	vadd.s32 v1, v3;
	_ =	sdelay $0x1  }
0x4d1: {  	s25 =	simm.s32 $0x17C00  }
0x4d2: {  	[tilespmem:s25], [sflag:$0x2] =	stream.indirect_vreg.gather [hbm4b:s4+s2], $0x80, v4, vm0, $0xb8;
	[tilespmem:$0x1DC00] =	vst v63  }
0x4d3: {  	s25 =	simm.s32 $0x18400  }
0x4d4: {  	[tilespmem:s25], [sflag:$0x2] =	stream.indirect_vreg.gather [hbm4b:s4+s2], $0x80, v3, vm0, $0xb8;
	[tilespmem:$0x1DC00] =	vst v63  }
0x4d5: {  	v3 =	vld [tilespmem:s20+$0xFFFFFFB8];
	_ =	sdelay $0x4  }
0x4d6: {  	v50 =	vshll.u32 v3, $0x4  }
0x4d7: {  	v3 =	vand.u32 $0x7, v3;
	v4 =	vand.u32 $0xFFFFFF80, v50  }
0x4d8: {  	v3 =	vor.u32 v3, v4  }
0x4d9: {  	v4 =	vperm.xlane v3, v0;
	_ =	sdelay $0x1  }
0x4da: {  	v3 =	vperm.xlane v3, v2;
	v4 =	vadd.s32 v1, v4;
	_ =	sdelay $0x1  }
0x4db: {  	v3 =	vadd.s32 v1, v3;
	_ =	sdelay $0x1  }
0x4dc: {  	s25 =	simm.s32 $0x18C00  }
0x4dd: {  	[tilespmem:s25], [sflag:$0x2] =	stream.indirect_vreg.gather [hbm4b:s4+s2], $0x80, v4, vm0, $0xb8;
	[tilespmem:$0x1DC00] =	vst v63  }
0x4de: {  	s25 =	simm.s32 $0x19400  }
0x4df: {  	[tilespmem:s25], [sflag:$0x2] =	stream.indirect_vreg.gather [hbm4b:s4+s2], $0x80, v3, vm0, $0xb8;
	[tilespmem:$0x1DC00] =	vst v63  }
0x4e0: {  	v3 =	vld.msk [tilespmem:s20+$0xFFFFFFC8], $0x3;
	_ =	sdelay $0x4  }
0x4e1: {  	v51 =	vshll.u32 v3, $0x4  }
0x4e2: {  	v3 =	vand.u32 $0x7, v3;
	v4 =	vand.u32 $0xFFFFFF80, v51  }
0x4e3: {  	v3 =	vor.u32 v3, v4  }
0x4e4: {  	v3 =	vperm.xlane v3, v0;
	_ =	sdelay $0x1  }
0x4e5: {  	v3 =	vadd.s32 v1, v3;
	_ =	sdelay $0x3  }
0x4e6: {  	s25 =	simm.s32 $0x19C00  }
0x4e7: {  	[tilespmem:s25], [sflag:$0x2] =	stream.indirect_vreg.gather [hbm4b:s4+s2], $0x80, v3, vm1, $0xb8;
	[tilespmem:$0x1DC00] =	vst v63  }
0x4e8: {  	v3 =	vld [tilespmem:s20+$0xFFFFFF98];
	_ =	sdelay $0x4  }
0x4e9: {  	v52 =	vshll.u32 v3, $0x4  }
0x4ea: {  	v3 =	vand.u32 $0x7, v3;
	v4 =	vand.u32 $0xFFFFFF80, v52  }
0x4eb: {  	v3 =	vor.u32 v3, v4  }
0x4ec: {  	v4 =	vperm.xlane v3, v0;
	_ =	sdelay $0x1  }
0x4ed: {  	v3 =	vperm.xlane v3, v2;
	v4 =	vadd.s32 v1, v4;
	_ =	sdelay $0x1  }
0x4ee: {  	v3 =	vadd.s32 v1, v3;
	_ =	sdelay $0x1  }
0x4ef: {  	s25 =	simm.s32 $0x17000  }
0x4f0: {  	[tilespmem:s25], [sflag:$0x2] =	stream.indirect_vreg.gather [hbm4b:s5+s2], $0x80, v4, vm0, $0xb8;
	[tilespmem:$0x1DC00] =	vst v63  }
0x4f1: {  	s25 =	simm.s32 $0x17800  }
0x4f2: {  	[tilespmem:s25], [sflag:$0x2] =	stream.indirect_vreg.gather [hbm4b:s5+s2], $0x80, v3, vm0, $0xb8;
	[tilespmem:$0x1DC00] =	vst v63  }
0x4f3: {  	v3 =	vld [tilespmem:s20+$0xFFFFFFA8];
	_ =	sdelay $0x4  }
0x4f4: {  	v53 =	vshll.u32 v3, $0x4  }
0x4f5: {  	v3 =	vand.u32 $0x7, v3;
	v4 =	vand.u32 $0xFFFFFF80, v53  }
0x4f6: {  	v3 =	vor.u32 v3, v4  }
0x4f7: {  	v4 =	vperm.xlane v3, v0;
	_ =	sdelay $0x1  }
0x4f8: {  	v3 =	vperm.xlane v3, v2;
	v4 =	vadd.s32 v1, v4;
	_ =	sdelay $0x1  }
0x4f9: {  	v3 =	vadd.s32 v1, v3;
	_ =	sdelay $0x1  }
0x4fa: {  	s25 =	simm.s32 $0x18000  }
0x4fb: {  	[tilespmem:s25], [sflag:$0x2] =	stream.indirect_vreg.gather [hbm4b:s5+s2], $0x80, v4, vm0, $0xb8;
	[tilespmem:$0x1DC00] =	vst v63  }
0x4fc: {  	s25 =	simm.s32 $0x18800  }
0x4fd: {  	[tilespmem:s25], [sflag:$0x2] =	stream.indirect_vreg.gather [hbm4b:s5+s2], $0x80, v3, vm0, $0xb8;
	[tilespmem:$0x1DC00] =	vst v63  }
0x4fe: {  	v3 =	vld [tilespmem:s20+$0xFFFFFFB8];
	_ =	sdelay $0x4  }
0x4ff: {  	v54 =	vshll.u32 v3, $0x4  }
0x500: {  	v3 =	vand.u32 $0x7, v3;
	v4 =	vand.u32 $0xFFFFFF80, v54  }
0x501: {  	v3 =	vor.u32 v3, v4  }
0x502: {  	v4 =	vperm.xlane v3, v0;
	_ =	sdelay $0x1  }
0x503: {  	v3 =	vperm.xlane v3, v2;
	v4 =	vadd.s32 v1, v4;
	_ =	sdelay $0x1  }
0x504: {  	v3 =	vadd.s32 v1, v3;
	_ =	sdelay $0x1  }
0x505: {  	s25 =	simm.s32 $0x19000  }
0x506: {  	[tilespmem:s25], [sflag:$0x2] =	stream.indirect_vreg.gather [hbm4b:s5+s2], $0x80, v4, vm0, $0xb8;
	[tilespmem:$0x1DC00] =	vst v63  }
0x507: {  	s25 =	simm.s32 $0x19800  }
0x508: {  	[tilespmem:s25], [sflag:$0x2] =	stream.indirect_vreg.gather [hbm4b:s5+s2], $0x80, v3, vm0, $0xb8;
	[tilespmem:$0x1DC00] =	vst v63  }
0x509: {  	v3 =	vld.msk [tilespmem:s20+$0xFFFFFFC8], $0x3;
	_ =	sdelay $0x4  }
0x50a: {  	v55 =	vshll.u32 v3, $0x4  }
0x50b: {  	v3 =	vand.u32 $0x7, v3;
	v4 =	vand.u32 $0xFFFFFF80, v55  }
0x50c: {  	v3 =	vor.u32 v3, v4  }
0x50d: {  	v3 =	vperm.xlane v3, v0;
	_ =	sdelay $0x1  }
0x50e: {  	v3 =	vadd.s32 v1, v3;
	_ =	sdelay $0x3  }
0x50f: {  	s25 =	simm.s32 $0x1A000  }
0x510: {  	[tilespmem:s25], [sflag:$0x2] =	stream.indirect_vreg.gather [hbm4b:s5+s2], $0x80, v3, vm1, $0xb8;
	[tilespmem:$0x1DC00] =	vst v63  }
0x511: {  	v3 =	vld [tilespmem:s20+$0xFFFFFFD0];
	_ =	sdelay $0x4  }
0x512: {  	v56 =	vshll.u32 v3, $0x4  }
0x513: {  	v3 =	vand.u32 $0x7, v3;
	v4 =	vand.u32 $0xFFFFFF80, v56  }
0x514: {  	v3 =	vor.u32 v3, v4  }
0x515: {  	v4 =	vperm.xlane v3, v0;
	_ =	sdelay $0x1  }
0x516: {  	v3 =	vperm.xlane v3, v2;
	v4 =	vadd.s32 v1, v4;
	_ =	sdelay $0x1  }
0x517: {  	v3 =	vadd.s32 v1, v3;
	_ =	sdelay $0x1  }
0x518: {  	s25 =	simm.s32 $0x1A400  }
0x519: {  	[tilespmem:s25], [sflag:$0x2] =	stream.indirect_vreg.gather [hbm4b:s4+s2], $0x80, v4, vm0, $0xb8;
	[tilespmem:$0x1DC00] =	vst v63  }
0x51a: {  	s25 =	simm.s32 $0x1AC00  }
0x51b: {  	[tilespmem:s25], [sflag:$0x2] =	stream.indirect_vreg.gather [hbm4b:s4+s2], $0x80, v3, vm0, $0xb8;
	[tilespmem:$0x1DC00] =	vst v63  }
0x51c: {  	v3 =	vld [tilespmem:s20+$0xFFFFFFE0];
	_ =	sdelay $0x4  }
0x51d: {  	v57 =	vshll.u32 v3, $0x4  }
0x51e: {  	v3 =	vand.u32 $0x7, v3;
	v4 =	vand.u32 $0xFFFFFF80, v57  }
0x51f: {  	v3 =	vor.u32 v3, v4  }
0x520: {  	v4 =	vperm.xlane v3, v0;
	_ =	sdelay $0x1  }
0x521: {  	v3 =	vperm.xlane v3, v2;
	v4 =	vadd.s32 v1, v4;
	_ =	sdelay $0x1  }
0x522: {  	v3 =	vadd.s32 v1, v3;
	_ =	sdelay $0x1  }
0x523: {  	s25 =	simm.s32 $0x1B400  }
0x524: {  	[tilespmem:s25], [sflag:$0x2] =	stream.indirect_vreg.gather [hbm4b:s4+s2], $0x80, v4, vm0, $0xb8;
	[tilespmem:$0x1DC00] =	vst v63  }
0x525: {  	s25 =	simm.s32 $0x1BC00  }
0x526: {  	[tilespmem:s25], [sflag:$0x2] =	stream.indirect_vreg.gather [hbm4b:s4+s2], $0x80, v3, vm0, $0xb8;
	[tilespmem:$0x1DC00] =	vst v63  }
0x527: {  	v3 =	vld [tilespmem:s20+$0xFFFFFFF0];
	_ =	sdelay $0x4  }
0x528: {  	v58 =	vshll.u32 v3, $0x4  }
0x529: {  	v3 =	vand.u32 $0x7, v3;
	v4 =	vand.u32 $0xFFFFFF80, v58  }
0x52a: {  	v3 =	vor.u32 v3, v4  }
0x52b: {  	v4 =	vperm.xlane v3, v0;
	_ =	sdelay $0x1  }
0x52c: {  	v3 =	vperm.xlane v3, v2;
	v4 =	vadd.s32 v1, v4;
	_ =	sdelay $0x1  }
0x52d: {  	v3 =	vadd.s32 v1, v3;
	_ =	sdelay $0x1  }
0x52e: {  	s25 =	simm.s32 $0x1C400  }
0x52f: {  	[tilespmem:s25], [sflag:$0x2] =	stream.indirect_vreg.gather [hbm4b:s4+s2], $0x80, v4, vm0, $0xb8;
	[tilespmem:$0x1DC00] =	vst v63  }
0x530: {  	s25 =	simm.s32 $0x1CC00  }
0x531: {  	[tilespmem:s25], [sflag:$0x2] =	stream.indirect_vreg.gather [hbm4b:s4+s2], $0x80, v3, vm0, $0xb8;
	[tilespmem:$0x1DC00] =	vst v63  }
0x532: {  	v3 =	vld.msk [tilespmem:s20+$0x0], $0x3;
	_ =	sdelay $0x4  }
0x533: {  	v59 =	vshll.u32 v3, $0x4  }
0x534: {  	v3 =	vand.u32 $0x7, v3;
	v4 =	vand.u32 $0xFFFFFF80, v59  }
0x535: {  	v3 =	vor.u32 v3, v4  }
0x536: {  	v3 =	vperm.xlane v3, v0;
	_ =	sdelay $0x1  }
0x537: {  	v3 =	vadd.s32 v1, v3;
	_ =	sdelay $0x3  }
0x538: {  	s25 =	simm.s32 $0x1D400  }
0x539: {  	[tilespmem:s25], [sflag:$0x2] =	stream.indirect_vreg.gather [hbm4b:s4+s2], $0x80, v3, vm1, $0xb8;
	[tilespmem:$0x1DC00] =	vst v63  }
0x53a: {  	v3 =	vld [tilespmem:s20+$0xFFFFFFD0];
	_ =	sdelay $0x4  }
0x53b: {  	v60 =	vshll.u32 v3, $0x4  }
0x53c: {  	v3 =	vand.u32 $0x7, v3;
	v4 =	vand.u32 $0xFFFFFF80, v60  }
0x53d: {  	v3 =	vor.u32 v3, v4  }
0x53e: {  	v4 =	vperm.xlane v3, v0;
	_ =	sdelay $0x1  }
0x53f: {  	v3 =	vperm.xlane v3, v2;
	v4 =	vadd.s32 v1, v4;
	_ =	sdelay $0x1  }
0x540: {  	v3 =	vadd.s32 v1, v3;
	_ =	sdelay $0x1  }
0x541: {  	s25 =	simm.s32 $0x1A800  }
0x542: {  	[tilespmem:s25], [sflag:$0x2] =	stream.indirect_vreg.gather [hbm4b:s5+s2], $0x80, v4, vm0, $0xb8;
	[tilespmem:$0x1DC00] =	vst v63  }
0x543: {  	s25 =	simm.s32 $0x1B000  }
0x544: {  	[tilespmem:s25], [sflag:$0x2] =	stream.indirect_vreg.gather [hbm4b:s5+s2], $0x80, v3, vm0, $0xb8;
	[tilespmem:$0x1DC00] =	vst v63  }
0x545: {  	v3 =	vld [tilespmem:s20+$0xFFFFFFE0];
	_ =	sdelay $0x4  }
0x546: {  	v61 =	vshll.u32 v3, $0x4  }
0x547: {  	v3 =	vand.u32 $0x7, v3;
	v4 =	vand.u32 $0xFFFFFF80, v61  }
0x548: {  	v3 =	vor.u32 v3, v4  }
0x549: {  	v4 =	vperm.xlane v3, v0;
	_ =	sdelay $0x1  }
0x54a: {  	v3 =	vperm.xlane v3, v2;
	v4 =	vadd.s32 v1, v4;
	_ =	sdelay $0x1  }
0x54b: {  	v3 =	vadd.s32 v1, v3;
	_ =	sdelay $0x1  }
0x54c: {  	s25 =	simm.s32 $0x1B800  }
0x54d: {  	[tilespmem:s25], [sflag:$0x2] =	stream.indirect_vreg.gather [hbm4b:s5+s2], $0x80, v4, vm0, $0xb8;
	[tilespmem:$0x1DC00] =	vst v63  }
0x54e: {  	_ = 	snop  }
0x54f: {  	[tilespmem:s1], [sflag:$0x2] =	stream.indirect_vreg.gather [hbm4b:s5+s2], $0x80, v3, vm0, $0xb8;
	[tilespmem:$0x1DC00] =	vst v63  }
0x550: {  	v3 =	vld [tilespmem:s20+$0xFFFFFFF0];
	_ =	sdelay $0x4  }
0x551: {  	v62 =	vshll.u32 v3, $0x4  }
0x552: {  	v3 =	vand.u32 $0x7, v3;
	v4 =	vand.u32 $0xFFFFFF80, v62  }
0x553: {  	v3 =	vor.u32 v3, v4  }
0x554: {  	v4 =	vperm.xlane v3, v0;
	_ =	sdelay $0x1  }
0x555: {  	v3 =	vperm.xlane v3, v2;
	v4 =	vadd.s32 v1, v4;
	_ =	sdelay $0x1  }
0x556: {  	v3 =	vadd.s32 v1, v3;
	_ =	sdelay $0x2  }
0x557: {  	[tilespmem:s23], [sflag:$0x2] =	stream.indirect_vreg.gather [hbm4b:s5+s2], $0x80, v4, vm0, $0xb8;
	[tilespmem:$0x1DC00] =	vst v63  }
0x558: {  	_ = 	snop  }
0x559: {  	[tilespmem:s3], [sflag:$0x2] =	stream.indirect_vreg.gather [hbm4b:s5+s2], $0x80, v3, vm0, $0xb8;
	[tilespmem:$0x1DC00] =	vst v63  }
0x55a: {  	v3 =	vld.msk [tilespmem:s20+$0x0], $0x3;
	_ =	sdelay $0x4  }
0x55b: {  	v63 =	vshll.u32 v3, $0x4  }
0x55c: {  	v3 =	vand.u32 $0x7, v3;
	v4 =	vand.u32 $0xFFFFFF80, v63  }
0x55d: {  	v3 =	vor.u32 v3, v4  }
0x55e: {  	v3 =	vperm.xlane v3, v0;
	_ =	sdelay $0x1  }
0x55f: {  	p0 =	sne.s32 s21, $0x31000;
	v3 =	vadd.s32 v1, v3  }
.Ltmp0:
0x560: {  	_ = 	snop;
	(pc) =	sbr.rel @p0 .LBB2_2-.Ltmp0, $4  }
0x561: {  	_ = 	snop  }
0x562: {  	s12 =	simm.s32 $0x1C00  }
0x563: {  	s28 =	simm.s32 $0xFC00;
	s21 =	sadd.s32 $0x3800, s21;
	s20 =	sadd.s32 $0x1C0, s20  }
0x564: {  	[tilespmem:s26], [sflag:$0x2] =	stream.indirect_vreg.gather [hbm4b:s5+s2], $0x80, v3, vm1, $0xb8;
	[tilespmem:$0x1DC00] =	vst v63  }
0x565: {  	_ =	swait.ge [sflag:s16], $0x1900  }
0x566: {  	[sflag:s16] =	ssyncset.done $0x0  }
0x567: {  	[sflag:s16] =	ssyncadd.s32 $0xFFFFE700  }
0x568: {  	_ =	swait.ge [sflag:s16], $0x1900  }
0x569: {  	[sflag:s16] =	ssyncset.done $0x0  }
0x56a: {  	[sflag:s16] =	ssyncadd.s32 $0xFFFFE700  }
0x56b: {  	_ =	swait.ge [sflag:s16], $0x1900  }
0x56c: {  	[sflag:s16] =	ssyncset.done $0x0  }
0x56d: {  	[sflag:s16] =	ssyncadd.s32 $0xFFFFE700  }
0x56e: {  	_ =	swait.ge [sflag:s16], $0x1900  }
0x56f: {  	[sflag:s16] =	ssyncset.done $0x0  }
0x570: {  	[sflag:s16] =	ssyncadd.s32 $0xFFFFE700  }
0x571: {  	_ =	swait.ge [sflag:s16], $0x1900  }
0x572: {  	[sflag:s16] =	ssyncset.done $0x0  }
0x573: {  	[sflag:s16] =	ssyncadd.s32 $0xFFFFE700  }
0x574: {  	_ =	swait.ge [sflag:s16], $0x1900  }
0x575: {  	[sflag:s16] =	ssyncset.done $0x0  }
0x576: {  	[sflag:s16] =	ssyncadd.s32 $0xFFFFE700  }
0x577: {  	_ =	swait.ge [sflag:s16], $0x1900  }
0x578: {  	[sflag:s16] =	ssyncset.done $0x0  }
0x579: {  	[sflag:s16] =	ssyncadd.s32 $0xFFFFE700  }
0x57a: {  	_ =	swait.ge [sflag:s16], $0x1900  }
0x57b: {  	[sflag:s16] =	ssyncset.done $0x0  }
0x57c: {  	s20 =	rddreg [dreg:$0x6];
	[sflag:s16] =	ssyncadd.s32 $0xFFFFE700  }
0x57d: {  	[hbm4b:s20+s2] =	stream.linear.scatter [tilespmem:s12], [sflag:$0x3], $0xE000, $0x38;
	[tilespmem:$0x1DC00] =	vst v63  }
0x57e: {  	_ =	swait.ge [sflag:s18], $0x1900  }
0x57f: {  	[sflag:s18] =	ssyncset.done $0x0  }
0x580: {  	[sflag:s18] =	ssyncadd.s32 $0xFFFFE700  }
0x581: {  	_ =	swait.ge [sflag:s18], $0x1900  }
0x582: {  	[sflag:s18] =	ssyncset.done $0x0  }
0x583: {  	[sflag:s18] =	ssyncadd.s32 $0xFFFFE700  }
0x584: {  	_ =	swait.ge [sflag:s18], $0x1900  }
0x585: {  	[sflag:s18] =	ssyncset.done $0x0  }
0x586: {  	[sflag:s18] =	ssyncadd.s32 $0xFFFFE700  }
0x587: {  	_ =	swait.ge [sflag:s18], $0x1900  }
0x588: {  	[sflag:s18] =	ssyncset.done $0x0  }
0x589: {  	[sflag:s18] =	ssyncadd.s32 $0xFFFFE700  }
0x58a: {  	_ =	swait.ge [sflag:s18], $0x1900  }
0x58b: {  	[sflag:s18] =	ssyncset.done $0x0  }
0x58c: {  	[sflag:s18] =	ssyncadd.s32 $0xFFFFE700  }
0x58d: {  	_ =	swait.ge [sflag:s18], $0x1900  }
0x58e: {  	[sflag:s18] =	ssyncset.done $0x0  }
0x58f: {  	[sflag:s18] =	ssyncadd.s32 $0xFFFFE700  }
0x590: {  	_ =	swait.ge [sflag:s18], $0x1900  }
0x591: {  	[sflag:s18] =	ssyncset.done $0x0  }
0x592: {  	[sflag:s18] =	ssyncadd.s32 $0xFFFFE700  }
0x593: {  	_ =	swait.ge [sflag:s18], $0x1900  }
0x594: {  	[sflag:s18] =	ssyncset.done $0x0  }
0x595: {  	s25 =	rddreg [dreg:$0x7];
	[sflag:s18] =	ssyncadd.s32 $0xFFFFE700  }
0x596: {  	[hbm4b:s25+s2] =	stream.linear.scatter [tilespmem:s28], [sflag:$0x4], $0xE000, $0x38;
	[tilespmem:$0x1DC00] =	vst v63  }
0x597: {  	_ =	swait.ge [sflag:s17], $0xE000  }
0x598: {  	s21 =	simm.s32 $0x2400;
	[sflag:s17] =	ssyncset.done $0x0  }
0x599: {  	s22 =	simm.s32 $0x2C00;
	s23 =	simm.s32 $0x3400;
	[sflag:s17] =	ssyncadd.s32 $0xFFFF2000  }
0x59a: {  	s24 =	simm.s32 $0x3C00;
	s30 =	simm.s32 $0x2000;
	_ =	swait.ge [sflag:s19], $0xE000  }
0x59b: {  	s29 =	simm.s32 $0x2800;
	s1 =	simm.s32 $0x3800;
	s0 =	rddreg [dreg:$0x9]  }
0x59c: {  	s3 =	simm.s32 $0x4000;
	s26 =	rddreg [dreg:$0x8];
	s0 =	sadd.s32 $0x1, s0  }
0x59d: {  	s6 =	simm.s32 $0x4800;
	s7 =	simm.s32 $0x5000;
	p0 =	sne.s32 s0, s26  }
.Ltmp1:
0x59e: {  	s8 =	simm.s32 $0x5400;
	s9 =	simm.s32 $0x5C00;
	(pc) =	sbr.rel @p0 .LBB2_1-.Ltmp1, $4  }
0x59f: {  	s11 =	simm.s32 $0x6400;
	s13 =	simm.s32 $0x6C00;
	s14 =	simm.s32 $0x7400  }
0x5a0: {  	s15 =	simm.s32 $0x7C00;
	s10 =	simm.s32 $0x8400;
	[sflag:s19] =	ssyncset.done $0x0  }
0x5a1: {  	s31 =	simm.s32 $0x6000;
	s25 =	simm.s32 $0x4400;
	[sflag:s19] =	ssyncadd.s32 $0xFFFF2000  }
0x5a2: {  	[dreg:$0x9] =	wrdreg s0;
	s26 =	simm.s32 $0x4C00;
	s0 =	simm.s32 $0x3000  }
0x5a3: {  	_ =	sfence.sel $0x180000  }
0x5a4: {  	[bflag:$0x0] =	sbarrier.arrive $0xFFFF  }
0x5a5: {  	_ =	strace $0x90000047  }
0x5a6: {  	s0 =	stileid.u32;
	[bflag:$0x2] =	sbarrier.arrive $0xFFFF  }
0x5a7: {  	p0 =	sne.s32 s0, $0x0;
	s0 =	rddreg [dreg:$0x3]  }
0x5a8: {  	s0 =	sadd.s32 @!p0 $0x100000, s0  }
0x5a9: {  	[sflag:s0] =	ssyncadd.tile.s32 @!p0 $0x1;
	_ =	shalt  }
.Lfunc_end2:
_tile_overlayer_lowered:
.L_overlay_start_2:
0x5aa: {  	(tag) =	ssettag $0x2  }
0x5ab: {  	s0 =	rddreg [dreg:$0x0];
	s2 =	stileid.u32  }
0x5ac: {  	s1 =	rddreg [dreg:$0x1];
	p0 =	sne.s32 s2, $0x0  }
0x5ad: {  	s3 =	rddreg [dreg:$0x2];
	[bflag:$0x3] =	sbarrier.arrive $0xFFFF;
	s2 =	simm.s32 @!p0 $0x1C05  }
0x5ae: {  	[timem:s3], [sflag:s2] =	dma.local @!p0 [hbm:s0], s1  }
0x5af: {  	s0 =	simm.s32 @!p0 $0x5  }
0x5b0: {  	_ =	swait.ge @!p0 [sflag:s0], s1  }
0x5b1: {  	s1 =	ssub.s32 @!p0 $0x0, s1;
	[sflag:s0] =	ssyncset.done @!p0 $0x0  }
0x5b2: {  	[sflag:s0] =	ssyncadd.s32 @!p0 s1  }
0x5b3: {  	[bflag:$0x3] =	sbarrier.arrive $0xFFFF  }
0x5b4: {  	_ =	shalt  }

</sc_bundles>
